<compile_context>
chip_gen: v7x
topology: tpu7x:2x2x1
jax: 0.10.2.dev20260603
libtpu: 0.0.44.dev20260713+nightly
codegen_flags: <defaults>
</compile_context>

<pallas_src>
import jax
import jax.numpy as jnp
from jax import lax
from jax.experimental import pallas as pl
from jax.experimental.pallas import tpu as pltpu
from jax.experimental.pallas import tpu_sc as plsc

N = 100000
D = 32
H = 16
E = 1600000

NC = 2
NS = 16

NP = 102400
RNG = NP // NS
ACC = RNG * H
ACCP = 102528
TRASH = ACC

CAPR = 12516
BN = 2048
GRID = NP // BN

_MESH = plsc.VectorSubcoreMesh(
    core_axis_name="c", subcore_axis_name="s", num_cores=NC, num_subcores=NS
)

_f32 = jnp.float32
_i32 = jnp.int32



def _lane_scalar(vref, lane):
    return vref[pl.ds(lane * 16, 16)][0]


def _deg_body(idx16, offs_h, zz, deg1, acc, idxc, offv):
    c = lax.axis_index("c")
    s = lax.axis_index("s")

    @pl.when(c == 0)
    def _():
        pltpu.sync_copy(zz, acc)
        pltpu.sync_copy(offs_h, offv)
        off = _lane_scalar(offv, s)
        cnt = _lane_scalar(offv, 16 + s)
        ones16 = jnp.full((16,), 1.0, _f32)

        def erow(k, _):
            row = off + k
            pltpu.sync_copy(idx16.at[pl.ds(row * 2048, 2048)], idxc)

            def edge(j, _):
                iv = idxc[pl.ds(j * 16, 16)]
                plsc.addupdate_scatter(acc, [iv], ones16)
                return 0

            lax.fori_loop(0, 128, edge, 0)
            return 0

        lax.fori_loop(0, cnt, erow, 0)
        pltpu.sync_copy(acc.at[pl.ds(0, ACC)], deg1.at[pl.ds(s * ACC, ACC)])


_deg_call = pl.kernel(
    _deg_body,
    out_type=jax.ShapeDtypeStruct((NP * H,), _f32),
    mesh=_MESH,
    scratch_types=[
        pltpu.VMEM((ACCP,), _f32),
        pltpu.VMEM((2048,), _i32),
        pltpu.VMEM((512,), _i32),
    ],
    compiler_params=pltpu.CompilerParams(needs_layout_passes=False),
)


def _agg_body(uwa, uwb, src1, idx16, offs_h, zz, ga1, gb1,
              acc, idxv, idxc, rows, offv, sem, semi):
    c = lax.axis_index("c")
    s = lax.axis_index("s")

    def run(u_hbm, g_hbm):
        pltpu.sync_copy(zz, acc)
        pltpu.sync_copy(offs_h, offv)
        off = _lane_scalar(offv, s)
        cnt = _lane_scalar(offv, 16 + s)

        def fetch(row, p):
            pltpu.async_copy(
                src1.at[pl.ds(row * 128, 128)], idxv.at[pl.ds(p * 128, 128)], semi
            )
            pltpu.async_copy(
                idx16.at[pl.ds(row * 2048, 2048)],
                idxc.at[pl.ds(p * 2048, 2048)], semi,
            )

        @pl.when(cnt > 0)
        def _():
            fetch(off, 0)

        def erow(k, _):
            p = k & 1
            row = off + k
            pltpu.make_async_copy(
                src1.at[pl.ds(row * 128, 128)], idxv.at[pl.ds(p * 128, 128)], semi
            ).wait()
            pltpu.make_async_copy(
                idx16.at[pl.ds(row * 2048, 2048)],
                idxc.at[pl.ds(p * 2048, 2048)], semi,
            ).wait()

            @pl.when(k + 1 < cnt)
            def _():
                fetch(row + 1, (k + 1) & 1)

            pltpu.async_copy(
                u_hbm.at[idxv.at[pl.ds(p * 128, 128)]], rows, sem
            ).wait()
            base = p * 2048

            def edge(j, _):
                v = rows[j, pl.ds(0, 16)]
                iv = idxc[pl.ds(base + j * 16, 16)]
                plsc.addupdate_scatter(acc, [iv], v)
                return 0

            lax.fori_loop(0, 128, edge, 0)
            return 0

        lax.fori_loop(0, cnt, erow, 0)
        pltpu.sync_copy(acc.at[pl.ds(0, ACC)], g_hbm.at[pl.ds(s * ACC, ACC)])

    @pl.when(c == 0)
    def _():
        run(uwa, ga1)

    @pl.when(c == 1)
    def _():
        run(uwb, gb1)


_agg_call = pl.kernel(
    _agg_body,
    out_type=(
        jax.ShapeDtypeStruct((NP * H,), _f32),
        jax.ShapeDtypeStruct((NP * H,), _f32),
    ),
    mesh=_MESH,
    scratch_types=[
        pltpu.VMEM((ACCP,), _f32),
        pltpu.VMEM((256,), _i32),
        pltpu.VMEM((4096,), _i32),
        pltpu.VMEM((128, 128), _f32),
        pltpu.VMEM((512,), _i32),
        pltpu.SemaphoreType.DMA,
        pltpu.SemaphoreType.DMA,
    ],
    compiler_params=pltpu.CompilerParams(needs_layout_passes=False),
)



def _dinv_col(deg_ref):
    return lax.rsqrt(deg_ref[...][:, :1] + 1.0)


def _widen(u):
    z = jnp.zeros((u.shape[0], 128 - H), _f32)
    return (
        jnp.concatenate([u[:, :H], z], axis=1),
        jnp.concatenate([u[:, H:], z], axis=1),
    )


def _tc_pre_body(x_ref, w_ref, deg_ref, oa_ref, ob_ref):
    dinv = _dinv_col(deg_ref)
    u = jnp.dot(x_ref[...], w_ref[...], preferred_element_type=_f32) * dinv
    oa_ref[...], ob_ref[...] = _widen(u)


def _tc_mid_body(ga_ref, gb_ref, ua_ref, ub_ref, deg_ref, w_ref, b_ref,
                 oa_ref, ob_ref):
    dinv = _dinv_col(deg_ref)
    gm = jnp.concatenate(
        [ga_ref[...] + ua_ref[...][:, :H], gb_ref[...] + ub_ref[...][:, :H]],
        axis=1,
    )
    h = jnp.maximum(gm * dinv + b_ref[...], 0.0)
    u = jnp.dot(h, w_ref[...], preferred_element_type=_f32) * dinv
    oa_ref[...], ob_ref[...] = _widen(u)


def _tc_fin_body(ga_ref, gb_ref, ua_ref, ub_ref, deg_ref, b_ref, wl_ref,
                 bl_ref, o_ref):
    dinv = _dinv_col(deg_ref)
    gm = jnp.concatenate(
        [ga_ref[...] + ua_ref[...][:, :H], gb_ref[...] + ub_ref[...][:, :H]],
        axis=1,
    )
    h = gm * dinv + b_ref[...]
    o_ref[...] = jnp.dot(h, wl_ref[...], preferred_element_type=_f32) + bl_ref[...]


_h_spec = pl.BlockSpec((BN, H), lambda i: (i, 0))
_w_spec = pl.BlockSpec((BN, 128), lambda i: (i, 0))
_full_spec = lambda shape: pl.BlockSpec(shape, lambda i: tuple(0 for _ in shape))
_w_out = [jax.ShapeDtypeStruct((NP, 128), _f32)] * 2

_tc_pre = pl.pallas_call(
    _tc_pre_body,
    grid=(GRID,),
    in_specs=[pl.BlockSpec((BN, D), lambda i: (i, 0)), _full_spec((D, D)), _h_spec],
    out_specs=[_w_spec] * 2,
    out_shape=_w_out,
)

_tc_mid = pl.pallas_call(
    _tc_mid_body,
    grid=(GRID,),
    in_specs=[_h_spec, _h_spec, _w_spec, _w_spec, _h_spec,
              _full_spec((D, D)), _full_spec((1, D))],
    out_specs=[_w_spec] * 2,
    out_shape=_w_out,
)

_tc_fin = pl.pallas_call(
    _tc_fin_body,
    grid=(GRID,),
    in_specs=[_h_spec, _h_spec, _w_spec, _w_spec, _h_spec,
              _full_spec((1, D)), _full_spec((D, 2)), _full_spec((1, 2))],
    out_specs=pl.BlockSpec((BN, 2), lambda i: (i, 0)),
    out_shape=jax.ShapeDtypeStruct((NP, 2), _f32),
)


def kernel(x, edge_index, W1, b1, W2, b2, W3, b3, Wl, bl):
    src = edge_index[0].astype(_i32)
    dst = edge_index[1].astype(_i32)

    order = jnp.argsort(dst)
    ss = src[order]
    ds_ = dst[order]
    bounds = jnp.searchsorted(ds_, (jnp.arange(17, dtype=_i32) * RNG)).astype(_i32)
    cnt = bounds[1:] - bounds[:-1]
    rows_t = (cnt + 127) // 128
    offr = jnp.concatenate([jnp.zeros((1,), _i32), jnp.cumsum(rows_t)[:-1]])
    b_e = ds_ // RNG
    pos = offr[b_e] * 128 + (jnp.arange(E, dtype=_i32) - bounds[b_e])
    src_p = jnp.zeros((CAPR * 128,), _i32).at[pos].set(ss)
    idx_p = jnp.full((CAPR * 128,), TRASH, _i32).at[pos].set((ds_ % RNG) * H)
    idx16 = (idx_p[:, None] + jnp.arange(H, dtype=_i32)[None, :]).reshape(-1)
    lanes = jnp.arange(16, dtype=_i32) * 16
    offs_h = (jnp.zeros((512,), _i32).at[lanes].set(offr)
              .at[256 + lanes].set(rows_t))
    zz = jnp.zeros((ACCP,), _f32)

    xp = jnp.concatenate([x, jnp.zeros((NP - N, D), x.dtype)], axis=0)

    deg = _deg_call(idx16, offs_h, zz).reshape(NP, H)

    uwa, uwb = _tc_pre(xp, W1, deg)
    ga1, gb1 = _agg_call(uwa, uwb, src_p, idx16, offs_h, zz)
    uwa, uwb = _tc_mid(ga1.reshape(NP, H), gb1.reshape(NP, H), uwa, uwb,
                       deg, W2, b1.reshape(1, D))
    ga1, gb1 = _agg_call(uwa, uwb, src_p, idx16, offs_h, zz)
    uwa, uwb = _tc_mid(ga1.reshape(NP, H), gb1.reshape(NP, H), uwa, uwb,
                       deg, W3, b2.reshape(1, D))
    ga1, gb1 = _agg_call(uwa, uwb, src_p, idx16, offs_h, zz)
    out = _tc_fin(ga1.reshape(NP, H), gb1.reshape(NP, H), uwa, uwb,
                  deg, b3.reshape(1, D), Wl, bl.reshape(1, 2))
    return out[:N]

# --- scband reference (transcript-rebuilt; emitter-appended) ---
"""Pipeline reference for scband-gcn-22273700397686 (READ-ONLY COPY).

The authoritative reference and input builder live on the scoring server;
editing this copy changes nothing except your own understanding.
"""

import jax, jax.numpy as jnp
import numpy as np

N = 100000
E = 1600000
D = 32
NUM_CLASSES = 2


def gcn_conv(x, src, dst, W, b, n):
    # PyG GCNConv: linear transform, symmetric normalization with self-loops, scatter-add aggregation, bias
    x = x @ W
    ones = jnp.ones(src.shape[0], dtype=x.dtype)
    deg = jnp.zeros(n, dtype=x.dtype).at[dst].add(ones)
    dinv = jnp.where(deg > 0, jax.lax.rsqrt(jnp.maximum(deg, 1e-12)), 0.0)
    norm = dinv[src] * dinv[dst]
    msgs = x[src] * norm[:, None]
    out = jax.ops.segment_sum(msgs, dst, num_segments=n)
    return out + b


def setup_inputs(seed: int = 0):
    key = jax.random.key(seed)
    ks = jax.random.split(key, 10)
    scale = 1.0 / np.sqrt(D)
    inp = {
        'x': jax.random.normal(ks[0], (N, D), dtype=jnp.float32),
        'edge_index': jax.random.randint(ks[1], (2, E), 0, N),
        'W1': jax.random.normal(ks[2], (D, D), dtype=jnp.float32) * scale,
        'b1': jnp.zeros((D,), dtype=jnp.float32),
        'W2': jax.random.normal(ks[3], (D, D), dtype=jnp.float32) * scale,
        'b2': jnp.zeros((D,), dtype=jnp.float32),
        'W3': jax.random.normal(ks[4], (D, D), dtype=jnp.float32) * scale,
        'b3': jnp.zeros((D,), dtype=jnp.float32),
        'Wl': jax.random.normal(ks[5], (D, NUM_CLASSES), dtype=jnp.float32) * scale,
        'bl': jnp.zeros((NUM_CLASSES,), dtype=jnp.float32),
    }
    return inp


def reference(x, edge_index, W1, b1, W2, b2, W3, b3, Wl, bl):
    n = x.shape[0]
    loops = jnp.arange(n, dtype=edge_index.dtype)
    src = jnp.concatenate([edge_index[0], loops])
    dst = jnp.concatenate([edge_index[1], loops])
    h = gcn_conv(x, src, dst, W1, b1, n)
    h = jax.nn.relu(h)
    h = gcn_conv(h, src, dst, W2, b2, n)
    h = jax.nn.relu(h)
    h = gcn_conv(h, src, dst, W3, b3, n)
    out = h @ Wl + bl
    return out

if __name__ == "__main__":
    import jax
    _d = setup_inputs()
    print(jax.jit(kernel)(*tuple(_d.values())))

</pallas_src>

<mosaic_0001>
#map = affine_map<(d0, d1) -> (0)>
module attributes {stable_mosaic.version = 14 : i64} {
  func.func @_deg_body(%arg0: i32, %arg1: i32, %arg2: memref<25632768xi32, #tpu.memory_space<hbm>>, %arg3: memref<512xi32, #tpu.memory_space<hbm>>, %arg4: memref<102528xf32, #tpu.memory_space<hbm>>, %arg5: memref<1638400xf32, #tpu.memory_space<hbm>>, %arg6: memref<102528xf32, #tpu.memory_space<vmem>>, %arg7: memref<2048xi32, #tpu.memory_space<vmem>>, %arg8: memref<512xi32, #tpu.memory_space<vmem>>) attributes {dimension_semantics = [#tpu.dimension_semantics<core_parallel>, #tpu.dimension_semantics<subcore_parallel>], iteration_bounds = array<i64: 2, 16>, scalar_prefetch = 0 : i64, scratch_operands = 3 : i64, tpu.core_type = #tpu.core_type<sc_vector_subcore>, window_params = [{transform_indices = #map}, {transform_indices = #map}, {transform_indices = #map}, {transform_indices = #map}]} {
    %eq3A = arith.constant 0 : i32
    %eq3A_0 = arith.cmpi eq, %arg0, %eq3A : i32
    %convert_element_type3A = arith.extui %eq3A_0 : i1 to i32
    %cond3A = arith.constant 0 : i32
    %cond3A_1 = arith.cmpi ne, %convert_element_type3A, %cond3A : i32
    scf.if %cond3A_1 {
      "tpu.region"() ({
        %run_scoped3A = tpu.sem_alloc : memref<!tpu.dma_semaphore, #tpu.memory_space<semaphore_mem>>
        tpu.enqueue_dma source(%arg4 : memref<102528xf32, #tpu.memory_space<hbm>>) target(%arg6 : memref<102528xf32, #tpu.memory_space<vmem>>) target_semaphore(%run_scoped3A : memref<!tpu.dma_semaphore, #tpu.memory_space<semaphore_mem>>)
        tpu.wait_dma2 semaphore(%run_scoped3A : memref<!tpu.dma_semaphore, #tpu.memory_space<semaphore_mem>>) src(%arg4 : memref<102528xf32, #tpu.memory_space<hbm>>) dst(%arg6 : memref<102528xf32, #tpu.memory_space<vmem>>)
        tpu.yield
      }) : () -> ()
      "tpu.region"() ({
        %run_scoped3A = tpu.sem_alloc : memref<!tpu.dma_semaphore, #tpu.memory_space<semaphore_mem>>
        tpu.enqueue_dma source(%arg3 : memref<512xi32, #tpu.memory_space<hbm>>) target(%arg8 : memref<512xi32, #tpu.memory_space<vmem>>) target_semaphore(%run_scoped3A : memref<!tpu.dma_semaphore, #tpu.memory_space<semaphore_mem>>)
        tpu.wait_dma2 semaphore(%run_scoped3A : memref<!tpu.dma_semaphore, #tpu.memory_space<semaphore_mem>>) src(%arg3 : memref<512xi32, #tpu.memory_space<hbm>>) dst(%arg8 : memref<512xi32, #tpu.memory_space<vmem>>)
        tpu.yield
      }) : () -> ()
      %mul3A = arith.constant 16 : i32
      %mul3A_2 = arith.muli %arg1, %mul3A : i32
      %get3A = arith.index_cast %mul3A_2 : i32 to index
      %get3A_3 = tpu.vector_load %arg8[%get3A] {strides = array<i32>} : memref<512xi32, #tpu.memory_space<vmem>>, vector<16xi32>,
      %slice3A = vector.extract_strided_slice %get3A_3 {offsets = [0], sizes = [1], strides = [1]} : vector<16xi32> to vector<1xi32>
      %squeeze3A = vector.extract %slice3A[0] : i32 from vector<1xi32>
      %add3A = arith.constant 16 : i32
      %add3A_4 = arith.addi %add3A, %arg1 : i32
      %mul3A_5 = arith.constant 16 : i32
      %mul3A_6 = arith.muli %add3A_4, %mul3A_5 : i32
      %get3A_7 = arith.index_cast %mul3A_6 : i32 to index
      %get3A_8 = tpu.vector_load %arg8[%get3A_7] {strides = array<i32>} : memref<512xi32, #tpu.memory_space<vmem>>, vector<16xi32>,
      %slice3A_9 = vector.extract_strided_slice %get3A_8 {offsets = [0], sizes = [1], strides = [1]} : vector<16xi32> to vector<1xi32>
      %squeeze3A_10 = vector.extract %slice3A_9[0] : i32 from vector<1xi32>
      %broadcast_in_dim3A = arith.constant 1.000000e+00 : f32
      %broadcast_in_dim3A_11 = vector.broadcast %broadcast_in_dim3A : f32 to vector<16xf32>
      %while3A = arith.constant 0 : i32
      %while3A_12 = arith.constant 0 : i32
      %while3A_13 = arith.subi %squeeze3A_10, %while3A : i32
      %while3A_14 = arith.addi %while3A, %while3A_13 : i32
      %while3A_15 = arith.constant 1 : i32
      %while3A_16 = arith.divsi %while3A_13, %while3A_15 : i32
      %while3A_17 = arith.muli %while3A_16, %while3A_15 : i32
      %while3A_18 = arith.addi %while3A, %while3A_17 : i32
      %while3A_19 = arith.constant 1 : i32
      %while3A_20 = scf.for %while3A_25 = %while3A to %while3A_18 step %while3A_19 iter_args(%while3A_26 = %while3A_12) -> (i32)  : i32 {
        %add3A_27 = arith.addi %squeeze3A, %while3A_25 : i32
        %mul3A_28 = arith.constant 2048 : i32
        %mul3A_29 = arith.muli %add3A_27, %mul3A_28 : i32
        "tpu.region"() ({
          %run_scoped3A = tpu.sem_alloc : memref<!tpu.dma_semaphore, #tpu.memory_space<semaphore_mem>>
          %dma_start3A = tpu.memref_slice %arg2[%mul3A_29] : memref<25632768xi32, #tpu.memory_space<hbm>> -> memref<2048xi32, #tpu.memory_space<hbm>>
          %dma_start3A_37 = tpu.memref_slice %arg2[%mul3A_29] : memref<25632768xi32, #tpu.memory_space<hbm>> -> memref<2048xi32, #tpu.memory_space<hbm>>
          tpu.enqueue_dma source(%dma_start3A_37 : memref<2048xi32, #tpu.memory_space<hbm>>) target(%arg7 : memref<2048xi32, #tpu.memory_space<vmem>>) target_semaphore(%run_scoped3A : memref<!tpu.dma_semaphore, #tpu.memory_space<semaphore_mem>>)
          %dma_wait3A = tpu.memref_slice %arg2[%mul3A_29] : memref<25632768xi32, #tpu.memory_space<hbm>> -> memref<2048xi32, #tpu.memory_space<hbm>>
          %dma_wait3A_38 = tpu.memref_slice %arg2[%mul3A_29] : memref<25632768xi32, #tpu.memory_space<hbm>> -> memref<2048xi32, #tpu.memory_space<hbm>>
          tpu.wait_dma2 semaphore(%run_scoped3A : memref<!tpu.dma_semaphore, #tpu.memory_space<semaphore_mem>>) src(%dma_wait3A_38 : memref<2048xi32, #tpu.memory_space<hbm>>) dst(%arg7 : memref<2048xi32, #tpu.memory_space<vmem>>)
          tpu.yield
        }) : () -> ()
        %scan3A = arith.constant 0 : i32
        %scan3A_30 = arith.constant 0 : i32
        %scan3A_31 = arith.constant 128 : i32
        %scan3A_32 = arith.addi %scan3A_30, %scan3A_31 : i32
        %scan3A_33 = arith.constant 1 : i32
        %scan3A_34 = scf.for %scan3A_37 = %scan3A_30 to %scan3A_32 step %scan3A_33 iter_args(%scan3A_38 = %scan3A) -> (i32)  : i32 {
          %mul3A_39 = arith.constant 16 : i32
          %mul3A_40 = arith.muli %scan3A_37, %mul3A_39 : i32
          %get3A_41 = arith.index_cast %mul3A_40 : i32 to index
          %get3A_42 = tpu.vector_load %arg7[%get3A_41] {strides = array<i32>} : memref<2048xi32, #tpu.memory_space<vmem>>, vector<16xi32>,
          tpu.vector_store_idx %arg6[%get3A_42], %broadcast_in_dim3A_11 {add = true} : memref<102528xf32, #tpu.memory_space<vmem>>[vector<16xi32>], vector<16xf32>,
          %scan3A_43 = arith.constant 0 : i32
          scf.yield %scan3A_43 : i32
        }
        %scan3A_35 = arith.constant 128 : i32
        %while3A_36 = arith.constant 0 : i32
        scf.yield %while3A_36 : i32
      }
      %while3A_21 = arith.constant 1 : i32
      %while3A_22 = scf.for %while3A_25 = %while3A_18 to %while3A_14 step %while3A_21 iter_args(%while3A_26 = %while3A_20) -> (i32)  : i32 {
        %add3A_27 = arith.addi %squeeze3A, %while3A_25 : i32
        %mul3A_28 = arith.constant 2048 : i32
        %mul3A_29 = arith.muli %add3A_27, %mul3A_28 : i32
        "tpu.region"() ({
          %run_scoped3A = tpu.sem_alloc : memref<!tpu.dma_semaphore, #tpu.memory_space<semaphore_mem>>
          %dma_start3A = tpu.memref_slice %arg2[%mul3A_29] : memref<25632768xi32, #tpu.memory_space<hbm>> -> memref<2048xi32, #tpu.memory_space<hbm>>
          %dma_start3A_37 = tpu.memref_slice %arg2[%mul3A_29] : memref<25632768xi32, #tpu.memory_space<hbm>> -> memref<2048xi32, #tpu.memory_space<hbm>>
          tpu.enqueue_dma source(%dma_start3A_37 : memref<2048xi32, #tpu.memory_space<hbm>>) target(%arg7 : memref<2048xi32, #tpu.memory_space<vmem>>) target_semaphore(%run_scoped3A : memref<!tpu.dma_semaphore, #tpu.memory_space<semaphore_mem>>)
          %dma_wait3A = tpu.memref_slice %arg2[%mul3A_29] : memref<25632768xi32, #tpu.memory_space<hbm>> -> memref<2048xi32, #tpu.memory_space<hbm>>
          %dma_wait3A_38 = tpu.memref_slice %arg2[%mul3A_29] : memref<25632768xi32, #tpu.memory_space<hbm>> -> memref<2048xi32, #tpu.memory_space<hbm>>
          tpu.wait_dma2 semaphore(%run_scoped3A : memref<!tpu.dma_semaphore, #tpu.memory_space<semaphore_mem>>) src(%dma_wait3A_38 : memref<2048xi32, #tpu.memory_space<hbm>>) dst(%arg7 : memref<2048xi32, #tpu.memory_space<vmem>>)
          tpu.yield
        }) : () -> ()
        %scan3A = arith.constant 0 : i32
        %scan3A_30 = arith.constant 0 : i32
        %scan3A_31 = arith.constant 128 : i32
        %scan3A_32 = arith.addi %scan3A_30, %scan3A_31 : i32
        %scan3A_33 = arith.constant 1 : i32
        %scan3A_34 = scf.for %scan3A_37 = %scan3A_30 to %scan3A_32 step %scan3A_33 iter_args(%scan3A_38 = %scan3A) -> (i32)  : i32 {
          %mul3A_39 = arith.constant 16 : i32
          %mul3A_40 = arith.muli %scan3A_37, %mul3A_39 : i32
          %get3A_41 = arith.index_cast %mul3A_40 : i32 to index
          %get3A_42 = tpu.vector_load %arg7[%get3A_41] {strides = array<i32>} : memref<2048xi32, #tpu.memory_space<vmem>>, vector<16xi32>,
          tpu.vector_store_idx %arg6[%get3A_42], %broadcast_in_dim3A_11 {add = true} : memref<102528xf32, #tpu.memory_space<vmem>>[vector<16xi32>], vector<16xf32>,
          %scan3A_43 = arith.constant 0 : i32
          scf.yield %scan3A_43 : i32
        }
        %scan3A_35 = arith.constant 128 : i32
        %while3A_36 = arith.constant 0 : i32
        scf.yield %while3A_36 : i32
      }
      %mul3A_23 = arith.constant 102400 : i32
      %mul3A_24 = arith.muli %arg1, %mul3A_23 : i32
      "tpu.region"() ({
        %run_scoped3A = tpu.sem_alloc : memref<!tpu.dma_semaphore, #tpu.memory_space<semaphore_mem>>
        %dma_start3A = arith.constant 0 : i32
        %dma_start3A_25 = tpu.memref_slice %arg6[%dma_start3A] : memref<102528xf32, #tpu.memory_space<vmem>> -> memref<102400xf32, #tpu.memory_space<vmem>>
        %dma_start3A_26 = tpu.memref_slice %arg5[%mul3A_24] : memref<1638400xf32, #tpu.memory_space<hbm>> -> memref<102400xf32, #tpu.memory_space<hbm>>
        %dma_start3A_27 = tpu.memref_slice %arg5[%mul3A_24] : memref<1638400xf32, #tpu.memory_space<hbm>> -> memref<102400xf32, #tpu.memory_space<hbm>>
        %dma_start3A_28 = arith.constant 0 : i32
        %dma_start3A_29 = tpu.memref_slice %arg6[%dma_start3A_28] : memref<102528xf32, #tpu.memory_space<vmem>> -> memref<102400xf32, #tpu.memory_space<vmem>>
        tpu.enqueue_dma source(%dma_start3A_29 : memref<102400xf32, #tpu.memory_space<vmem>>) target(%dma_start3A_27 : memref<102400xf32, #tpu.memory_space<hbm>>) target_semaphore(%run_scoped3A : memref<!tpu.dma_semaphore, #tpu.memory_space<semaphore_mem>>)
        %dma_wait3A = arith.constant 0 : i32
        %dma_wait3A_30 = tpu.memref_slice %arg6[%dma_wait3A] : memref<102528xf32, #tpu.memory_space<vmem>> -> memref<102400xf32, #tpu.memory_space<vmem>>
        %dma_wait3A_31 = tpu.memref_slice %arg5[%mul3A_24] : memref<1638400xf32, #tpu.memory_space<hbm>> -> memref<102400xf32, #tpu.memory_space<hbm>>
        %dma_wait3A_32 = tpu.memref_slice %arg5[%mul3A_24] : memref<1638400xf32, #tpu.memory_space<hbm>> -> memref<102400xf32, #tpu.memory_space<hbm>>
        %dma_wait3A_33 = arith.constant 0 : i32
        %dma_wait3A_34 = tpu.memref_slice %arg6[%dma_wait3A_33] : memref<102528xf32, #tpu.memory_space<vmem>> -> memref<102400xf32, #tpu.memory_space<vmem>>
        tpu.wait_dma2 semaphore(%run_scoped3A : memref<!tpu.dma_semaphore, #tpu.memory_space<semaphore_mem>>) src(%dma_wait3A_34 : memref<102400xf32, #tpu.memory_space<vmem>>) dst(%dma_wait3A_32 : memref<102400xf32, #tpu.memory_space<hbm>>)
        tpu.yield
      }) : () -> ()
    } else {
    }
    return
  }
}

#map = affine_map<(d0, d1) -> (0, 0)>
#map1 = affine_map<(d0, d1) -> (0)>
module attributes {stable_mosaic.version = 14 : i64} {
  func.func @_agg_body(%arg0: i32, %arg1: i32, %arg2: memref<102400x128xf32, #tpu.memory_space<hbm>>, %arg3: memref<102400x128xf32, #tpu.memory_space<hbm>>, %arg4: memref<1602048xi32, #tpu.memory_space<hbm>>, %arg5: memref<25632768xi32, #tpu.memory_space<hbm>>, %arg6: memref<512xi32, #tpu.memory_space<hbm>>, %arg7: memref<102528xf32, #tpu.memory_space<hbm>>, %arg8: memref<1638400xf32, #tpu.memory_space<hbm>>, %arg9: memref<1638400xf32, #tpu.memory_space<hbm>>, %arg10: memref<102528xf32, #tpu.memory_space<vmem>>, %arg11: memref<256xi32, #tpu.memory_space<vmem>>, %arg12: memref<4096xi32, #tpu.memory_space<vmem>>, %arg13: memref<128x128xf32, #tpu.memory_space<vmem>>, %arg14: memref<512xi32, #tpu.memory_space<vmem>>, %arg15: memref<!tpu.dma_semaphore, #tpu.memory_space<semaphore_mem>>, %arg16: memref<!tpu.dma_semaphore, #tpu.memory_space<semaphore_mem>>) attributes {dimension_semantics = [#tpu.dimension_semantics<core_parallel>, #tpu.dimension_semantics<subcore_parallel>], iteration_bounds = array<i64: 2, 16>, scalar_prefetch = 0 : i64, scratch_operands = 7 : i64, tpu.core_type = #tpu.core_type<sc_vector_subcore>, window_params = [{transform_indices = #map}, {transform_indices = #map}, {transform_indices = #map1}, {transform_indices = #map1}, {transform_indices = #map1}, {transform_indices = #map1}, {transform_indices = #map1}, {transform_indices = #map1}]} {
    %eq3A = arith.constant 0 : i32
    %eq3A_0 = arith.cmpi eq, %arg0, %eq3A : i32
    %convert_element_type3A = arith.extui %eq3A_0 : i1 to i32
    %cond3A = arith.constant 0 : i32
    %cond3A_1 = arith.cmpi ne, %convert_element_type3A, %cond3A : i32
    scf.if %cond3A_1 {
      "tpu.region"() ({
        %run_scoped3A = tpu.sem_alloc : memref<!tpu.dma_semaphore, #tpu.memory_space<semaphore_mem>>
        tpu.enqueue_dma source(%arg7 : memref<102528xf32, #tpu.memory_space<hbm>>) target(%arg10 : memref<102528xf32, #tpu.memory_space<vmem>>) target_semaphore(%run_scoped3A : memref<!tpu.dma_semaphore, #tpu.memory_space<semaphore_mem>>)
        tpu.wait_dma2 semaphore(%run_scoped3A : memref<!tpu.dma_semaphore, #tpu.memory_space<semaphore_mem>>) src(%arg7 : memref<102528xf32, #tpu.memory_space<hbm>>) dst(%arg10 : memref<102528xf32, #tpu.memory_space<vmem>>)
        tpu.yield
      }) : () -> ()
      "tpu.region"() ({
        %run_scoped3A = tpu.sem_alloc : memref<!tpu.dma_semaphore, #tpu.memory_space<semaphore_mem>>
        tpu.enqueue_dma source(%arg6 : memref<512xi32, #tpu.memory_space<hbm>>) target(%arg14 : memref<512xi32, #tpu.memory_space<vmem>>) target_semaphore(%run_scoped3A : memref<!tpu.dma_semaphore, #tpu.memory_space<semaphore_mem>>)
        tpu.wait_dma2 semaphore(%run_scoped3A : memref<!tpu.dma_semaphore, #tpu.memory_space<semaphore_mem>>) src(%arg6 : memref<512xi32, #tpu.memory_space<hbm>>) dst(%arg14 : memref<512xi32, #tpu.memory_space<vmem>>)
        tpu.yield
      }) : () -> ()
      %mul3A = arith.constant 16 : i32
      %mul3A_7 = arith.muli %arg1, %mul3A : i32
      %get3A = arith.index_cast %mul3A_7 : i32 to index
      %get3A_8 = tpu.vector_load %arg14[%get3A] {strides = array<i32>} : memref<512xi32, #tpu.memory_space<vmem>>, vector<16xi32>,
      %slice3A = vector.extract_strided_slice %get3A_8 {offsets = [0], sizes = [1], strides = [1]} : vector<16xi32> to vector<1xi32>
      %squeeze3A = vector.extract %slice3A[0] : i32 from vector<1xi32>
      %add3A = arith.constant 16 : i32
      %add3A_9 = arith.addi %add3A, %arg1 : i32
      %mul3A_10 = arith.constant 16 : i32
      %mul3A_11 = arith.muli %add3A_9, %mul3A_10 : i32
      %get3A_12 = arith.index_cast %mul3A_11 : i32 to index
      %get3A_13 = tpu.vector_load %arg14[%get3A_12] {strides = array<i32>} : memref<512xi32, #tpu.memory_space<vmem>>, vector<16xi32>,
      %slice3A_14 = vector.extract_strided_slice %get3A_13 {offsets = [0], sizes = [1], strides = [1]} : vector<16xi32> to vector<1xi32>
      %squeeze3A_15 = vector.extract %slice3A_14[0] : i32 from vector<1xi32>
      %gt3A = arith.constant 0 : i32
      %gt3A_16 = arith.cmpi sgt, %squeeze3A_15, %gt3A : i32
      %convert_element_type3A_17 = arith.extui %gt3A_16 : i1 to i32
      %cond3A_18 = arith.constant 0 : i32
      %cond3A_19 = arith.cmpi ne, %convert_element_type3A_17, %cond3A_18 : i32
      scf.if %cond3A_19 {
        %mul3A_33 = arith.constant 128 : i32
        %mul3A_34 = arith.muli %squeeze3A, %mul3A_33 : i32
        %dma_start3A = arith.constant 0 : i32
        %dma_start3A_35 = tpu.memref_slice %arg11[%dma_start3A] : memref<256xi32, #tpu.memory_space<vmem>> -> memref<128xi32, #tpu.memory_space<vmem>>
        %dma_start3A_36 = tpu.memref_slice %arg4[%mul3A_34] : memref<1602048xi32, #tpu.memory_space<hbm>> -> memref<128xi32, #tpu.memory_space<hbm>>
        %dma_start3A_37 = arith.constant 0 : i32
        %dma_start3A_38 = tpu.memref_slice %arg11[%dma_start3A_37] : memref<256xi32, #tpu.memory_space<vmem>> -> memref<128xi32, #tpu.memory_space<vmem>>
        %dma_start3A_39 = tpu.memref_slice %arg4[%mul3A_34] : memref<1602048xi32, #tpu.memory_space<hbm>> -> memref<128xi32, #tpu.memory_space<hbm>>
        tpu.enqueue_dma source(%dma_start3A_39 : memref<128xi32, #tpu.memory_space<hbm>>) target(%dma_start3A_38 : memref<128xi32, #tpu.memory_space<vmem>>) target_semaphore(%arg16 : memref<!tpu.dma_semaphore, #tpu.memory_space<semaphore_mem>>)
        %mul3A_40 = arith.constant 2048 : i32
        %mul3A_41 = arith.muli %squeeze3A, %mul3A_40 : i32
        %dma_start3A_42 = arith.constant 0 : i32
        %dma_start3A_43 = tpu.memref_slice %arg12[%dma_start3A_42] : memref<4096xi32, #tpu.memory_space<vmem>> -> memref<2048xi32, #tpu.memory_space<vmem>>
        %dma_start3A_44 = tpu.memref_slice %arg5[%mul3A_41] : memref<25632768xi32, #tpu.memory_space<hbm>> -> memref<2048xi32, #tpu.memory_space<hbm>>
        %dma_start3A_45 = arith.constant 0 : i32
        %dma_start3A_46 = tpu.memref_slice %arg12[%dma_start3A_45] : memref<4096xi32, #tpu.memory_space<vmem>> -> memref<2048xi32, #tpu.memory_space<vmem>>
        %dma_start3A_47 = tpu.memref_slice %arg5[%mul3A_41] : memref<25632768xi32, #tpu.memory_space<hbm>> -> memref<2048xi32, #tpu.memory_space<hbm>>
        tpu.enqueue_dma source(%dma_start3A_47 : memref<2048xi32, #tpu.memory_space<hbm>>) target(%dma_start3A_46 : memref<2048xi32, #tpu.memory_space<vmem>>) target_semaphore(%arg16 : memref<!tpu.dma_semaphore, #tpu.memory_space<semaphore_mem>>)
      } else {
      }
      %while3A = arith.constant 0 : i32
      %while3A_20 = arith.constant 0 : i32
      %while3A_21 = arith.subi %squeeze3A_15, %while3A : i32
      %while3A_22 = arith.addi %while3A, %while3A_21 : i32
      %while3A_23 = arith.constant 1 : i32
      %while3A_24 = arith.divsi %while3A_21, %while3A_23 : i32
      %while3A_25 = arith.muli %while3A_24, %while3A_23 : i32
      %while3A_26 = arith.addi %while3A, %while3A_25 : i32
      %while3A_27 = arith.constant 1 : i32
      %while3A_28 = scf.for %while3A_33 = %while3A to %while3A_26 step %while3A_27 iter_args(%while3A_34 = %while3A_20) -> (i32)  : i32 {
        %and3A = arith.constant 1 : i32
        %and3A_35 = arith.andi %while3A_33, %and3A : i32
        %add3A_36 = arith.addi %squeeze3A, %while3A_33 : i32
        %mul3A_37 = arith.constant 128 : i32
        %mul3A_38 = arith.muli %add3A_36, %mul3A_37 : i32
        %mul3A_39 = arith.constant 128 : i32
        %mul3A_40 = arith.muli %and3A_35, %mul3A_39 : i32
        %dma_wait3A = tpu.memref_slice %arg11[%mul3A_40] : memref<256xi32, #tpu.memory_space<vmem>> -> memref<128xi32, #tpu.memory_space<vmem>>
        %dma_wait3A_41 = tpu.memref_slice %arg4[%mul3A_38] : memref<1602048xi32, #tpu.memory_space<hbm>> -> memref<128xi32, #tpu.memory_space<hbm>>
        %dma_wait3A_42 = tpu.memref_slice %arg11[%mul3A_40] : memref<256xi32, #tpu.memory_space<vmem>> -> memref<128xi32, #tpu.memory_space<vmem>>
        %dma_wait3A_43 = tpu.memref_slice %arg4[%mul3A_38] : memref<1602048xi32, #tpu.memory_space<hbm>> -> memref<128xi32, #tpu.memory_space<hbm>>
        tpu.wait_dma2 semaphore(%arg16 : memref<!tpu.dma_semaphore, #tpu.memory_space<semaphore_mem>>) src(%dma_wait3A_43 : memref<128xi32, #tpu.memory_space<hbm>>) dst(%dma_wait3A_42 : memref<128xi32, #tpu.memory_space<vmem>>)
        %mul3A_44 = arith.constant 2048 : i32
        %mul3A_45 = arith.muli %add3A_36, %mul3A_44 : i32
        %mul3A_46 = arith.constant 2048 : i32
        %mul3A_47 = arith.muli %and3A_35, %mul3A_46 : i32
        %dma_wait3A_48 = tpu.memref_slice %arg12[%mul3A_47] : memref<4096xi32, #tpu.memory_space<vmem>> -> memref<2048xi32, #tpu.memory_space<vmem>>
        %dma_wait3A_49 = tpu.memref_slice %arg5[%mul3A_45] : memref<25632768xi32, #tpu.memory_space<hbm>> -> memref<2048xi32, #tpu.memory_space<hbm>>
        %dma_wait3A_50 = tpu.memref_slice %arg12[%mul3A_47] : memref<4096xi32, #tpu.memory_space<vmem>> -> memref<2048xi32, #tpu.memory_space<vmem>>
        %dma_wait3A_51 = tpu.memref_slice %arg5[%mul3A_45] : memref<25632768xi32, #tpu.memory_space<hbm>> -> memref<2048xi32, #tpu.memory_space<hbm>>
        tpu.wait_dma2 semaphore(%arg16 : memref<!tpu.dma_semaphore, #tpu.memory_space<semaphore_mem>>) src(%dma_wait3A_51 : memref<2048xi32, #tpu.memory_space<hbm>>) dst(%dma_wait3A_50 : memref<2048xi32, #tpu.memory_space<vmem>>)
        %add3A_52 = arith.constant 1 : i32
        %add3A_53 = arith.addi %while3A_33, %add3A_52 : i32
        %lt3A = arith.cmpi slt, %add3A_53, %squeeze3A_15 : i32
        %convert_element_type3A_54 = arith.extui %lt3A : i1 to i32
        %cond3A_55 = arith.constant 0 : i32
        %cond3A_56 = arith.cmpi ne, %convert_element_type3A_54, %cond3A_55 : i32
        scf.if %cond3A_56 {
          %add3A_75 = arith.constant 1 : i32
          %add3A_76 = arith.addi %add3A_36, %add3A_75 : i32
          %add3A_77 = arith.constant 1 : i32
          %add3A_78 = arith.addi %while3A_33, %add3A_77 : i32
          %and3A_79 = arith.constant 1 : i32
          %and3A_80 = arith.andi %add3A_78, %and3A_79 : i32
          %mul3A_81 = arith.constant 128 : i32
          %mul3A_82 = arith.muli %add3A_76, %mul3A_81 : i32
          %mul3A_83 = arith.constant 128 : i32
          %mul3A_84 = arith.muli %and3A_80, %mul3A_83 : i32
          %dma_start3A_85 = tpu.memref_slice %arg11[%mul3A_84] : memref<256xi32, #tpu.memory_space<vmem>> -> memref<128xi32, #tpu.memory_space<vmem>>
          %dma_start3A_86 = tpu.memref_slice %arg4[%mul3A_82] : memref<1602048xi32, #tpu.memory_space<hbm>> -> memref<128xi32, #tpu.memory_space<hbm>>
          %dma_start3A_87 = tpu.memref_slice %arg11[%mul3A_84] : memref<256xi32, #tpu.memory_space<vmem>> -> memref<128xi32, #tpu.memory_space<vmem>>
          %dma_start3A_88 = tpu.memref_slice %arg4[%mul3A_82] : memref<1602048xi32, #tpu.memory_space<hbm>> -> memref<128xi32, #tpu.memory_space<hbm>>
          tpu.enqueue_dma source(%dma_start3A_88 : memref<128xi32, #tpu.memory_space<hbm>>) target(%dma_start3A_87 : memref<128xi32, #tpu.memory_space<vmem>>) target_semaphore(%arg16 : memref<!tpu.dma_semaphore, #tpu.memory_space<semaphore_mem>>)
          %mul3A_89 = arith.constant 2048 : i32
          %mul3A_90 = arith.muli %add3A_76, %mul3A_89 : i32
          %mul3A_91 = arith.constant 2048 : i32
          %mul3A_92 = arith.muli %and3A_80, %mul3A_91 : i32
          %dma_start3A_93 = tpu.memref_slice %arg12[%mul3A_92] : memref<4096xi32, #tpu.memory_space<vmem>> -> memref<2048xi32, #tpu.memory_space<vmem>>
          %dma_start3A_94 = tpu.memref_slice %arg5[%mul3A_90] : memref<25632768xi32, #tpu.memory_space<hbm>> -> memref<2048xi32, #tpu.memory_space<hbm>>
          %dma_start3A_95 = tpu.memref_slice %arg12[%mul3A_92] : memref<4096xi32, #tpu.memory_space<vmem>> -> memref<2048xi32, #tpu.memory_space<vmem>>
          %dma_start3A_96 = tpu.memref_slice %arg5[%mul3A_90] : memref<25632768xi32, #tpu.memory_space<hbm>> -> memref<2048xi32, #tpu.memory_space<hbm>>
          tpu.enqueue_dma source(%dma_start3A_96 : memref<2048xi32, #tpu.memory_space<hbm>>) target(%dma_start3A_95 : memref<2048xi32, #tpu.memory_space<vmem>>) target_semaphore(%arg16 : memref<!tpu.dma_semaphore, #tpu.memory_space<semaphore_mem>>)
        } else {
        }
        %mul3A_57 = arith.constant 128 : i32
        %mul3A_58 = arith.muli %and3A_35, %mul3A_57 : i32
        %dma_start3A = tpu.memref_slice %arg11[%mul3A_58] : memref<256xi32, #tpu.memory_space<vmem>> -> memref<128xi32, #tpu.memory_space<vmem>>
        %dma_start3A_59 = arith.constant 0 : i32
        %dma_start3A_60 = arith.constant 0 : i32
        %dma_start3A_61 = tpu.memref_slice %arg2[%dma_start3A_59, %dma_start3A_60] : memref<102400x128xf32, #tpu.memory_space<hbm>> -> memref<102400x128xf32, #tpu.memory_space<hbm>>
        tpu.enqueue_indirect_dma source(%dma_start3A_61 : memref<102400x128xf32, #tpu.memory_space<hbm>>) target(%arg13 : memref<128x128xf32, #tpu.memory_space<vmem>>) offsets(%dma_start3A : memref<128xi32, #tpu.memory_space<vmem>>) semaphore(%arg15 : memref<!tpu.dma_semaphore, #tpu.memory_space<semaphore_mem>>)
        %dma_wait3A_62 = tpu.memref_slice %arg11[%mul3A_58] : memref<256xi32, #tpu.memory_space<vmem>> -> memref<128xi32, #tpu.memory_space<vmem>>
        %dma_wait3A_63 = arith.constant 0 : i32
        %dma_wait3A_64 = arith.constant 0 : i32
        %dma_wait3A_65 = tpu.memref_slice %arg2[%dma_wait3A_63, %dma_wait3A_64] : memref<102400x128xf32, #tpu.memory_space<hbm>> -> memref<102400x128xf32, #tpu.memory_space<hbm>>
        tpu.wait_indirect_dma semaphore(%arg15 : memref<!tpu.dma_semaphore, #tpu.memory_space<semaphore_mem>>) src(%dma_wait3A_65 : memref<102400x128xf32, #tpu.memory_space<hbm>>) dst(%arg13 : memref<128x128xf32, #tpu.memory_space<vmem>>)
        %mul3A_66 = arith.constant 2048 : i32
        %mul3A_67 = arith.muli %and3A_35, %mul3A_66 : i32
        %scan3A = arith.constant 0 : i32
        %scan3A_68 = arith.constant 0 : i32
        %scan3A_69 = arith.constant 128 : i32
        %scan3A_70 = arith.addi %scan3A_68, %scan3A_69 : i32
        %scan3A_71 = arith.constant 1 : i32
        %scan3A_72 = scf.for %scan3A_75 = %scan3A_68 to %scan3A_70 step %scan3A_71 iter_args(%scan3A_76 = %scan3A) -> (i32)  : i32 {
          %get3A_77 = arith.index_cast %scan3A_75 : i32 to index
          %get3A_78 = arith.constant 0 : index
          %get3A_79 = tpu.vector_load %arg13[%get3A_77, %get3A_78] {strides = array<i32>} : memref<128x128xf32, #tpu.memory_space<vmem>>, vector<16xf32>,
          %mul3A_80 = arith.constant 16 : i32
          %mul3A_81 = arith.muli %scan3A_75, %mul3A_80 : i32
          %add3A_82 = arith.addi %mul3A_67, %mul3A_81 : i32
          %get3A_83 = arith.index_cast %add3A_82 : i32 to index
          %get3A_84 = tpu.vector_load %arg12[%get3A_83] {strides = array<i32>} : memref<4096xi32, #tpu.memory_space<vmem>>, vector<16xi32>,
          tpu.vector_store_idx %arg10[%get3A_84], %get3A_79 {add = true} : memref<102528xf32, #tpu.memory_space<vmem>>[vector<16xi32>], vector<16xf32>,
          %scan3A_85 = arith.constant 0 : i32
          scf.yield %scan3A_85 : i32
        }
        %scan3A_73 = arith.constant 128 : i32
        %while3A_74 = arith.constant 0 : i32
        scf.yield %while3A_74 : i32
      }
      %while3A_29 = arith.constant 1 : i32
      %while3A_30 = scf.for %while3A_33 = %while3A_26 to %while3A_22 step %while3A_29 iter_args(%while3A_34 = %while3A_28) -> (i32)  : i32 {
        %and3A = arith.constant 1 : i32
        %and3A_35 = arith.andi %while3A_33, %and3A : i32
        %add3A_36 = arith.addi %squeeze3A, %while3A_33 : i32
        %mul3A_37 = arith.constant 128 : i32
        %mul3A_38 = arith.muli %add3A_36, %mul3A_37 : i32
        %mul3A_39 = arith.constant 128 : i32
        %mul3A_40 = arith.muli %and3A_35, %mul3A_39 : i32
        %dma_wait3A = tpu.memref_slice %arg11[%mul3A_40] : memref<256xi32, #tpu.memory_space<vmem>> -> memref<128xi32, #tpu.memory_space<vmem>>
        %dma_wait3A_41 = tpu.memref_slice %arg4[%mul3A_38] : memref<1602048xi32, #tpu.memory_space<hbm>> -> memref<128xi32, #tpu.memory_space<hbm>>
        %dma_wait3A_42 = tpu.memref_slice %arg11[%mul3A_40] : memref<256xi32, #tpu.memory_space<vmem>> -> memref<128xi32, #tpu.memory_space<vmem>>
        %dma_wait3A_43 = tpu.memref_slice %arg4[%mul3A_38] : memref<1602048xi32, #tpu.memory_space<hbm>> -> memref<128xi32, #tpu.memory_space<hbm>>
        tpu.wait_dma2 semaphore(%arg16 : memref<!tpu.dma_semaphore, #tpu.memory_space<semaphore_mem>>) src(%dma_wait3A_43 : memref<128xi32, #tpu.memory_space<hbm>>) dst(%dma_wait3A_42 : memref<128xi32, #tpu.memory_space<vmem>>)
        %mul3A_44 = arith.constant 2048 : i32
        %mul3A_45 = arith.muli %add3A_36, %mul3A_44 : i32
        %mul3A_46 = arith.constant 2048 : i32
        %mul3A_47 = arith.muli %and3A_35, %mul3A_46 : i32
        %dma_wait3A_48 = tpu.memref_slice %arg12[%mul3A_47] : memref<4096xi32, #tpu.memory_space<vmem>> -> memref<2048xi32, #tpu.memory_space<vmem>>
        %dma_wait3A_49 = tpu.memref_slice %arg5[%mul3A_45] : memref<25632768xi32, #tpu.memory_space<hbm>> -> memref<2048xi32, #tpu.memory_space<hbm>>
        %dma_wait3A_50 = tpu.memref_slice %arg12[%mul3A_47] : memref<4096xi32, #tpu.memory_space<vmem>> -> memref<2048xi32, #tpu.memory_space<vmem>>
        %dma_wait3A_51 = tpu.memref_slice %arg5[%mul3A_45] : memref<25632768xi32, #tpu.memory_space<hbm>> -> memref<2048xi32, #tpu.memory_space<hbm>>
        tpu.wait_dma2 semaphore(%arg16 : memref<!tpu.dma_semaphore, #tpu.memory_space<semaphore_mem>>) src(%dma_wait3A_51 : memref<2048xi32, #tpu.memory_space<hbm>>) dst(%dma_wait3A_50 : memref<2048xi32, #tpu.memory_space<vmem>>)
        %add3A_52 = arith.constant 1 : i32
        %add3A_53 = arith.addi %while3A_33, %add3A_52 : i32
        %lt3A = arith.cmpi slt, %add3A_53, %squeeze3A_15 : i32
        %convert_element_type3A_54 = arith.extui %lt3A : i1 to i32
        %cond3A_55 = arith.constant 0 : i32
        %cond3A_56 = arith.cmpi ne, %convert_element_type3A_54, %cond3A_55 : i32
        scf.if %cond3A_56 {
          %add3A_75 = arith.constant 1 : i32
          %add3A_76 = arith.addi %add3A_36, %add3A_75 : i32
          %add3A_77 = arith.constant 1 : i32
          %add3A_78 = arith.addi %while3A_33, %add3A_77 : i32
          %and3A_79 = arith.constant 1 : i32
          %and3A_80 = arith.andi %add3A_78, %and3A_79 : i32
          %mul3A_81 = arith.constant 128 : i32
          %mul3A_82 = arith.muli %add3A_76, %mul3A_81 : i32
          %mul3A_83 = arith.constant 128 : i32
          %mul3A_84 = arith.muli %and3A_80, %mul3A_83 : i32
          %dma_start3A_85 = tpu.memref_slice %arg11[%mul3A_84] : memref<256xi32, #tpu.memory_space<vmem>> -> memref<128xi32, #tpu.memory_space<vmem>>
          %dma_start3A_86 = tpu.memref_slice %arg4[%mul3A_82] : memref<1602048xi32, #tpu.memory_space<hbm>> -> memref<128xi32, #tpu.memory_space<hbm>>
          %dma_start3A_87 = tpu.memref_slice %arg11[%mul3A_84] : memref<256xi32, #tpu.memory_space<vmem>> -> memref<128xi32, #tpu.memory_space<vmem>>
          %dma_start3A_88 = tpu.memref_slice %arg4[%mul3A_82] : memref<1602048xi32, #tpu.memory_space<hbm>> -> memref<128xi32, #tpu.memory_space<hbm>>
          tpu.enqueue_dma source(%dma_start3A_88 : memref<128xi32, #tpu.memory_space<hbm>>) target(%dma_start3A_87 : memref<128xi32, #tpu.memory_space<vmem>>) target_semaphore(%arg16 : memref<!tpu.dma_semaphore, #tpu.memory_space<semaphore_mem>>)
          %mul3A_89 = arith.constant 2048 : i32
          %mul3A_90 = arith.muli %add3A_76, %mul3A_89 : i32
          %mul3A_91 = arith.constant 2048 : i32
          %mul3A_92 = arith.muli %and3A_80, %mul3A_91 : i32
          %dma_start3A_93 = tpu.memref_slice %arg12[%mul3A_92] : memref<4096xi32, #tpu.memory_space<vmem>> -> memref<2048xi32, #tpu.memory_space<vmem>>
          %dma_start3A_94 = tpu.memref_slice %arg5[%mul3A_90] : memref<25632768xi32, #tpu.memory_space<hbm>> -> memref<2048xi32, #tpu.memory_space<hbm>>
          %dma_start3A_95 = tpu.memref_slice %arg12[%mul3A_92] : memref<4096xi32, #tpu.memory_space<vmem>> -> memref<2048xi32, #tpu.memory_space<vmem>>
          %dma_start3A_96 = tpu.memref_slice %arg5[%mul3A_90] : memref<25632768xi32, #tpu.memory_space<hbm>> -> memref<2048xi32, #tpu.memory_space<hbm>>
          tpu.enqueue_dma source(%dma_start3A_96 : memref<2048xi32, #tpu.memory_space<hbm>>) target(%dma_start3A_95 : memref<2048xi32, #tpu.memory_space<vmem>>) target_semaphore(%arg16 : memref<!tpu.dma_semaphore, #tpu.memory_space<semaphore_mem>>)
        } else {
        }
        %mul3A_57 = arith.constant 128 : i32
        %mul3A_58 = arith.muli %and3A_35, %mul3A_57 : i32
        %dma_start3A = tpu.memref_slice %arg11[%mul3A_58] : memref<256xi32, #tpu.memory_space<vmem>> -> memref<128xi32, #tpu.memory_space<vmem>>
        %dma_start3A_59 = arith.constant 0 : i32
        %dma_start3A_60 = arith.constant 0 : i32
        %dma_start3A_61 = tpu.memref_slice %arg2[%dma_start3A_59, %dma_start3A_60] : memref<102400x128xf32, #tpu.memory_space<hbm>> -> memref<102400x128xf32, #tpu.memory_space<hbm>>
        tpu.enqueue_indirect_dma source(%dma_start3A_61 : memref<102400x128xf32, #tpu.memory_space<hbm>>) target(%arg13 : memref<128x128xf32, #tpu.memory_space<vmem>>) offsets(%dma_start3A : memref<128xi32, #tpu.memory_space<vmem>>) semaphore(%arg15 : memref<!tpu.dma_semaphore, #tpu.memory_space<semaphore_mem>>)
        %dma_wait3A_62 = tpu.memref_slice %arg11[%mul3A_58] : memref<256xi32, #tpu.memory_space<vmem>> -> memref<128xi32, #tpu.memory_space<vmem>>
        %dma_wait3A_63 = arith.constant 0 : i32
        %dma_wait3A_64 = arith.constant 0 : i32
        %dma_wait3A_65 = tpu.memref_slice %arg2[%dma_wait3A_63, %dma_wait3A_64] : memref<102400x128xf32, #tpu.memory_space<hbm>> -> memref<102400x128xf32, #tpu.memory_space<hbm>>
        tpu.wait_indirect_dma semaphore(%arg15 : memref<!tpu.dma_semaphore, #tpu.memory_space<semaphore_mem>>) src(%dma_wait3A_65 : memref<102400x128xf32, #tpu.memory_space<hbm>>) dst(%arg13 : memref<128x128xf32, #tpu.memory_space<vmem>>)
        %mul3A_66 = arith.constant 2048 : i32
        %mul3A_67 = arith.muli %and3A_35, %mul3A_66 : i32
        %scan3A = arith.constant 0 : i32
        %scan3A_68 = arith.constant 0 : i32
        %scan3A_69 = arith.constant 128 : i32
        %scan3A_70 = arith.addi %scan3A_68, %scan3A_69 : i32
        %scan3A_71 = arith.constant 1 : i32
        %scan3A_72 = scf.for %scan3A_75 = %scan3A_68 to %scan3A_70 step %scan3A_71 iter_args(%scan3A_76 = %scan3A) -> (i32)  : i32 {
          %get3A_77 = arith.index_cast %scan3A_75 : i32 to index
          %get3A_78 = arith.constant 0 : index
          %get3A_79 = tpu.vector_load %arg13[%get3A_77, %get3A_78] {strides = array<i32>} : memref<128x128xf32, #tpu.memory_space<vmem>>, vector<16xf32>,
          %mul3A_80 = arith.constant 16 : i32
          %mul3A_81 = arith.muli %scan3A_75, %mul3A_80 : i32
          %add3A_82 = arith.addi %mul3A_67, %mul3A_81 : i32
          %get3A_83 = arith.index_cast %add3A_82 : i32 to index
          %get3A_84 = tpu.vector_load %arg12[%get3A_83] {strides = array<i32>} : memref<4096xi32, #tpu.memory_space<vmem>>, vector<16xi32>,
          tpu.vector_store_idx %arg10[%get3A_84], %get3A_79 {add = true} : memref<102528xf32, #tpu.memory_space<vmem>>[vector<16xi32>], vector<16xf32>,
          %scan3A_85 = arith.constant 0 : i32
          scf.yield %scan3A_85 : i32
        }
        %scan3A_73 = arith.constant 128 : i32
        %while3A_74 = arith.constant 0 : i32
        scf.yield %while3A_74 : i32
      }
      %mul3A_31 = arith.constant 102400 : i32
      %mul3A_32 = arith.muli %arg1, %mul3A_31 : i32
      "tpu.region"() ({
        %run_scoped3A = tpu.sem_alloc : memref<!tpu.dma_semaphore, #tpu.memory_space<semaphore_mem>>
        %dma_start3A = arith.constant 0 : i32
        %dma_start3A_33 = tpu.memref_slice %arg10[%dma_start3A] : memref<102528xf32, #tpu.memory_space<vmem>> -> memref<102400xf32, #tpu.memory_space<vmem>>
        %dma_start3A_34 = tpu.memref_slice %arg8[%mul3A_32] : memref<1638400xf32, #tpu.memory_space<hbm>> -> memref<102400xf32, #tpu.memory_space<hbm>>
        %dma_start3A_35 = tpu.memref_slice %arg8[%mul3A_32] : memref<1638400xf32, #tpu.memory_space<hbm>> -> memref<102400xf32, #tpu.memory_space<hbm>>
        %dma_start3A_36 = arith.constant 0 : i32
        %dma_start3A_37 = tpu.memref_slice %arg10[%dma_start3A_36] : memref<102528xf32, #tpu.memory_space<vmem>> -> memref<102400xf32, #tpu.memory_space<vmem>>
        tpu.enqueue_dma source(%dma_start3A_37 : memref<102400xf32, #tpu.memory_space<vmem>>) target(%dma_start3A_35 : memref<102400xf32, #tpu.memory_space<hbm>>) target_semaphore(%run_scoped3A : memref<!tpu.dma_semaphore, #tpu.memory_space<semaphore_mem>>)
        %dma_wait3A = arith.constant 0 : i32
        %dma_wait3A_38 = tpu.memref_slice %arg10[%dma_wait3A] : memref<102528xf32, #tpu.memory_space<vmem>> -> memref<102400xf32, #tpu.memory_space<vmem>>
        %dma_wait3A_39 = tpu.memref_slice %arg8[%mul3A_32] : memref<1638400xf32, #tpu.memory_space<hbm>> -> memref<102400xf32, #tpu.memory_space<hbm>>
        %dma_wait3A_40 = tpu.memref_slice %arg8[%mul3A_32] : memref<1638400xf32, #tpu.memory_space<hbm>> -> memref<102400xf32, #tpu.memory_space<hbm>>
        %dma_wait3A_41 = arith.constant 0 : i32
        %dma_wait3A_42 = tpu.memref_slice %arg10[%dma_wait3A_41] : memref<102528xf32, #tpu.memory_space<vmem>> -> memref<102400xf32, #tpu.memory_space<vmem>>
        tpu.wait_dma2 semaphore(%run_scoped3A : memref<!tpu.dma_semaphore, #tpu.memory_space<semaphore_mem>>) src(%dma_wait3A_42 : memref<102400xf32, #tpu.memory_space<vmem>>) dst(%dma_wait3A_40 : memref<102400xf32, #tpu.memory_space<hbm>>)
        tpu.yield
      }) : () -> ()
    } else {
    }
    %eq3A_2 = arith.constant 1 : i32
    %eq3A_3 = arith.cmpi eq, %arg0, %eq3A_2 : i32
    %convert_element_type3A_4 = arith.extui %eq3A_3 : i1 to i32
    %cond3A_5 = arith.constant 0 : i32
    %cond3A_6 = arith.cmpi ne, %convert_element_type3A_4, %cond3A_5 : i32
    scf.if %cond3A_6 {
      "tpu.region"() ({
        %run_scoped3A = tpu.sem_alloc : memref<!tpu.dma_semaphore, #tpu.memory_space<semaphore_mem>>
        tpu.enqueue_dma source(%arg7 : memref<102528xf32, #tpu.memory_space<hbm>>) target(%arg10 : memref<102528xf32, #tpu.memory_space<vmem>>) target_semaphore(%run_scoped3A : memref<!tpu.dma_semaphore, #tpu.memory_space<semaphore_mem>>)
        tpu.wait_dma2 semaphore(%run_scoped3A : memref<!tpu.dma_semaphore, #tpu.memory_space<semaphore_mem>>) src(%arg7 : memref<102528xf32, #tpu.memory_space<hbm>>) dst(%arg10 : memref<102528xf32, #tpu.memory_space<vmem>>)
        tpu.yield
      }) : () -> ()
      "tpu.region"() ({
        %run_scoped3A = tpu.sem_alloc : memref<!tpu.dma_semaphore, #tpu.memory_space<semaphore_mem>>
        tpu.enqueue_dma source(%arg6 : memref<512xi32, #tpu.memory_space<hbm>>) target(%arg14 : memref<512xi32, #tpu.memory_space<vmem>>) target_semaphore(%run_scoped3A : memref<!tpu.dma_semaphore, #tpu.memory_space<semaphore_mem>>)
        tpu.wait_dma2 semaphore(%run_scoped3A : memref<!tpu.dma_semaphore, #tpu.memory_space<semaphore_mem>>) src(%arg6 : memref<512xi32, #tpu.memory_space<hbm>>) dst(%arg14 : memref<512xi32, #tpu.memory_space<vmem>>)
        tpu.yield
      }) : () -> ()
      %mul3A = arith.constant 16 : i32
      %mul3A_7 = arith.muli %arg1, %mul3A : i32
      %get3A = arith.index_cast %mul3A_7 : i32 to index
      %get3A_8 = tpu.vector_load %arg14[%get3A] {strides = array<i32>} : memref<512xi32, #tpu.memory_space<vmem>>, vector<16xi32>,
      %slice3A = vector.extract_strided_slice %get3A_8 {offsets = [0], sizes = [1], strides = [1]} : vector<16xi32> to vector<1xi32>
      %squeeze3A = vector.extract %slice3A[0] : i32 from vector<1xi32>
      %add3A = arith.constant 16 : i32
      %add3A_9 = arith.addi %add3A, %arg1 : i32
      %mul3A_10 = arith.constant 16 : i32
      %mul3A_11 = arith.muli %add3A_9, %mul3A_10 : i32
      %get3A_12 = arith.index_cast %mul3A_11 : i32 to index
      %get3A_13 = tpu.vector_load %arg14[%get3A_12] {strides = array<i32>} : memref<512xi32, #tpu.memory_space<vmem>>, vector<16xi32>,
      %slice3A_14 = vector.extract_strided_slice %get3A_13 {offsets = [0], sizes = [1], strides = [1]} : vector<16xi32> to vector<1xi32>
      %squeeze3A_15 = vector.extract %slice3A_14[0] : i32 from vector<1xi32>
      %gt3A = arith.constant 0 : i32
      %gt3A_16 = arith.cmpi sgt, %squeeze3A_15, %gt3A : i32
      %convert_element_type3A_17 = arith.extui %gt3A_16 : i1 to i32
      %cond3A_18 = arith.constant 0 : i32
      %cond3A_19 = arith.cmpi ne, %convert_element_type3A_17, %cond3A_18 : i32
      scf.if %cond3A_19 {
        %mul3A_33 = arith.constant 128 : i32
        %mul3A_34 = arith.muli %squeeze3A, %mul3A_33 : i32
        %dma_start3A = arith.constant 0 : i32
        %dma_start3A_35 = tpu.memref_slice %arg11[%dma_start3A] : memref<256xi32, #tpu.memory_space<vmem>> -> memref<128xi32, #tpu.memory_space<vmem>>
        %dma_start3A_36 = tpu.memref_slice %arg4[%mul3A_34] : memref<1602048xi32, #tpu.memory_space<hbm>> -> memref<128xi32, #tpu.memory_space<hbm>>
        %dma_start3A_37 = arith.constant 0 : i32
        %dma_start3A_38 = tpu.memref_slice %arg11[%dma_start3A_37] : memref<256xi32, #tpu.memory_space<vmem>> -> memref<128xi32, #tpu.memory_space<vmem>>
        %dma_start3A_39 = tpu.memref_slice %arg4[%mul3A_34] : memref<1602048xi32, #tpu.memory_space<hbm>> -> memref<128xi32, #tpu.memory_space<hbm>>
        tpu.enqueue_dma source(%dma_start3A_39 : memref<128xi32, #tpu.memory_space<hbm>>) target(%dma_start3A_38 : memref<128xi32, #tpu.memory_space<vmem>>) target_semaphore(%arg16 : memref<!tpu.dma_semaphore, #tpu.memory_space<semaphore_mem>>)
        %mul3A_40 = arith.constant 2048 : i32
        %mul3A_41 = arith.muli %squeeze3A, %mul3A_40 : i32
        %dma_start3A_42 = arith.constant 0 : i32
        %dma_start3A_43 = tpu.memref_slice %arg12[%dma_start3A_42] : memref<4096xi32, #tpu.memory_space<vmem>> -> memref<2048xi32, #tpu.memory_space<vmem>>
        %dma_start3A_44 = tpu.memref_slice %arg5[%mul3A_41] : memref<25632768xi32, #tpu.memory_space<hbm>> -> memref<2048xi32, #tpu.memory_space<hbm>>
        %dma_start3A_45 = arith.constant 0 : i32
        %dma_start3A_46 = tpu.memref_slice %arg12[%dma_start3A_45] : memref<4096xi32, #tpu.memory_space<vmem>> -> memref<2048xi32, #tpu.memory_space<vmem>>
        %dma_start3A_47 = tpu.memref_slice %arg5[%mul3A_41] : memref<25632768xi32, #tpu.memory_space<hbm>> -> memref<2048xi32, #tpu.memory_space<hbm>>
        tpu.enqueue_dma source(%dma_start3A_47 : memref<2048xi32, #tpu.memory_space<hbm>>) target(%dma_start3A_46 : memref<2048xi32, #tpu.memory_space<vmem>>) target_semaphore(%arg16 : memref<!tpu.dma_semaphore, #tpu.memory_space<semaphore_mem>>)
      } else {
      }
      %while3A = arith.constant 0 : i32
      %while3A_20 = arith.constant 0 : i32
      %while3A_21 = arith.subi %squeeze3A_15, %while3A : i32
      %while3A_22 = arith.addi %while3A, %while3A_21 : i32
      %while3A_23 = arith.constant 1 : i32
      %while3A_24 = arith.divsi %while3A_21, %while3A_23 : i32
      %while3A_25 = arith.muli %while3A_24, %while3A_23 : i32
      %while3A_26 = arith.addi %while3A, %while3A_25 : i32
      %while3A_27 = arith.constant 1 : i32
      %while3A_28 = scf.for %while3A_33 = %while3A to %while3A_26 step %while3A_27 iter_args(%while3A_34 = %while3A_20) -> (i32)  : i32 {
        %and3A = arith.constant 1 : i32
        %and3A_35 = arith.andi %while3A_33, %and3A : i32
        %add3A_36 = arith.addi %squeeze3A, %while3A_33 : i32
        %mul3A_37 = arith.constant 128 : i32
        %mul3A_38 = arith.muli %add3A_36, %mul3A_37 : i32
        %mul3A_39 = arith.constant 128 : i32
        %mul3A_40 = arith.muli %and3A_35, %mul3A_39 : i32
        %dma_wait3A = tpu.memref_slice %arg11[%mul3A_40] : memref<256xi32, #tpu.memory_space<vmem>> -> memref<128xi32, #tpu.memory_space<vmem>>
        %dma_wait3A_41 = tpu.memref_slice %arg4[%mul3A_38] : memref<1602048xi32, #tpu.memory_space<hbm>> -> memref<128xi32, #tpu.memory_space<hbm>>
        %dma_wait3A_42 = tpu.memref_slice %arg11[%mul3A_40] : memref<256xi32, #tpu.memory_space<vmem>> -> memref<128xi32, #tpu.memory_space<vmem>>
        %dma_wait3A_43 = tpu.memref_slice %arg4[%mul3A_38] : memref<1602048xi32, #tpu.memory_space<hbm>> -> memref<128xi32, #tpu.memory_space<hbm>>
        tpu.wait_dma2 semaphore(%arg16 : memref<!tpu.dma_semaphore, #tpu.memory_space<semaphore_mem>>) src(%dma_wait3A_43 : memref<128xi32, #tpu.memory_space<hbm>>) dst(%dma_wait3A_42 : memref<128xi32, #tpu.memory_space<vmem>>)
        %mul3A_44 = arith.constant 2048 : i32
        %mul3A_45 = arith.muli %add3A_36, %mul3A_44 : i32
        %mul3A_46 = arith.constant 2048 : i32
        %mul3A_47 = arith.muli %and3A_35, %mul3A_46 : i32
        %dma_wait3A_48 = tpu.memref_slice %arg12[%mul3A_47] : memref<4096xi32, #tpu.memory_space<vmem>> -> memref<2048xi32, #tpu.memory_space<vmem>>
        %dma_wait3A_49 = tpu.memref_slice %arg5[%mul3A_45] : memref<25632768xi32, #tpu.memory_space<hbm>> -> memref<2048xi32, #tpu.memory_space<hbm>>
        %dma_wait3A_50 = tpu.memref_slice %arg12[%mul3A_47] : memref<4096xi32, #tpu.memory_space<vmem>> -> memref<2048xi32, #tpu.memory_space<vmem>>
        %dma_wait3A_51 = tpu.memref_slice %arg5[%mul3A_45] : memref<25632768xi32, #tpu.memory_space<hbm>> -> memref<2048xi32, #tpu.memory_space<hbm>>
        tpu.wait_dma2 semaphore(%arg16 : memref<!tpu.dma_semaphore, #tpu.memory_space<semaphore_mem>>) src(%dma_wait3A_51 : memref<2048xi32, #tpu.memory_space<hbm>>) dst(%dma_wait3A_50 : memref<2048xi32, #tpu.memory_space<vmem>>)
        %add3A_52 = arith.constant 1 : i32
        %add3A_53 = arith.addi %while3A_33, %add3A_52 : i32
        %lt3A = arith.cmpi slt, %add3A_53, %squeeze3A_15 : i32
        %convert_element_type3A_54 = arith.extui %lt3A : i1 to i32
        %cond3A_55 = arith.constant 0 : i32
        %cond3A_56 = arith.cmpi ne, %convert_element_type3A_54, %cond3A_55 : i32
        scf.if %cond3A_56 {
          %add3A_75 = arith.constant 1 : i32
          %add3A_76 = arith.addi %add3A_36, %add3A_75 : i32
          %add3A_77 = arith.constant 1 : i32
          %add3A_78 = arith.addi %while3A_33, %add3A_77 : i32
          %and3A_79 = arith.constant 1 : i32
          %and3A_80 = arith.andi %add3A_78, %and3A_79 : i32
          %mul3A_81 = arith.constant 128 : i32
          %mul3A_82 = arith.muli %add3A_76, %mul3A_81 : i32
          %mul3A_83 = arith.constant 128 : i32
          %mul3A_84 = arith.muli %and3A_80, %mul3A_83 : i32
          %dma_start3A_85 = tpu.memref_slice %arg11[%mul3A_84] : memref<256xi32, #tpu.memory_space<vmem>> -> memref<128xi32, #tpu.memory_space<vmem>>
          %dma_start3A_86 = tpu.memref_slice %arg4[%mul3A_82] : memref<1602048xi32, #tpu.memory_space<hbm>> -> memref<128xi32, #tpu.memory_space<hbm>>
          %dma_start3A_87 = tpu.memref_slice %arg11[%mul3A_84] : memref<256xi32, #tpu.memory_space<vmem>> -> memref<128xi32, #tpu.memory_space<vmem>>
          %dma_start3A_88 = tpu.memref_slice %arg4[%mul3A_82] : memref<1602048xi32, #tpu.memory_space<hbm>> -> memref<128xi32, #tpu.memory_space<hbm>>
          tpu.enqueue_dma source(%dma_start3A_88 : memref<128xi32, #tpu.memory_space<hbm>>) target(%dma_start3A_87 : memref<128xi32, #tpu.memory_space<vmem>>) target_semaphore(%arg16 : memref<!tpu.dma_semaphore, #tpu.memory_space<semaphore_mem>>)
          %mul3A_89 = arith.constant 2048 : i32
          %mul3A_90 = arith.muli %add3A_76, %mul3A_89 : i32
          %mul3A_91 = arith.constant 2048 : i32
          %mul3A_92 = arith.muli %and3A_80, %mul3A_91 : i32
          %dma_start3A_93 = tpu.memref_slice %arg12[%mul3A_92] : memref<4096xi32, #tpu.memory_space<vmem>> -> memref<2048xi32, #tpu.memory_space<vmem>>
          %dma_start3A_94 = tpu.memref_slice %arg5[%mul3A_90] : memref<25632768xi32, #tpu.memory_space<hbm>> -> memref<2048xi32, #tpu.memory_space<hbm>>
          %dma_start3A_95 = tpu.memref_slice %arg12[%mul3A_92] : memref<4096xi32, #tpu.memory_space<vmem>> -> memref<2048xi32, #tpu.memory_space<vmem>>
          %dma_start3A_96 = tpu.memref_slice %arg5[%mul3A_90] : memref<25632768xi32, #tpu.memory_space<hbm>> -> memref<2048xi32, #tpu.memory_space<hbm>>
          tpu.enqueue_dma source(%dma_start3A_96 : memref<2048xi32, #tpu.memory_space<hbm>>) target(%dma_start3A_95 : memref<2048xi32, #tpu.memory_space<vmem>>) target_semaphore(%arg16 : memref<!tpu.dma_semaphore, #tpu.memory_space<semaphore_mem>>)
        } else {
        }
        %mul3A_57 = arith.constant 128 : i32
        %mul3A_58 = arith.muli %and3A_35, %mul3A_57 : i32
        %dma_start3A = tpu.memref_slice %arg11[%mul3A_58] : memref<256xi32, #tpu.memory_space<vmem>> -> memref<128xi32, #tpu.memory_space<vmem>>
        %dma_start3A_59 = arith.constant 0 : i32
        %dma_start3A_60 = arith.constant 0 : i32
        %dma_start3A_61 = tpu.memref_slice %arg3[%dma_start3A_59, %dma_start3A_60] : memref<102400x128xf32, #tpu.memory_space<hbm>> -> memref<102400x128xf32, #tpu.memory_space<hbm>>
        tpu.enqueue_indirect_dma source(%dma_start3A_61 : memref<102400x128xf32, #tpu.memory_space<hbm>>) target(%arg13 : memref<128x128xf32, #tpu.memory_space<vmem>>) offsets(%dma_start3A : memref<128xi32, #tpu.memory_space<vmem>>) semaphore(%arg15 : memref<!tpu.dma_semaphore, #tpu.memory_space<semaphore_mem>>)
        %dma_wait3A_62 = tpu.memref_slice %arg11[%mul3A_58] : memref<256xi32, #tpu.memory_space<vmem>> -> memref<128xi32, #tpu.memory_space<vmem>>
        %dma_wait3A_63 = arith.constant 0 : i32
        %dma_wait3A_64 = arith.constant 0 : i32
        %dma_wait3A_65 = tpu.memref_slice %arg3[%dma_wait3A_63, %dma_wait3A_64] : memref<102400x128xf32, #tpu.memory_space<hbm>> -> memref<102400x128xf32, #tpu.memory_space<hbm>>
        tpu.wait_indirect_dma semaphore(%arg15 : memref<!tpu.dma_semaphore, #tpu.memory_space<semaphore_mem>>) src(%dma_wait3A_65 : memref<102400x128xf32, #tpu.memory_space<hbm>>) dst(%arg13 : memref<128x128xf32, #tpu.memory_space<vmem>>)
        %mul3A_66 = arith.constant 2048 : i32
        %mul3A_67 = arith.muli %and3A_35, %mul3A_66 : i32
        %scan3A = arith.constant 0 : i32
        %scan3A_68 = arith.constant 0 : i32
        %scan3A_69 = arith.constant 128 : i32
        %scan3A_70 = arith.addi %scan3A_68, %scan3A_69 : i32
        %scan3A_71 = arith.constant 1 : i32
        %scan3A_72 = scf.for %scan3A_75 = %scan3A_68 to %scan3A_70 step %scan3A_71 iter_args(%scan3A_76 = %scan3A) -> (i32)  : i32 {
          %get3A_77 = arith.index_cast %scan3A_75 : i32 to index
          %get3A_78 = arith.constant 0 : index
          %get3A_79 = tpu.vector_load %arg13[%get3A_77, %get3A_78] {strides = array<i32>} : memref<128x128xf32, #tpu.memory_space<vmem>>, vector<16xf32>,
          %mul3A_80 = arith.constant 16 : i32
          %mul3A_81 = arith.muli %scan3A_75, %mul3A_80 : i32
          %add3A_82 = arith.addi %mul3A_67, %mul3A_81 : i32
          %get3A_83 = arith.index_cast %add3A_82 : i32 to index
          %get3A_84 = tpu.vector_load %arg12[%get3A_83] {strides = array<i32>} : memref<4096xi32, #tpu.memory_space<vmem>>, vector<16xi32>,
          tpu.vector_store_idx %arg10[%get3A_84], %get3A_79 {add = true} : memref<102528xf32, #tpu.memory_space<vmem>>[vector<16xi32>], vector<16xf32>,
          %scan3A_85 = arith.constant 0 : i32
          scf.yield %scan3A_85 : i32
        }
        %scan3A_73 = arith.constant 128 : i32
        %while3A_74 = arith.constant 0 : i32
        scf.yield %while3A_74 : i32
      }
      %while3A_29 = arith.constant 1 : i32
      %while3A_30 = scf.for %while3A_33 = %while3A_26 to %while3A_22 step %while3A_29 iter_args(%while3A_34 = %while3A_28) -> (i32)  : i32 {
        %and3A = arith.constant 1 : i32
        %and3A_35 = arith.andi %while3A_33, %and3A : i32
        %add3A_36 = arith.addi %squeeze3A, %while3A_33 : i32
        %mul3A_37 = arith.constant 128 : i32
        %mul3A_38 = arith.muli %add3A_36, %mul3A_37 : i32
        %mul3A_39 = arith.constant 128 : i32
        %mul3A_40 = arith.muli %and3A_35, %mul3A_39 : i32
        %dma_wait3A = tpu.memref_slice %arg11[%mul3A_40] : memref<256xi32, #tpu.memory_space<vmem>> -> memref<128xi32, #tpu.memory_space<vmem>>
        %dma_wait3A_41 = tpu.memref_slice %arg4[%mul3A_38] : memref<1602048xi32, #tpu.memory_space<hbm>> -> memref<128xi32, #tpu.memory_space<hbm>>
        %dma_wait3A_42 = tpu.memref_slice %arg11[%mul3A_40] : memref<256xi32, #tpu.memory_space<vmem>> -> memref<128xi32, #tpu.memory_space<vmem>>
        %dma_wait3A_43 = tpu.memref_slice %arg4[%mul3A_38] : memref<1602048xi32, #tpu.memory_space<hbm>> -> memref<128xi32, #tpu.memory_space<hbm>>
        tpu.wait_dma2 semaphore(%arg16 : memref<!tpu.dma_semaphore, #tpu.memory_space<semaphore_mem>>) src(%dma_wait3A_43 : memref<128xi32, #tpu.memory_space<hbm>>) dst(%dma_wait3A_42 : memref<128xi32, #tpu.memory_space<vmem>>)
        %mul3A_44 = arith.constant 2048 : i32
        %mul3A_45 = arith.muli %add3A_36, %mul3A_44 : i32
        %mul3A_46 = arith.constant 2048 : i32
        %mul3A_47 = arith.muli %and3A_35, %mul3A_46 : i32
        %dma_wait3A_48 = tpu.memref_slice %arg12[%mul3A_47] : memref<4096xi32, #tpu.memory_space<vmem>> -> memref<2048xi32, #tpu.memory_space<vmem>>
        %dma_wait3A_49 = tpu.memref_slice %arg5[%mul3A_45] : memref<25632768xi32, #tpu.memory_space<hbm>> -> memref<2048xi32, #tpu.memory_space<hbm>>
        %dma_wait3A_50 = tpu.memref_slice %arg12[%mul3A_47] : memref<4096xi32, #tpu.memory_space<vmem>> -> memref<2048xi32, #tpu.memory_space<vmem>>
        %dma_wait3A_51 = tpu.memref_slice %arg5[%mul3A_45] : memref<25632768xi32, #tpu.memory_space<hbm>> -> memref<2048xi32, #tpu.memory_space<hbm>>
        tpu.wait_dma2 semaphore(%arg16 : memref<!tpu.dma_semaphore, #tpu.memory_space<semaphore_mem>>) src(%dma_wait3A_51 : memref<2048xi32, #tpu.memory_space<hbm>>) dst(%dma_wait3A_50 : memref<2048xi32, #tpu.memory_space<vmem>>)
        %add3A_52 = arith.constant 1 : i32
        %add3A_53 = arith.addi %while3A_33, %add3A_52 : i32
        %lt3A = arith.cmpi slt, %add3A_53, %squeeze3A_15 : i32
        %convert_element_type3A_54 = arith.extui %lt3A : i1 to i32
        %cond3A_55 = arith.constant 0 : i32
        %cond3A_56 = arith.cmpi ne, %convert_element_type3A_54, %cond3A_55 : i32
        scf.if %cond3A_56 {
          %add3A_75 = arith.constant 1 : i32
          %add3A_76 = arith.addi %add3A_36, %add3A_75 : i32
          %add3A_77 = arith.constant 1 : i32
          %add3A_78 = arith.addi %while3A_33, %add3A_77 : i32
          %and3A_79 = arith.constant 1 : i32
          %and3A_80 = arith.andi %add3A_78, %and3A_79 : i32
          %mul3A_81 = arith.constant 128 : i32
          %mul3A_82 = arith.muli %add3A_76, %mul3A_81 : i32
          %mul3A_83 = arith.constant 128 : i32
          %mul3A_84 = arith.muli %and3A_80, %mul3A_83 : i32
          %dma_start3A_85 = tpu.memref_slice %arg11[%mul3A_84] : memref<256xi32, #tpu.memory_space<vmem>> -> memref<128xi32, #tpu.memory_space<vmem>>
          %dma_start3A_86 = tpu.memref_slice %arg4[%mul3A_82] : memref<1602048xi32, #tpu.memory_space<hbm>> -> memref<128xi32, #tpu.memory_space<hbm>>
          %dma_start3A_87 = tpu.memref_slice %arg11[%mul3A_84] : memref<256xi32, #tpu.memory_space<vmem>> -> memref<128xi32, #tpu.memory_space<vmem>>
          %dma_start3A_88 = tpu.memref_slice %arg4[%mul3A_82] : memref<1602048xi32, #tpu.memory_space<hbm>> -> memref<128xi32, #tpu.memory_space<hbm>>
          tpu.enqueue_dma source(%dma_start3A_88 : memref<128xi32, #tpu.memory_space<hbm>>) target(%dma_start3A_87 : memref<128xi32, #tpu.memory_space<vmem>>) target_semaphore(%arg16 : memref<!tpu.dma_semaphore, #tpu.memory_space<semaphore_mem>>)
          %mul3A_89 = arith.constant 2048 : i32
          %mul3A_90 = arith.muli %add3A_76, %mul3A_89 : i32
          %mul3A_91 = arith.constant 2048 : i32
          %mul3A_92 = arith.muli %and3A_80, %mul3A_91 : i32
          %dma_start3A_93 = tpu.memref_slice %arg12[%mul3A_92] : memref<4096xi32, #tpu.memory_space<vmem>> -> memref<2048xi32, #tpu.memory_space<vmem>>
          %dma_start3A_94 = tpu.memref_slice %arg5[%mul3A_90] : memref<25632768xi32, #tpu.memory_space<hbm>> -> memref<2048xi32, #tpu.memory_space<hbm>>
          %dma_start3A_95 = tpu.memref_slice %arg12[%mul3A_92] : memref<4096xi32, #tpu.memory_space<vmem>> -> memref<2048xi32, #tpu.memory_space<vmem>>
          %dma_start3A_96 = tpu.memref_slice %arg5[%mul3A_90] : memref<25632768xi32, #tpu.memory_space<hbm>> -> memref<2048xi32, #tpu.memory_space<hbm>>
          tpu.enqueue_dma source(%dma_start3A_96 : memref<2048xi32, #tpu.memory_space<hbm>>) target(%dma_start3A_95 : memref<2048xi32, #tpu.memory_space<vmem>>) target_semaphore(%arg16 : memref<!tpu.dma_semaphore, #tpu.memory_space<semaphore_mem>>)
        } else {
        }
        %mul3A_57 = arith.constant 128 : i32
        %mul3A_58 = arith.muli %and3A_35, %mul3A_57 : i32
        %dma_start3A = tpu.memref_slice %arg11[%mul3A_58] : memref<256xi32, #tpu.memory_space<vmem>> -> memref<128xi32, #tpu.memory_space<vmem>>
        %dma_start3A_59 = arith.constant 0 : i32
        %dma_start3A_60 = arith.constant 0 : i32
        %dma_start3A_61 = tpu.memref_slice %arg3[%dma_start3A_59, %dma_start3A_60] : memref<102400x128xf32, #tpu.memory_space<hbm>> -> memref<102400x128xf32, #tpu.memory_space<hbm>>
        tpu.enqueue_indirect_dma source(%dma_start3A_61 : memref<102400x128xf32, #tpu.memory_space<hbm>>) target(%arg13 : memref<128x128xf32, #tpu.memory_space<vmem>>) offsets(%dma_start3A : memref<128xi32, #tpu.memory_space<vmem>>) semaphore(%arg15 : memref<!tpu.dma_semaphore, #tpu.memory_space<semaphore_mem>>)
        %dma_wait3A_62 = tpu.memref_slice %arg11[%mul3A_58] : memref<256xi32, #tpu.memory_space<vmem>> -> memref<128xi32, #tpu.memory_space<vmem>>
        %dma_wait3A_63 = arith.constant 0 : i32
        %dma_wait3A_64 = arith.constant 0 : i32
        %dma_wait3A_65 = tpu.memref_slice %arg3[%dma_wait3A_63, %dma_wait3A_64] : memref<102400x128xf32, #tpu.memory_space<hbm>> -> memref<102400x128xf32, #tpu.memory_space<hbm>>
        tpu.wait_indirect_dma semaphore(%arg15 : memref<!tpu.dma_semaphore, #tpu.memory_space<semaphore_mem>>) src(%dma_wait3A_65 : memref<102400x128xf32, #tpu.memory_space<hbm>>) dst(%arg13 : memref<128x128xf32, #tpu.memory_space<vmem>>)
        %mul3A_66 = arith.constant 2048 : i32
        %mul3A_67 = arith.muli %and3A_35, %mul3A_66 : i32
        %scan3A = arith.constant 0 : i32
        %scan3A_68 = arith.constant 0 : i32
        %scan3A_69 = arith.constant 128 : i32
        %scan3A_70 = arith.addi %scan3A_68, %scan3A_69 : i32
        %scan3A_71 = arith.constant 1 : i32
        %scan3A_72 = scf.for %scan3A_75 = %scan3A_68 to %scan3A_70 step %scan3A_71 iter_args(%scan3A_76 = %scan3A) -> (i32)  : i32 {
          %get3A_77 = arith.index_cast %scan3A_75 : i32 to index
          %get3A_78 = arith.constant 0 : index
          %get3A_79 = tpu.vector_load %arg13[%get3A_77, %get3A_78] {strides = array<i32>} : memref<128x128xf32, #tpu.memory_space<vmem>>, vector<16xf32>,
          %mul3A_80 = arith.constant 16 : i32
          %mul3A_81 = arith.muli %scan3A_75, %mul3A_80 : i32
          %add3A_82 = arith.addi %mul3A_67, %mul3A_81 : i32
          %get3A_83 = arith.index_cast %add3A_82 : i32 to index
          %get3A_84 = tpu.vector_load %arg12[%get3A_83] {strides = array<i32>} : memref<4096xi32, #tpu.memory_space<vmem>>, vector<16xi32>,
          tpu.vector_store_idx %arg10[%get3A_84], %get3A_79 {add = true} : memref<102528xf32, #tpu.memory_space<vmem>>[vector<16xi32>], vector<16xf32>,
          %scan3A_85 = arith.constant 0 : i32
          scf.yield %scan3A_85 : i32
        }
        %scan3A_73 = arith.constant 128 : i32
        %while3A_74 = arith.constant 0 : i32
        scf.yield %while3A_74 : i32
      }
      %mul3A_31 = arith.constant 102400 : i32
      %mul3A_32 = arith.muli %arg1, %mul3A_31 : i32
      "tpu.region"() ({
        %run_scoped3A = tpu.sem_alloc : memref<!tpu.dma_semaphore, #tpu.memory_space<semaphore_mem>>
        %dma_start3A = arith.constant 0 : i32
        %dma_start3A_33 = tpu.memref_slice %arg10[%dma_start3A] : memref<102528xf32, #tpu.memory_space<vmem>> -> memref<102400xf32, #tpu.memory_space<vmem>>
        %dma_start3A_34 = tpu.memref_slice %arg9[%mul3A_32] : memref<1638400xf32, #tpu.memory_space<hbm>> -> memref<102400xf32, #tpu.memory_space<hbm>>
        %dma_start3A_35 = tpu.memref_slice %arg9[%mul3A_32] : memref<1638400xf32, #tpu.memory_space<hbm>> -> memref<102400xf32, #tpu.memory_space<hbm>>
        %dma_start3A_36 = arith.constant 0 : i32
        %dma_start3A_37 = tpu.memref_slice %arg10[%dma_start3A_36] : memref<102528xf32, #tpu.memory_space<vmem>> -> memref<102400xf32, #tpu.memory_space<vmem>>
        tpu.enqueue_dma source(%dma_start3A_37 : memref<102400xf32, #tpu.memory_space<vmem>>) target(%dma_start3A_35 : memref<102400xf32, #tpu.memory_space<hbm>>) target_semaphore(%run_scoped3A : memref<!tpu.dma_semaphore, #tpu.memory_space<semaphore_mem>>)
        %dma_wait3A = arith.constant 0 : i32
        %dma_wait3A_38 = tpu.memref_slice %arg10[%dma_wait3A] : memref<102528xf32, #tpu.memory_space<vmem>> -> memref<102400xf32, #tpu.memory_space<vmem>>
        %dma_wait3A_39 = tpu.memref_slice %arg9[%mul3A_32] : memref<1638400xf32, #tpu.memory_space<hbm>> -> memref<102400xf32, #tpu.memory_space<hbm>>
        %dma_wait3A_40 = tpu.memref_slice %arg9[%mul3A_32] : memref<1638400xf32, #tpu.memory_space<hbm>> -> memref<102400xf32, #tpu.memory_space<hbm>>
        %dma_wait3A_41 = arith.constant 0 : i32
        %dma_wait3A_42 = tpu.memref_slice %arg10[%dma_wait3A_41] : memref<102528xf32, #tpu.memory_space<vmem>> -> memref<102400xf32, #tpu.memory_space<vmem>>
        tpu.wait_dma2 semaphore(%run_scoped3A : memref<!tpu.dma_semaphore, #tpu.memory_space<semaphore_mem>>) src(%dma_wait3A_42 : memref<102400xf32, #tpu.memory_space<vmem>>) dst(%dma_wait3A_40 : memref<102400xf32, #tpu.memory_space<hbm>>)
        tpu.yield
      }) : () -> ()
    } else {
    }
    return
  }
}

#map = affine_map<(d0, d1) -> (0, 0)>
#map1 = affine_map<(d0, d1) -> (0)>
module attributes {stable_mosaic.version = 14 : i64} {
  func.func @_agg_body(%arg0: i32, %arg1: i32, %arg2: memref<102400x128xf32, #tpu.memory_space<hbm>>, %arg3: memref<102400x128xf32, #tpu.memory_space<hbm>>, %arg4: memref<1602048xi32, #tpu.memory_space<hbm>>, %arg5: memref<25632768xi32, #tpu.memory_space<hbm>>, %arg6: memref<512xi32, #tpu.memory_space<hbm>>, %arg7: memref<102528xf32, #tpu.memory_space<hbm>>, %arg8: memref<1638400xf32, #tpu.memory_space<hbm>>, %arg9: memref<1638400xf32, #tpu.memory_space<hbm>>, %arg10: memref<102528xf32, #tpu.memory_space<vmem>>, %arg11: memref<256xi32, #tpu.memory_space<vmem>>, %arg12: memref<4096xi32, #tpu.memory_space<vmem>>, %arg13: memref<128x128xf32, #tpu.memory_space<vmem>>, %arg14: memref<512xi32, #tpu.memory_space<vmem>>, %arg15: memref<!tpu.dma_semaphore, #tpu.memory_space<semaphore_mem>>, %arg16: memref<!tpu.dma_semaphore, #tpu.memory_space<semaphore_mem>>) attributes {dimension_semantics = [#tpu.dimension_semantics<core_parallel>, #tpu.dimension_semantics<subcore_parallel>], iteration_bounds = array<i64: 2, 16>, scalar_prefetch = 0 : i64, scratch_operands = 7 : i64, tpu.core_type = #tpu.core_type<sc_vector_subcore>, window_params = [{transform_indices = #map}, {transform_indices = #map}, {transform_indices = #map1}, {transform_indices = #map1}, {transform_indices = #map1}, {transform_indices = #map1}, {transform_indices = #map1}, {transform_indices = #map1}]} {
    %eq3A = arith.constant 0 : i32
    %eq3A_0 = arith.cmpi eq, %arg0, %eq3A : i32
    %convert_element_type3A = arith.extui %eq3A_0 : i1 to i32
    %cond3A = arith.constant 0 : i32
    %cond3A_1 = arith.cmpi ne, %convert_element_type3A, %cond3A : i32
    scf.if %cond3A_1 {
      "tpu.region"() ({
        %run_scoped3A = tpu.sem_alloc : memref<!tpu.dma_semaphore, #tpu.memory_space<semaphore_mem>>
        tpu.enqueue_dma source(%arg7 : memref<102528xf32, #tpu.memory_space<hbm>>) target(%arg10 : memref<102528xf32, #tpu.memory_space<vmem>>) target_semaphore(%run_scoped3A : memref<!tpu.dma_semaphore, #tpu.memory_space<semaphore_mem>>)
        tpu.wait_dma2 semaphore(%run_scoped3A : memref<!tpu.dma_semaphore, #tpu.memory_space<semaphore_mem>>) src(%arg7 : memref<102528xf32, #tpu.memory_space<hbm>>) dst(%arg10 : memref<102528xf32, #tpu.memory_space<vmem>>)
        tpu.yield
      }) : () -> ()
      "tpu.region"() ({
        %run_scoped3A = tpu.sem_alloc : memref<!tpu.dma_semaphore, #tpu.memory_space<semaphore_mem>>
        tpu.enqueue_dma source(%arg6 : memref<512xi32, #tpu.memory_space<hbm>>) target(%arg14 : memref<512xi32, #tpu.memory_space<vmem>>) target_semaphore(%run_scoped3A : memref<!tpu.dma_semaphore, #tpu.memory_space<semaphore_mem>>)
        tpu.wait_dma2 semaphore(%run_scoped3A : memref<!tpu.dma_semaphore, #tpu.memory_space<semaphore_mem>>) src(%arg6 : memref<512xi32, #tpu.memory_space<hbm>>) dst(%arg14 : memref<512xi32, #tpu.memory_space<vmem>>)
        tpu.yield
      }) : () -> ()
      %mul3A = arith.constant 16 : i32
      %mul3A_7 = arith.muli %arg1, %mul3A : i32
      %get3A = arith.index_cast %mul3A_7 : i32 to index
      %get3A_8 = tpu.vector_load %arg14[%get3A] {strides = array<i32>} : memref<512xi32, #tpu.memory_space<vmem>>, vector<16xi32>,
      %slice3A = vector.extract_strided_slice %get3A_8 {offsets = [0], sizes = [1], strides = [1]} : vector<16xi32> to vector<1xi32>
      %squeeze3A = vector.extract %slice3A[0] : i32 from vector<1xi32>
      %add3A = arith.constant 16 : i32
      %add3A_9 = arith.addi %add3A, %arg1 : i32
      %mul3A_10 = arith.constant 16 : i32
      %mul3A_11 = arith.muli %add3A_9, %mul3A_10 : i32
      %get3A_12 = arith.index_cast %mul3A_11 : i32 to index
      %get3A_13 = tpu.vector_load %arg14[%get3A_12] {strides = array<i32>} : memref<512xi32, #tpu.memory_space<vmem>>, vector<16xi32>,
      %slice3A_14 = vector.extract_strided_slice %get3A_13 {offsets = [0], sizes = [1], strides = [1]} : vector<16xi32> to vector<1xi32>
      %squeeze3A_15 = vector.extract %slice3A_14[0] : i32 from vector<1xi32>
      %gt3A = arith.constant 0 : i32
      %gt3A_16 = arith.cmpi sgt, %squeeze3A_15, %gt3A : i32
      %convert_element_type3A_17 = arith.extui %gt3A_16 : i1 to i32
      %cond3A_18 = arith.constant 0 : i32
      %cond3A_19 = arith.cmpi ne, %convert_element_type3A_17, %cond3A_18 : i32
      scf.if %cond3A_19 {
        %mul3A_33 = arith.constant 128 : i32
        %mul3A_34 = arith.muli %squeeze3A, %mul3A_33 : i32
        %dma_start3A = arith.constant 0 : i32
        %dma_start3A_35 = tpu.memref_slice %arg11[%dma_start3A] : memref<256xi32, #tpu.memory_space<vmem>> -> memref<128xi32, #tpu.memory_space<vmem>>
        %dma_start3A_36 = tpu.memref_slice %arg4[%mul3A_34] : memref<1602048xi32, #tpu.memory_space<hbm>> -> memref<128xi32, #tpu.memory_space<hbm>>
        %dma_start3A_37 = arith.constant 0 : i32
        %dma_start3A_38 = tpu.memref_slice %arg11[%dma_start3A_37] : memref<256xi32, #tpu.memory_space<vmem>> -> memref<128xi32, #tpu.memory_space<vmem>>
        %dma_start3A_39 = tpu.memref_slice %arg4[%mul3A_34] : memref<1602048xi32, #tpu.memory_space<hbm>> -> memref<128xi32, #tpu.memory_space<hbm>>
        tpu.enqueue_dma source(%dma_start3A_39 : memref<128xi32, #tpu.memory_space<hbm>>) target(%dma_start3A_38 : memref<128xi32, #tpu.memory_space<vmem>>) target_semaphore(%arg16 : memref<!tpu.dma_semaphore, #tpu.memory_space<semaphore_mem>>)
        %mul3A_40 = arith.constant 2048 : i32
        %mul3A_41 = arith.muli %squeeze3A, %mul3A_40 : i32
        %dma_start3A_42 = arith.constant 0 : i32
        %dma_start3A_43 = tpu.memref_slice %arg12[%dma_start3A_42] : memref<4096xi32, #tpu.memory_space<vmem>> -> memref<2048xi32, #tpu.memory_space<vmem>>
        %dma_start3A_44 = tpu.memref_slice %arg5[%mul3A_41] : memref<25632768xi32, #tpu.memory_space<hbm>> -> memref<2048xi32, #tpu.memory_space<hbm>>
        %dma_start3A_45 = arith.constant 0 : i32
        %dma_start3A_46 = tpu.memref_slice %arg12[%dma_start3A_45] : memref<4096xi32, #tpu.memory_space<vmem>> -> memref<2048xi32, #tpu.memory_space<vmem>>
        %dma_start3A_47 = tpu.memref_slice %arg5[%mul3A_41] : memref<25632768xi32, #tpu.memory_space<hbm>> -> memref<2048xi32, #tpu.memory_space<hbm>>
        tpu.enqueue_dma source(%dma_start3A_47 : memref<2048xi32, #tpu.memory_space<hbm>>) target(%dma_start3A_46 : memref<2048xi32, #tpu.memory_space<vmem>>) target_semaphore(%arg16 : memref<!tpu.dma_semaphore, #tpu.memory_space<semaphore_mem>>)
      } else {
      }
      %while3A = arith.constant 0 : i32
      %while3A_20 = arith.constant 0 : i32
      %while3A_21 = arith.subi %squeeze3A_15, %while3A : i32
      %while3A_22 = arith.addi %while3A, %while3A_21 : i32
      %while3A_23 = arith.constant 1 : i32
      %while3A_24 = arith.divsi %while3A_21, %while3A_23 : i32
      %while3A_25 = arith.muli %while3A_24, %while3A_23 : i32
      %while3A_26 = arith.addi %while3A, %while3A_25 : i32
      %while3A_27 = arith.constant 1 : i32
      %while3A_28 = scf.for %while3A_33 = %while3A to %while3A_26 step %while3A_27 iter_args(%while3A_34 = %while3A_20) -> (i32)  : i32 {
        %and3A = arith.constant 1 : i32
        %and3A_35 = arith.andi %while3A_33, %and3A : i32
        %add3A_36 = arith.addi %squeeze3A, %while3A_33 : i32
        %mul3A_37 = arith.constant 128 : i32
        %mul3A_38 = arith.muli %add3A_36, %mul3A_37 : i32
        %mul3A_39 = arith.constant 128 : i32
        %mul3A_40 = arith.muli %and3A_35, %mul3A_39 : i32
        %dma_wait3A = tpu.memref_slice %arg11[%mul3A_40] : memref<256xi32, #tpu.memory_space<vmem>> -> memref<128xi32, #tpu.memory_space<vmem>>
        %dma_wait3A_41 = tpu.memref_slice %arg4[%mul3A_38] : memref<1602048xi32, #tpu.memory_space<hbm>> -> memref<128xi32, #tpu.memory_space<hbm>>
        %dma_wait3A_42 = tpu.memref_slice %arg11[%mul3A_40] : memref<256xi32, #tpu.memory_space<vmem>> -> memref<128xi32, #tpu.memory_space<vmem>>
        %dma_wait3A_43 = tpu.memref_slice %arg4[%mul3A_38] : memref<1602048xi32, #tpu.memory_space<hbm>> -> memref<128xi32, #tpu.memory_space<hbm>>
        tpu.wait_dma2 semaphore(%arg16 : memref<!tpu.dma_semaphore, #tpu.memory_space<semaphore_mem>>) src(%dma_wait3A_43 : memref<128xi32, #tpu.memory_space<hbm>>) dst(%dma_wait3A_42 : memref<128xi32, #tpu.memory_space<vmem>>)
        %mul3A_44 = arith.constant 2048 : i32
        %mul3A_45 = arith.muli %add3A_36, %mul3A_44 : i32
        %mul3A_46 = arith.constant 2048 : i32
        %mul3A_47 = arith.muli %and3A_35, %mul3A_46 : i32
        %dma_wait3A_48 = tpu.memref_slice %arg12[%mul3A_47] : memref<4096xi32, #tpu.memory_space<vmem>> -> memref<2048xi32, #tpu.memory_space<vmem>>
        %dma_wait3A_49 = tpu.memref_slice %arg5[%mul3A_45] : memref<25632768xi32, #tpu.memory_space<hbm>> -> memref<2048xi32, #tpu.memory_space<hbm>>
        %dma_wait3A_50 = tpu.memref_slice %arg12[%mul3A_47] : memref<4096xi32, #tpu.memory_space<vmem>> -> memref<2048xi32, #tpu.memory_space<vmem>>
        %dma_wait3A_51 = tpu.memref_slice %arg5[%mul3A_45] : memref<25632768xi32, #tpu.memory_space<hbm>> -> memref<2048xi32, #tpu.memory_space<hbm>>
        tpu.wait_dma2 semaphore(%arg16 : memref<!tpu.dma_semaphore, #tpu.memory_space<semaphore_mem>>) src(%dma_wait3A_51 : memref<2048xi32, #tpu.memory_space<hbm>>) dst(%dma_wait3A_50 : memref<2048xi32, #tpu.memory_space<vmem>>)
        %add3A_52 = arith.constant 1 : i32
        %add3A_53 = arith.addi %while3A_33, %add3A_52 : i32
        %lt3A = arith.cmpi slt, %add3A_53, %squeeze3A_15 : i32
        %convert_element_type3A_54 = arith.extui %lt3A : i1 to i32
        %cond3A_55 = arith.constant 0 : i32
        %cond3A_56 = arith.cmpi ne, %convert_element_type3A_54, %cond3A_55 : i32
        scf.if %cond3A_56 {
          %add3A_75 = arith.constant 1 : i32
          %add3A_76 = arith.addi %add3A_36, %add3A_75 : i32
          %add3A_77 = arith.constant 1 : i32
          %add3A_78 = arith.addi %while3A_33, %add3A_77 : i32
          %and3A_79 = arith.constant 1 : i32
          %and3A_80 = arith.andi %add3A_78, %and3A_79 : i32
          %mul3A_81 = arith.constant 128 : i32
          %mul3A_82 = arith.muli %add3A_76, %mul3A_81 : i32
          %mul3A_83 = arith.constant 128 : i32
          %mul3A_84 = arith.muli %and3A_80, %mul3A_83 : i32
          %dma_start3A_85 = tpu.memref_slice %arg11[%mul3A_84] : memref<256xi32, #tpu.memory_space<vmem>> -> memref<128xi32, #tpu.memory_space<vmem>>
          %dma_start3A_86 = tpu.memref_slice %arg4[%mul3A_82] : memref<1602048xi32, #tpu.memory_space<hbm>> -> memref<128xi32, #tpu.memory_space<hbm>>
          %dma_start3A_87 = tpu.memref_slice %arg11[%mul3A_84] : memref<256xi32, #tpu.memory_space<vmem>> -> memref<128xi32, #tpu.memory_space<vmem>>
          %dma_start3A_88 = tpu.memref_slice %arg4[%mul3A_82] : memref<1602048xi32, #tpu.memory_space<hbm>> -> memref<128xi32, #tpu.memory_space<hbm>>
          tpu.enqueue_dma source(%dma_start3A_88 : memref<128xi32, #tpu.memory_space<hbm>>) target(%dma_start3A_87 : memref<128xi32, #tpu.memory_space<vmem>>) target_semaphore(%arg16 : memref<!tpu.dma_semaphore, #tpu.memory_space<semaphore_mem>>)
          %mul3A_89 = arith.constant 2048 : i32
          %mul3A_90 = arith.muli %add3A_76, %mul3A_89 : i32
          %mul3A_91 = arith.constant 2048 : i32
          %mul3A_92 = arith.muli %and3A_80, %mul3A_91 : i32
          %dma_start3A_93 = tpu.memref_slice %arg12[%mul3A_92] : memref<4096xi32, #tpu.memory_space<vmem>> -> memref<2048xi32, #tpu.memory_space<vmem>>
          %dma_start3A_94 = tpu.memref_slice %arg5[%mul3A_90] : memref<25632768xi32, #tpu.memory_space<hbm>> -> memref<2048xi32, #tpu.memory_space<hbm>>
          %dma_start3A_95 = tpu.memref_slice %arg12[%mul3A_92] : memref<4096xi32, #tpu.memory_space<vmem>> -> memref<2048xi32, #tpu.memory_space<vmem>>
          %dma_start3A_96 = tpu.memref_slice %arg5[%mul3A_90] : memref<25632768xi32, #tpu.memory_space<hbm>> -> memref<2048xi32, #tpu.memory_space<hbm>>
          tpu.enqueue_dma source(%dma_start3A_96 : memref<2048xi32, #tpu.memory_space<hbm>>) target(%dma_start3A_95 : memref<2048xi32, #tpu.memory_space<vmem>>) target_semaphore(%arg16 : memref<!tpu.dma_semaphore, #tpu.memory_space<semaphore_mem>>)
        } else {
        }
        %mul3A_57 = arith.constant 128 : i32
        %mul3A_58 = arith.muli %and3A_35, %mul3A_57 : i32
        %dma_start3A = tpu.memref_slice %arg11[%mul3A_58] : memref<256xi32, #tpu.memory_space<vmem>> -> memref<128xi32, #tpu.memory_space<vmem>>
        %dma_start3A_59 = arith.constant 0 : i32
        %dma_start3A_60 = arith.constant 0 : i32
        %dma_start3A_61 = tpu.memref_slice %arg2[%dma_start3A_59, %dma_start3A_60] : memref<102400x128xf32, #tpu.memory_space<hbm>> -> memref<102400x128xf32, #tpu.memory_space<hbm>>
        tpu.enqueue_indirect_dma source(%dma_start3A_61 : memref<102400x128xf32, #tpu.memory_space<hbm>>) target(%arg13 : memref<128x128xf32, #tpu.memory_space<vmem>>) offsets(%dma_start3A : memref<128xi32, #tpu.memory_space<vmem>>) semaphore(%arg15 : memref<!tpu.dma_semaphore, #tpu.memory_space<semaphore_mem>>)
        %dma_wait3A_62 = tpu.memref_slice %arg11[%mul3A_58] : memref<256xi32, #tpu.memory_space<vmem>> -> memref<128xi32, #tpu.memory_space<vmem>>
        %dma_wait3A_63 = arith.constant 0 : i32
        %dma_wait3A_64 = arith.constant 0 : i32
        %dma_wait3A_65 = tpu.memref_slice %arg2[%dma_wait3A_63, %dma_wait3A_64] : memref<102400x128xf32, #tpu.memory_space<hbm>> -> memref<102400x128xf32, #tpu.memory_space<hbm>>
        tpu.wait_indirect_dma semaphore(%arg15 : memref<!tpu.dma_semaphore, #tpu.memory_space<semaphore_mem>>) src(%dma_wait3A_65 : memref<102400x128xf32, #tpu.memory_space<hbm>>) dst(%arg13 : memref<128x128xf32, #tpu.memory_space<vmem>>)
        %mul3A_66 = arith.constant 2048 : i32
        %mul3A_67 = arith.muli %and3A_35, %mul3A_66 : i32
        %scan3A = arith.constant 0 : i32
        %scan3A_68 = arith.constant 0 : i32
        %scan3A_69 = arith.constant 128 : i32
        %scan3A_70 = arith.addi %scan3A_68, %scan3A_69 : i32
        %scan3A_71 = arith.constant 1 : i32
        %scan3A_72 = scf.for %scan3A_75 = %scan3A_68 to %scan3A_70 step %scan3A_71 iter_args(%scan3A_76 = %scan3A) -> (i32)  : i32 {
          %get3A_77 = arith.index_cast %scan3A_75 : i32 to index
          %get3A_78 = arith.constant 0 : index
          %get3A_79 = tpu.vector_load %arg13[%get3A_77, %get3A_78] {strides = array<i32>} : memref<128x128xf32, #tpu.memory_space<vmem>>, vector<16xf32>,
          %mul3A_80 = arith.constant 16 : i32
          %mul3A_81 = arith.muli %scan3A_75, %mul3A_80 : i32
          %add3A_82 = arith.addi %mul3A_67, %mul3A_81 : i32
          %get3A_83 = arith.index_cast %add3A_82 : i32 to index
          %get3A_84 = tpu.vector_load %arg12[%get3A_83] {strides = array<i32>} : memref<4096xi32, #tpu.memory_space<vmem>>, vector<16xi32>,
          tpu.vector_store_idx %arg10[%get3A_84], %get3A_79 {add = true} : memref<102528xf32, #tpu.memory_space<vmem>>[vector<16xi32>], vector<16xf32>,
          %scan3A_85 = arith.constant 0 : i32
          scf.yield %scan3A_85 : i32
        }
        %scan3A_73 = arith.constant 128 : i32
        %while3A_74 = arith.constant 0 : i32
        scf.yield %while3A_74 : i32
      }
      %while3A_29 = arith.constant 1 : i32
      %while3A_30 = scf.for %while3A_33 = %while3A_26 to %while3A_22 step %while3A_29 iter_args(%while3A_34 = %while3A_28) -> (i32)  : i32 {
        %and3A = arith.constant 1 : i32
        %and3A_35 = arith.andi %while3A_33, %and3A : i32
        %add3A_36 = arith.addi %squeeze3A, %while3A_33 : i32
        %mul3A_37 = arith.constant 128 : i32
        %mul3A_38 = arith.muli %add3A_36, %mul3A_37 : i32
        %mul3A_39 = arith.constant 128 : i32
        %mul3A_40 = arith.muli %and3A_35, %mul3A_39 : i32
        %dma_wait3A = tpu.memref_slice %arg11[%mul3A_40] : memref<256xi32, #tpu.memory_space<vmem>> -> memref<128xi32, #tpu.memory_space<vmem>>
        %dma_wait3A_41 = tpu.memref_slice %arg4[%mul3A_38] : memref<1602048xi32, #tpu.memory_space<hbm>> -> memref<128xi32, #tpu.memory_space<hbm>>
        %dma_wait3A_42 = tpu.memref_slice %arg11[%mul3A_40] : memref<256xi32, #tpu.memory_space<vmem>> -> memref<128xi32, #tpu.memory_space<vmem>>
        %dma_wait3A_43 = tpu.memref_slice %arg4[%mul3A_38] : memref<1602048xi32, #tpu.memory_space<hbm>> -> memref<128xi32, #tpu.memory_space<hbm>>
        tpu.wait_dma2 semaphore(%arg16 : memref<!tpu.dma_semaphore, #tpu.memory_space<semaphore_mem>>) src(%dma_wait3A_43 : memref<128xi32, #tpu.memory_space<hbm>>) dst(%dma_wait3A_42 : memref<128xi32, #tpu.memory_space<vmem>>)
        %mul3A_44 = arith.constant 2048 : i32
        %mul3A_45 = arith.muli %add3A_36, %mul3A_44 : i32
        %mul3A_46 = arith.constant 2048 : i32
        %mul3A_47 = arith.muli %and3A_35, %mul3A_46 : i32
        %dma_wait3A_48 = tpu.memref_slice %arg12[%mul3A_47] : memref<4096xi32, #tpu.memory_space<vmem>> -> memref<2048xi32, #tpu.memory_space<vmem>>
        %dma_wait3A_49 = tpu.memref_slice %arg5[%mul3A_45] : memref<25632768xi32, #tpu.memory_space<hbm>> -> memref<2048xi32, #tpu.memory_space<hbm>>
        %dma_wait3A_50 = tpu.memref_slice %arg12[%mul3A_47] : memref<4096xi32, #tpu.memory_space<vmem>> -> memref<2048xi32, #tpu.memory_space<vmem>>
        %dma_wait3A_51 = tpu.memref_slice %arg5[%mul3A_45] : memref<25632768xi32, #tpu.memory_space<hbm>> -> memref<2048xi32, #tpu.memory_space<hbm>>
        tpu.wait_dma2 semaphore(%arg16 : memref<!tpu.dma_semaphore, #tpu.memory_space<semaphore_mem>>) src(%dma_wait3A_51 : memref<2048xi32, #tpu.memory_space<hbm>>) dst(%dma_wait3A_50 : memref<2048xi32, #tpu.memory_space<vmem>>)
        %add3A_52 = arith.constant 1 : i32
        %add3A_53 = arith.addi %while3A_33, %add3A_52 : i32
        %lt3A = arith.cmpi slt, %add3A_53, %squeeze3A_15 : i32
        %convert_element_type3A_54 = arith.extui %lt3A : i1 to i32
        %cond3A_55 = arith.constant 0 : i32
        %cond3A_56 = arith.cmpi ne, %convert_element_type3A_54, %cond3A_55 : i32
        scf.if %cond3A_56 {
          %add3A_75 = arith.constant 1 : i32
          %add3A_76 = arith.addi %add3A_36, %add3A_75 : i32
          %add3A_77 = arith.constant 1 : i32
          %add3A_78 = arith.addi %while3A_33, %add3A_77 : i32
          %and3A_79 = arith.constant 1 : i32
          %and3A_80 = arith.andi %add3A_78, %and3A_79 : i32
          %mul3A_81 = arith.constant 128 : i32
          %mul3A_82 = arith.muli %add3A_76, %mul3A_81 : i32
          %mul3A_83 = arith.constant 128 : i32
          %mul3A_84 = arith.muli %and3A_80, %mul3A_83 : i32
          %dma_start3A_85 = tpu.memref_slice %arg11[%mul3A_84] : memref<256xi32, #tpu.memory_space<vmem>> -> memref<128xi32, #tpu.memory_space<vmem>>
          %dma_start3A_86 = tpu.memref_slice %arg4[%mul3A_82] : memref<1602048xi32, #tpu.memory_space<hbm>> -> memref<128xi32, #tpu.memory_space<hbm>>
          %dma_start3A_87 = tpu.memref_slice %arg11[%mul3A_84] : memref<256xi32, #tpu.memory_space<vmem>> -> memref<128xi32, #tpu.memory_space<vmem>>
          %dma_start3A_88 = tpu.memref_slice %arg4[%mul3A_82] : memref<1602048xi32, #tpu.memory_space<hbm>> -> memref<128xi32, #tpu.memory_space<hbm>>
          tpu.enqueue_dma source(%dma_start3A_88 : memref<128xi32, #tpu.memory_space<hbm>>) target(%dma_start3A_87 : memref<128xi32, #tpu.memory_space<vmem>>) target_semaphore(%arg16 : memref<!tpu.dma_semaphore, #tpu.memory_space<semaphore_mem>>)
          %mul3A_89 = arith.constant 2048 : i32
          %mul3A_90 = arith.muli %add3A_76, %mul3A_89 : i32
          %mul3A_91 = arith.constant 2048 : i32
          %mul3A_92 = arith.muli %and3A_80, %mul3A_91 : i32
          %dma_start3A_93 = tpu.memref_slice %arg12[%mul3A_92] : memref<4096xi32, #tpu.memory_space<vmem>> -> memref<2048xi32, #tpu.memory_space<vmem>>
          %dma_start3A_94 = tpu.memref_slice %arg5[%mul3A_90] : memref<25632768xi32, #tpu.memory_space<hbm>> -> memref<2048xi32, #tpu.memory_space<hbm>>
          %dma_start3A_95 = tpu.memref_slice %arg12[%mul3A_92] : memref<4096xi32, #tpu.memory_space<vmem>> -> memref<2048xi32, #tpu.memory_space<vmem>>
          %dma_start3A_96 = tpu.memref_slice %arg5[%mul3A_90] : memref<25632768xi32, #tpu.memory_space<hbm>> -> memref<2048xi32, #tpu.memory_space<hbm>>
          tpu.enqueue_dma source(%dma_start3A_96 : memref<2048xi32, #tpu.memory_space<hbm>>) target(%dma_start3A_95 : memref<2048xi32, #tpu.memory_space<vmem>>) target_semaphore(%arg16 : memref<!tpu.dma_semaphore, #tpu.memory_space<semaphore_mem>>)
        } else {
        }
        %mul3A_57 = arith.constant 128 : i32
        %mul3A_58 = arith.muli %and3A_35, %mul3A_57 : i32
        %dma_start3A = tpu.memref_slice %arg11[%mul3A_58] : memref<256xi32, #tpu.memory_space<vmem>> -> memref<128xi32, #tpu.memory_space<vmem>>
        %dma_start3A_59 = arith.constant 0 : i32
        %dma_start3A_60 = arith.constant 0 : i32
        %dma_start3A_61 = tpu.memref_slice %arg2[%dma_start3A_59, %dma_start3A_60] : memref<102400x128xf32, #tpu.memory_space<hbm>> -> memref<102400x128xf32, #tpu.memory_space<hbm>>
        tpu.enqueue_indirect_dma source(%dma_start3A_61 : memref<102400x128xf32, #tpu.memory_space<hbm>>) target(%arg13 : memref<128x128xf32, #tpu.memory_space<vmem>>) offsets(%dma_start3A : memref<128xi32, #tpu.memory_space<vmem>>) semaphore(%arg15 : memref<!tpu.dma_semaphore, #tpu.memory_space<semaphore_mem>>)
        %dma_wait3A_62 = tpu.memref_slice %arg11[%mul3A_58] : memref<256xi32, #tpu.memory_space<vmem>> -> memref<128xi32, #tpu.memory_space<vmem>>
        %dma_wait3A_63 = arith.constant 0 : i32
        %dma_wait3A_64 = arith.constant 0 : i32
        %dma_wait3A_65 = tpu.memref_slice %arg2[%dma_wait3A_63, %dma_wait3A_64] : memref<102400x128xf32, #tpu.memory_space<hbm>> -> memref<102400x128xf32, #tpu.memory_space<hbm>>
        tpu.wait_indirect_dma semaphore(%arg15 : memref<!tpu.dma_semaphore, #tpu.memory_space<semaphore_mem>>) src(%dma_wait3A_65 : memref<102400x128xf32, #tpu.memory_space<hbm>>) dst(%arg13 : memref<128x128xf32, #tpu.memory_space<vmem>>)
        %mul3A_66 = arith.constant 2048 : i32
        %mul3A_67 = arith.muli %and3A_35, %mul3A_66 : i32
        %scan3A = arith.constant 0 : i32
        %scan3A_68 = arith.constant 0 : i32
        %scan3A_69 = arith.constant 128 : i32
        %scan3A_70 = arith.addi %scan3A_68, %scan3A_69 : i32
        %scan3A_71 = arith.constant 1 : i32
        %scan3A_72 = scf.for %scan3A_75 = %scan3A_68 to %scan3A_70 step %scan3A_71 iter_args(%scan3A_76 = %scan3A) -> (i32)  : i32 {
          %get3A_77 = arith.index_cast %scan3A_75 : i32 to index
          %get3A_78 = arith.constant 0 : index
          %get3A_79 = tpu.vector_load %arg13[%get3A_77, %get3A_78] {strides = array<i32>} : memref<128x128xf32, #tpu.memory_space<vmem>>, vector<16xf32>,
          %mul3A_80 = arith.constant 16 : i32
          %mul3A_81 = arith.muli %scan3A_75, %mul3A_80 : i32
          %add3A_82 = arith.addi %mul3A_67, %mul3A_81 : i32
          %get3A_83 = arith.index_cast %add3A_82 : i32 to index
          %get3A_84 = tpu.vector_load %arg12[%get3A_83] {strides = array<i32>} : memref<4096xi32, #tpu.memory_space<vmem>>, vector<16xi32>,
          tpu.vector_store_idx %arg10[%get3A_84], %get3A_79 {add = true} : memref<102528xf32, #tpu.memory_space<vmem>>[vector<16xi32>], vector<16xf32>,
          %scan3A_85 = arith.constant 0 : i32
          scf.yield %scan3A_85 : i32
        }
        %scan3A_73 = arith.constant 128 : i32
        %while3A_74 = arith.constant 0 : i32
        scf.yield %while3A_74 : i32
      }
      %mul3A_31 = arith.constant 102400 : i32
      %mul3A_32 = arith.muli %arg1, %mul3A_31 : i32
      "tpu.region"() ({
        %run_scoped3A = tpu.sem_alloc : memref<!tpu.dma_semaphore, #tpu.memory_space<semaphore_mem>>
        %dma_start3A = arith.constant 0 : i32
        %dma_start3A_33 = tpu.memref_slice %arg10[%dma_start3A] : memref<102528xf32, #tpu.memory_space<vmem>> -> memref<102400xf32, #tpu.memory_space<vmem>>
        %dma_start3A_34 = tpu.memref_slice %arg8[%mul3A_32] : memref<1638400xf32, #tpu.memory_space<hbm>> -> memref<102400xf32, #tpu.memory_space<hbm>>
        %dma_start3A_35 = tpu.memref_slice %arg8[%mul3A_32] : memref<1638400xf32, #tpu.memory_space<hbm>> -> memref<102400xf32, #tpu.memory_space<hbm>>
        %dma_start3A_36 = arith.constant 0 : i32
        %dma_start3A_37 = tpu.memref_slice %arg10[%dma_start3A_36] : memref<102528xf32, #tpu.memory_space<vmem>> -> memref<102400xf32, #tpu.memory_space<vmem>>
        tpu.enqueue_dma source(%dma_start3A_37 : memref<102400xf32, #tpu.memory_space<vmem>>) target(%dma_start3A_35 : memref<102400xf32, #tpu.memory_space<hbm>>) target_semaphore(%run_scoped3A : memref<!tpu.dma_semaphore, #tpu.memory_space<semaphore_mem>>)
        %dma_wait3A = arith.constant 0 : i32
        %dma_wait3A_38 = tpu.memref_slice %arg10[%dma_wait3A] : memref<102528xf32, #tpu.memory_space<vmem>> -> memref<102400xf32, #tpu.memory_space<vmem>>
        %dma_wait3A_39 = tpu.memref_slice %arg8[%mul3A_32] : memref<1638400xf32, #tpu.memory_space<hbm>> -> memref<102400xf32, #tpu.memory_space<hbm>>
        %dma_wait3A_40 = tpu.memref_slice %arg8[%mul3A_32] : memref<1638400xf32, #tpu.memory_space<hbm>> -> memref<102400xf32, #tpu.memory_space<hbm>>
        %dma_wait3A_41 = arith.constant 0 : i32
        %dma_wait3A_42 = tpu.memref_slice %arg10[%dma_wait3A_41] : memref<102528xf32, #tpu.memory_space<vmem>> -> memref<102400xf32, #tpu.memory_space<vmem>>
        tpu.wait_dma2 semaphore(%run_scoped3A : memref<!tpu.dma_semaphore, #tpu.memory_space<semaphore_mem>>) src(%dma_wait3A_42 : memref<102400xf32, #tpu.memory_space<vmem>>) dst(%dma_wait3A_40 : memref<102400xf32, #tpu.memory_space<hbm>>)
        tpu.yield
      }) : () -> ()
    } else {
    }
    %eq3A_2 = arith.constant 1 : i32
    %eq3A_3 = arith.cmpi eq, %arg0, %eq3A_2 : i32
    %convert_element_type3A_4 = arith.extui %eq3A_3 : i1 to i32
    %cond3A_5 = arith.constant 0 : i32
    %cond3A_6 = arith.cmpi ne, %convert_element_type3A_4, %cond3A_5 : i32
    scf.if %cond3A_6 {
      "tpu.region"() ({
        %run_scoped3A = tpu.sem_alloc : memref<!tpu.dma_semaphore, #tpu.memory_space<semaphore_mem>>
        tpu.enqueue_dma source(%arg7 : memref<102528xf32, #tpu.memory_space<hbm>>) target(%arg10 : memref<102528xf32, #tpu.memory_space<vmem>>) target_semaphore(%run_scoped3A : memref<!tpu.dma_semaphore, #tpu.memory_space<semaphore_mem>>)
        tpu.wait_dma2 semaphore(%run_scoped3A : memref<!tpu.dma_semaphore, #tpu.memory_space<semaphore_mem>>) src(%arg7 : memref<102528xf32, #tpu.memory_space<hbm>>) dst(%arg10 : memref<102528xf32, #tpu.memory_space<vmem>>)
        tpu.yield
      }) : () -> ()
      "tpu.region"() ({
        %run_scoped3A = tpu.sem_alloc : memref<!tpu.dma_semaphore, #tpu.memory_space<semaphore_mem>>
        tpu.enqueue_dma source(%arg6 : memref<512xi32, #tpu.memory_space<hbm>>) target(%arg14 : memref<512xi32, #tpu.memory_space<vmem>>) target_semaphore(%run_scoped3A : memref<!tpu.dma_semaphore, #tpu.memory_space<semaphore_mem>>)
        tpu.wait_dma2 semaphore(%run_scoped3A : memref<!tpu.dma_semaphore, #tpu.memory_space<semaphore_mem>>) src(%arg6 : memref<512xi32, #tpu.memory_space<hbm>>) dst(%arg14 : memref<512xi32, #tpu.memory_space<vmem>>)
        tpu.yield
      }) : () -> ()
      %mul3A = arith.constant 16 : i32
      %mul3A_7 = arith.muli %arg1, %mul3A : i32
      %get3A = arith.index_cast %mul3A_7 : i32 to index
      %get3A_8 = tpu.vector_load %arg14[%get3A] {strides = array<i32>} : memref<512xi32, #tpu.memory_space<vmem>>, vector<16xi32>,
      %slice3A = vector.extract_strided_slice %get3A_8 {offsets = [0], sizes = [1], strides = [1]} : vector<16xi32> to vector<1xi32>
      %squeeze3A = vector.extract %slice3A[0] : i32 from vector<1xi32>
      %add3A = arith.constant 16 : i32
      %add3A_9 = arith.addi %add3A, %arg1 : i32
      %mul3A_10 = arith.constant 16 : i32
      %mul3A_11 = arith.muli %add3A_9, %mul3A_10 : i32
      %get3A_12 = arith.index_cast %mul3A_11 : i32 to index
      %get3A_13 = tpu.vector_load %arg14[%get3A_12] {strides = array<i32>} : memref<512xi32, #tpu.memory_space<vmem>>, vector<16xi32>,
      %slice3A_14 = vector.extract_strided_slice %get3A_13 {offsets = [0], sizes = [1], strides = [1]} : vector<16xi32> to vector<1xi32>
      %squeeze3A_15 = vector.extract %slice3A_14[0] : i32 from vector<1xi32>
      %gt3A = arith.constant 0 : i32
      %gt3A_16 = arith.cmpi sgt, %squeeze3A_15, %gt3A : i32
      %convert_element_type3A_17 = arith.extui %gt3A_16 : i1 to i32
      %cond3A_18 = arith.constant 0 : i32
      %cond3A_19 = arith.cmpi ne, %convert_element_type3A_17, %cond3A_18 : i32
      scf.if %cond3A_19 {
        %mul3A_33 = arith.constant 128 : i32
        %mul3A_34 = arith.muli %squeeze3A, %mul3A_33 : i32
        %dma_start3A = arith.constant 0 : i32
        %dma_start3A_35 = tpu.memref_slice %arg11[%dma_start3A] : memref<256xi32, #tpu.memory_space<vmem>> -> memref<128xi32, #tpu.memory_space<vmem>>
        %dma_start3A_36 = tpu.memref_slice %arg4[%mul3A_34] : memref<1602048xi32, #tpu.memory_space<hbm>> -> memref<128xi32, #tpu.memory_space<hbm>>
        %dma_start3A_37 = arith.constant 0 : i32
        %dma_start3A_38 = tpu.memref_slice %arg11[%dma_start3A_37] : memref<256xi32, #tpu.memory_space<vmem>> -> memref<128xi32, #tpu.memory_space<vmem>>
        %dma_start3A_39 = tpu.memref_slice %arg4[%mul3A_34] : memref<1602048xi32, #tpu.memory_space<hbm>> -> memref<128xi32, #tpu.memory_space<hbm>>
        tpu.enqueue_dma source(%dma_start3A_39 : memref<128xi32, #tpu.memory_space<hbm>>) target(%dma_start3A_38 : memref<128xi32, #tpu.memory_space<vmem>>) target_semaphore(%arg16 : memref<!tpu.dma_semaphore, #tpu.memory_space<semaphore_mem>>)
        %mul3A_40 = arith.constant 2048 : i32
        %mul3A_41 = arith.muli %squeeze3A, %mul3A_40 : i32
        %dma_start3A_42 = arith.constant 0 : i32
        %dma_start3A_43 = tpu.memref_slice %arg12[%dma_start3A_42] : memref<4096xi32, #tpu.memory_space<vmem>> -> memref<2048xi32, #tpu.memory_space<vmem>>
        %dma_start3A_44 = tpu.memref_slice %arg5[%mul3A_41] : memref<25632768xi32, #tpu.memory_space<hbm>> -> memref<2048xi32, #tpu.memory_space<hbm>>
        %dma_start3A_45 = arith.constant 0 : i32
        %dma_start3A_46 = tpu.memref_slice %arg12[%dma_start3A_45] : memref<4096xi32, #tpu.memory_space<vmem>> -> memref<2048xi32, #tpu.memory_space<vmem>>
        %dma_start3A_47 = tpu.memref_slice %arg5[%mul3A_41] : memref<25632768xi32, #tpu.memory_space<hbm>> -> memref<2048xi32, #tpu.memory_space<hbm>>
        tpu.enqueue_dma source(%dma_start3A_47 : memref<2048xi32, #tpu.memory_space<hbm>>) target(%dma_start3A_46 : memref<2048xi32, #tpu.memory_space<vmem>>) target_semaphore(%arg16 : memref<!tpu.dma_semaphore, #tpu.memory_space<semaphore_mem>>)
      } else {
      }
      %while3A = arith.constant 0 : i32
      %while3A_20 = arith.constant 0 : i32
      %while3A_21 = arith.subi %squeeze3A_15, %while3A : i32
      %while3A_22 = arith.addi %while3A, %while3A_21 : i32
      %while3A_23 = arith.constant 1 : i32
      %while3A_24 = arith.divsi %while3A_21, %while3A_23 : i32
      %while3A_25 = arith.muli %while3A_24, %while3A_23 : i32
      %while3A_26 = arith.addi %while3A, %while3A_25 : i32
      %while3A_27 = arith.constant 1 : i32
      %while3A_28 = scf.for %while3A_33 = %while3A to %while3A_26 step %while3A_27 iter_args(%while3A_34 = %while3A_20) -> (i32)  : i32 {
        %and3A = arith.constant 1 : i32
        %and3A_35 = arith.andi %while3A_33, %and3A : i32
        %add3A_36 = arith.addi %squeeze3A, %while3A_33 : i32
        %mul3A_37 = arith.constant 128 : i32
        %mul3A_38 = arith.muli %add3A_36, %mul3A_37 : i32
        %mul3A_39 = arith.constant 128 : i32
        %mul3A_40 = arith.muli %and3A_35, %mul3A_39 : i32
        %dma_wait3A = tpu.memref_slice %arg11[%mul3A_40] : memref<256xi32, #tpu.memory_space<vmem>> -> memref<128xi32, #tpu.memory_space<vmem>>
        %dma_wait3A_41 = tpu.memref_slice %arg4[%mul3A_38] : memref<1602048xi32, #tpu.memory_space<hbm>> -> memref<128xi32, #tpu.memory_space<hbm>>
        %dma_wait3A_42 = tpu.memref_slice %arg11[%mul3A_40] : memref<256xi32, #tpu.memory_space<vmem>> -> memref<128xi32, #tpu.memory_space<vmem>>
        %dma_wait3A_43 = tpu.memref_slice %arg4[%mul3A_38] : memref<1602048xi32, #tpu.memory_space<hbm>> -> memref<128xi32, #tpu.memory_space<hbm>>
        tpu.wait_dma2 semaphore(%arg16 : memref<!tpu.dma_semaphore, #tpu.memory_space<semaphore_mem>>) src(%dma_wait3A_43 : memref<128xi32, #tpu.memory_space<hbm>>) dst(%dma_wait3A_42 : memref<128xi32, #tpu.memory_space<vmem>>)
        %mul3A_44 = arith.constant 2048 : i32
        %mul3A_45 = arith.muli %add3A_36, %mul3A_44 : i32
        %mul3A_46 = arith.constant 2048 : i32
        %mul3A_47 = arith.muli %and3A_35, %mul3A_46 : i32
        %dma_wait3A_48 = tpu.memref_slice %arg12[%mul3A_47] : memref<4096xi32, #tpu.memory_space<vmem>> -> memref<2048xi32, #tpu.memory_space<vmem>>
        %dma_wait3A_49 = tpu.memref_slice %arg5[%mul3A_45] : memref<25632768xi32, #tpu.memory_space<hbm>> -> memref<2048xi32, #tpu.memory_space<hbm>>
        %dma_wait3A_50 = tpu.memref_slice %arg12[%mul3A_47] : memref<4096xi32, #tpu.memory_space<vmem>> -> memref<2048xi32, #tpu.memory_space<vmem>>
        %dma_wait3A_51 = tpu.memref_slice %arg5[%mul3A_45] : memref<25632768xi32, #tpu.memory_space<hbm>> -> memref<2048xi32, #tpu.memory_space<hbm>>
        tpu.wait_dma2 semaphore(%arg16 : memref<!tpu.dma_semaphore, #tpu.memory_space<semaphore_mem>>) src(%dma_wait3A_51 : memref<2048xi32, #tpu.memory_space<hbm>>) dst(%dma_wait3A_50 : memref<2048xi32, #tpu.memory_space<vmem>>)
        %add3A_52 = arith.constant 1 : i32
        %add3A_53 = arith.addi %while3A_33, %add3A_52 : i32
        %lt3A = arith.cmpi slt, %add3A_53, %squeeze3A_15 : i32
        %convert_element_type3A_54 = arith.extui %lt3A : i1 to i32
        %cond3A_55 = arith.constant 0 : i32
        %cond3A_56 = arith.cmpi ne, %convert_element_type3A_54, %cond3A_55 : i32
        scf.if %cond3A_56 {
          %add3A_75 = arith.constant 1 : i32
          %add3A_76 = arith.addi %add3A_36, %add3A_75 : i32
          %add3A_77 = arith.constant 1 : i32
          %add3A_78 = arith.addi %while3A_33, %add3A_77 : i32
          %and3A_79 = arith.constant 1 : i32
          %and3A_80 = arith.andi %add3A_78, %and3A_79 : i32
          %mul3A_81 = arith.constant 128 : i32
          %mul3A_82 = arith.muli %add3A_76, %mul3A_81 : i32
          %mul3A_83 = arith.constant 128 : i32
          %mul3A_84 = arith.muli %and3A_80, %mul3A_83 : i32
          %dma_start3A_85 = tpu.memref_slice %arg11[%mul3A_84] : memref<256xi32, #tpu.memory_space<vmem>> -> memref<128xi32, #tpu.memory_space<vmem>>
          %dma_start3A_86 = tpu.memref_slice %arg4[%mul3A_82] : memref<1602048xi32, #tpu.memory_space<hbm>> -> memref<128xi32, #tpu.memory_space<hbm>>
          %dma_start3A_87 = tpu.memref_slice %arg11[%mul3A_84] : memref<256xi32, #tpu.memory_space<vmem>> -> memref<128xi32, #tpu.memory_space<vmem>>
          %dma_start3A_88 = tpu.memref_slice %arg4[%mul3A_82] : memref<1602048xi32, #tpu.memory_space<hbm>> -> memref<128xi32, #tpu.memory_space<hbm>>
          tpu.enqueue_dma source(%dma_start3A_88 : memref<128xi32, #tpu.memory_space<hbm>>) target(%dma_start3A_87 : memref<128xi32, #tpu.memory_space<vmem>>) target_semaphore(%arg16 : memref<!tpu.dma_semaphore, #tpu.memory_space<semaphore_mem>>)
          %mul3A_89 = arith.constant 2048 : i32
          %mul3A_90 = arith.muli %add3A_76, %mul3A_89 : i32
          %mul3A_91 = arith.constant 2048 : i32
          %mul3A_92 = arith.muli %and3A_80, %mul3A_91 : i32
          %dma_start3A_93 = tpu.memref_slice %arg12[%mul3A_92] : memref<4096xi32, #tpu.memory_space<vmem>> -> memref<2048xi32, #tpu.memory_space<vmem>>
          %dma_start3A_94 = tpu.memref_slice %arg5[%mul3A_90] : memref<25632768xi32, #tpu.memory_space<hbm>> -> memref<2048xi32, #tpu.memory_space<hbm>>
          %dma_start3A_95 = tpu.memref_slice %arg12[%mul3A_92] : memref<4096xi32, #tpu.memory_space<vmem>> -> memref<2048xi32, #tpu.memory_space<vmem>>
          %dma_start3A_96 = tpu.memref_slice %arg5[%mul3A_90] : memref<25632768xi32, #tpu.memory_space<hbm>> -> memref<2048xi32, #tpu.memory_space<hbm>>
          tpu.enqueue_dma source(%dma_start3A_96 : memref<2048xi32, #tpu.memory_space<hbm>>) target(%dma_start3A_95 : memref<2048xi32, #tpu.memory_space<vmem>>) target_semaphore(%arg16 : memref<!tpu.dma_semaphore, #tpu.memory_space<semaphore_mem>>)
        } else {
        }
        %mul3A_57 = arith.constant 128 : i32
        %mul3A_58 = arith.muli %and3A_35, %mul3A_57 : i32
        %dma_start3A = tpu.memref_slice %arg11[%mul3A_58] : memref<256xi32, #tpu.memory_space<vmem>> -> memref<128xi32, #tpu.memory_space<vmem>>
        %dma_start3A_59 = arith.constant 0 : i32
        %dma_start3A_60 = arith.constant 0 : i32
        %dma_start3A_61 = tpu.memref_slice %arg3[%dma_start3A_59, %dma_start3A_60] : memref<102400x128xf32, #tpu.memory_space<hbm>> -> memref<102400x128xf32, #tpu.memory_space<hbm>>
        tpu.enqueue_indirect_dma source(%dma_start3A_61 : memref<102400x128xf32, #tpu.memory_space<hbm>>) target(%arg13 : memref<128x128xf32, #tpu.memory_space<vmem>>) offsets(%dma_start3A : memref<128xi32, #tpu.memory_space<vmem>>) semaphore(%arg15 : memref<!tpu.dma_semaphore, #tpu.memory_space<semaphore_mem>>)
        %dma_wait3A_62 = tpu.memref_slice %arg11[%mul3A_58] : memref<256xi32, #tpu.memory_space<vmem>> -> memref<128xi32, #tpu.memory_space<vmem>>
        %dma_wait3A_63 = arith.constant 0 : i32
        %dma_wait3A_64 = arith.constant 0 : i32
        %dma_wait3A_65 = tpu.memref_slice %arg3[%dma_wait3A_63, %dma_wait3A_64] : memref<102400x128xf32, #tpu.memory_space<hbm>> -> memref<102400x128xf32, #tpu.memory_space<hbm>>
        tpu.wait_indirect_dma semaphore(%arg15 : memref<!tpu.dma_semaphore, #tpu.memory_space<semaphore_mem>>) src(%dma_wait3A_65 : memref<102400x128xf32, #tpu.memory_space<hbm>>) dst(%arg13 : memref<128x128xf32, #tpu.memory_space<vmem>>)
        %mul3A_66 = arith.constant 2048 : i32
        %mul3A_67 = arith.muli %and3A_35, %mul3A_66 : i32
        %scan3A = arith.constant 0 : i32
        %scan3A_68 = arith.constant 0 : i32
        %scan3A_69 = arith.constant 128 : i32
        %scan3A_70 = arith.addi %scan3A_68, %scan3A_69 : i32
        %scan3A_71 = arith.constant 1 : i32
        %scan3A_72 = scf.for %scan3A_75 = %scan3A_68 to %scan3A_70 step %scan3A_71 iter_args(%scan3A_76 = %scan3A) -> (i32)  : i32 {
          %get3A_77 = arith.index_cast %scan3A_75 : i32 to index
          %get3A_78 = arith.constant 0 : index
          %get3A_79 = tpu.vector_load %arg13[%get3A_77, %get3A_78] {strides = array<i32>} : memref<128x128xf32, #tpu.memory_space<vmem>>, vector<16xf32>,
          %mul3A_80 = arith.constant 16 : i32
          %mul3A_81 = arith.muli %scan3A_75, %mul3A_80 : i32
          %add3A_82 = arith.addi %mul3A_67, %mul3A_81 : i32
          %get3A_83 = arith.index_cast %add3A_82 : i32 to index
          %get3A_84 = tpu.vector_load %arg12[%get3A_83] {strides = array<i32>} : memref<4096xi32, #tpu.memory_space<vmem>>, vector<16xi32>,
          tpu.vector_store_idx %arg10[%get3A_84], %get3A_79 {add = true} : memref<102528xf32, #tpu.memory_space<vmem>>[vector<16xi32>], vector<16xf32>,
          %scan3A_85 = arith.constant 0 : i32
          scf.yield %scan3A_85 : i32
        }
        %scan3A_73 = arith.constant 128 : i32
        %while3A_74 = arith.constant 0 : i32
        scf.yield %while3A_74 : i32
      }
      %while3A_29 = arith.constant 1 : i32
      %while3A_30 = scf.for %while3A_33 = %while3A_26 to %while3A_22 step %while3A_29 iter_args(%while3A_34 = %while3A_28) -> (i32)  : i32 {
        %and3A = arith.constant 1 : i32
        %and3A_35 = arith.andi %while3A_33, %and3A : i32
        %add3A_36 = arith.addi %squeeze3A, %while3A_33 : i32
        %mul3A_37 = arith.constant 128 : i32
        %mul3A_38 = arith.muli %add3A_36, %mul3A_37 : i32
        %mul3A_39 = arith.constant 128 : i32
        %mul3A_40 = arith.muli %and3A_35, %mul3A_39 : i32
        %dma_wait3A = tpu.memref_slice %arg11[%mul3A_40] : memref<256xi32, #tpu.memory_space<vmem>> -> memref<128xi32, #tpu.memory_space<vmem>>
        %dma_wait3A_41 = tpu.memref_slice %arg4[%mul3A_38] : memref<1602048xi32, #tpu.memory_space<hbm>> -> memref<128xi32, #tpu.memory_space<hbm>>
        %dma_wait3A_42 = tpu.memref_slice %arg11[%mul3A_40] : memref<256xi32, #tpu.memory_space<vmem>> -> memref<128xi32, #tpu.memory_space<vmem>>
        %dma_wait3A_43 = tpu.memref_slice %arg4[%mul3A_38] : memref<1602048xi32, #tpu.memory_space<hbm>> -> memref<128xi32, #tpu.memory_space<hbm>>
        tpu.wait_dma2 semaphore(%arg16 : memref<!tpu.dma_semaphore, #tpu.memory_space<semaphore_mem>>) src(%dma_wait3A_43 : memref<128xi32, #tpu.memory_space<hbm>>) dst(%dma_wait3A_42 : memref<128xi32, #tpu.memory_space<vmem>>)
        %mul3A_44 = arith.constant 2048 : i32
        %mul3A_45 = arith.muli %add3A_36, %mul3A_44 : i32
        %mul3A_46 = arith.constant 2048 : i32
        %mul3A_47 = arith.muli %and3A_35, %mul3A_46 : i32
        %dma_wait3A_48 = tpu.memref_slice %arg12[%mul3A_47] : memref<4096xi32, #tpu.memory_space<vmem>> -> memref<2048xi32, #tpu.memory_space<vmem>>
        %dma_wait3A_49 = tpu.memref_slice %arg5[%mul3A_45] : memref<25632768xi32, #tpu.memory_space<hbm>> -> memref<2048xi32, #tpu.memory_space<hbm>>
        %dma_wait3A_50 = tpu.memref_slice %arg12[%mul3A_47] : memref<4096xi32, #tpu.memory_space<vmem>> -> memref<2048xi32, #tpu.memory_space<vmem>>
        %dma_wait3A_51 = tpu.memref_slice %arg5[%mul3A_45] : memref<25632768xi32, #tpu.memory_space<hbm>> -> memref<2048xi32, #tpu.memory_space<hbm>>
        tpu.wait_dma2 semaphore(%arg16 : memref<!tpu.dma_semaphore, #tpu.memory_space<semaphore_mem>>) src(%dma_wait3A_51 : memref<2048xi32, #tpu.memory_space<hbm>>) dst(%dma_wait3A_50 : memref<2048xi32, #tpu.memory_space<vmem>>)
        %add3A_52 = arith.constant 1 : i32
        %add3A_53 = arith.addi %while3A_33, %add3A_52 : i32
        %lt3A = arith.cmpi slt, %add3A_53, %squeeze3A_15 : i32
        %convert_element_type3A_54 = arith.extui %lt3A : i1 to i32
        %cond3A_55 = arith.constant 0 : i32
        %cond3A_56 = arith.cmpi ne, %convert_element_type3A_54, %cond3A_55 : i32
        scf.if %cond3A_56 {
          %add3A_75 = arith.constant 1 : i32
          %add3A_76 = arith.addi %add3A_36, %add3A_75 : i32
          %add3A_77 = arith.constant 1 : i32
          %add3A_78 = arith.addi %while3A_33, %add3A_77 : i32
          %and3A_79 = arith.constant 1 : i32
          %and3A_80 = arith.andi %add3A_78, %and3A_79 : i32
          %mul3A_81 = arith.constant 128 : i32
          %mul3A_82 = arith.muli %add3A_76, %mul3A_81 : i32
          %mul3A_83 = arith.constant 128 : i32
          %mul3A_84 = arith.muli %and3A_80, %mul3A_83 : i32
          %dma_start3A_85 = tpu.memref_slice %arg11[%mul3A_84] : memref<256xi32, #tpu.memory_space<vmem>> -> memref<128xi32, #tpu.memory_space<vmem>>
          %dma_start3A_86 = tpu.memref_slice %arg4[%mul3A_82] : memref<1602048xi32, #tpu.memory_space<hbm>> -> memref<128xi32, #tpu.memory_space<hbm>>
          %dma_start3A_87 = tpu.memref_slice %arg11[%mul3A_84] : memref<256xi32, #tpu.memory_space<vmem>> -> memref<128xi32, #tpu.memory_space<vmem>>
          %dma_start3A_88 = tpu.memref_slice %arg4[%mul3A_82] : memref<1602048xi32, #tpu.memory_space<hbm>> -> memref<128xi32, #tpu.memory_space<hbm>>
          tpu.enqueue_dma source(%dma_start3A_88 : memref<128xi32, #tpu.memory_space<hbm>>) target(%dma_start3A_87 : memref<128xi32, #tpu.memory_space<vmem>>) target_semaphore(%arg16 : memref<!tpu.dma_semaphore, #tpu.memory_space<semaphore_mem>>)
          %mul3A_89 = arith.constant 2048 : i32
          %mul3A_90 = arith.muli %add3A_76, %mul3A_89 : i32
          %mul3A_91 = arith.constant 2048 : i32
          %mul3A_92 = arith.muli %and3A_80, %mul3A_91 : i32
          %dma_start3A_93 = tpu.memref_slice %arg12[%mul3A_92] : memref<4096xi32, #tpu.memory_space<vmem>> -> memref<2048xi32, #tpu.memory_space<vmem>>
          %dma_start3A_94 = tpu.memref_slice %arg5[%mul3A_90] : memref<25632768xi32, #tpu.memory_space<hbm>> -> memref<2048xi32, #tpu.memory_space<hbm>>
          %dma_start3A_95 = tpu.memref_slice %arg12[%mul3A_92] : memref<4096xi32, #tpu.memory_space<vmem>> -> memref<2048xi32, #tpu.memory_space<vmem>>
          %dma_start3A_96 = tpu.memref_slice %arg5[%mul3A_90] : memref<25632768xi32, #tpu.memory_space<hbm>> -> memref<2048xi32, #tpu.memory_space<hbm>>
          tpu.enqueue_dma source(%dma_start3A_96 : memref<2048xi32, #tpu.memory_space<hbm>>) target(%dma_start3A_95 : memref<2048xi32, #tpu.memory_space<vmem>>) target_semaphore(%arg16 : memref<!tpu.dma_semaphore, #tpu.memory_space<semaphore_mem>>)
        } else {
        }
        %mul3A_57 = arith.constant 128 : i32
        %mul3A_58 = arith.muli %and3A_35, %mul3A_57 : i32
        %dma_start3A = tpu.memref_slice %arg11[%mul3A_58] : memref<256xi32, #tpu.memory_space<vmem>> -> memref<128xi32, #tpu.memory_space<vmem>>
        %dma_start3A_59 = arith.constant 0 : i32
        %dma_start3A_60 = arith.constant 0 : i32
        %dma_start3A_61 = tpu.memref_slice %arg3[%dma_start3A_59, %dma_start3A_60] : memref<102400x128xf32, #tpu.memory_space<hbm>> -> memref<102400x128xf32, #tpu.memory_space<hbm>>
        tpu.enqueue_indirect_dma source(%dma_start3A_61 : memref<102400x128xf32, #tpu.memory_space<hbm>>) target(%arg13 : memref<128x128xf32, #tpu.memory_space<vmem>>) offsets(%dma_start3A : memref<128xi32, #tpu.memory_space<vmem>>) semaphore(%arg15 : memref<!tpu.dma_semaphore, #tpu.memory_space<semaphore_mem>>)
        %dma_wait3A_62 = tpu.memref_slice %arg11[%mul3A_58] : memref<256xi32, #tpu.memory_space<vmem>> -> memref<128xi32, #tpu.memory_space<vmem>>
        %dma_wait3A_63 = arith.constant 0 : i32
        %dma_wait3A_64 = arith.constant 0 : i32
        %dma_wait3A_65 = tpu.memref_slice %arg3[%dma_wait3A_63, %dma_wait3A_64] : memref<102400x128xf32, #tpu.memory_space<hbm>> -> memref<102400x128xf32, #tpu.memory_space<hbm>>
        tpu.wait_indirect_dma semaphore(%arg15 : memref<!tpu.dma_semaphore, #tpu.memory_space<semaphore_mem>>) src(%dma_wait3A_65 : memref<102400x128xf32, #tpu.memory_space<hbm>>) dst(%arg13 : memref<128x128xf32, #tpu.memory_space<vmem>>)
        %mul3A_66 = arith.constant 2048 : i32
        %mul3A_67 = arith.muli %and3A_35, %mul3A_66 : i32
        %scan3A = arith.constant 0 : i32
        %scan3A_68 = arith.constant 0 : i32
        %scan3A_69 = arith.constant 128 : i32
        %scan3A_70 = arith.addi %scan3A_68, %scan3A_69 : i32
        %scan3A_71 = arith.constant 1 : i32
        %scan3A_72 = scf.for %scan3A_75 = %scan3A_68 to %scan3A_70 step %scan3A_71 iter_args(%scan3A_76 = %scan3A) -> (i32)  : i32 {
          %get3A_77 = arith.index_cast %scan3A_75 : i32 to index
          %get3A_78 = arith.constant 0 : index
          %get3A_79 = tpu.vector_load %arg13[%get3A_77, %get3A_78] {strides = array<i32>} : memref<128x128xf32, #tpu.memory_space<vmem>>, vector<16xf32>,
          %mul3A_80 = arith.constant 16 : i32
          %mul3A_81 = arith.muli %scan3A_75, %mul3A_80 : i32
          %add3A_82 = arith.addi %mul3A_67, %mul3A_81 : i32
          %get3A_83 = arith.index_cast %add3A_82 : i32 to index
          %get3A_84 = tpu.vector_load %arg12[%get3A_83] {strides = array<i32>} : memref<4096xi32, #tpu.memory_space<vmem>>, vector<16xi32>,
          tpu.vector_store_idx %arg10[%get3A_84], %get3A_79 {add = true} : memref<102528xf32, #tpu.memory_space<vmem>>[vector<16xi32>], vector<16xf32>,
          %scan3A_85 = arith.constant 0 : i32
          scf.yield %scan3A_85 : i32
        }
        %scan3A_73 = arith.constant 128 : i32
        %while3A_74 = arith.constant 0 : i32
        scf.yield %while3A_74 : i32
      }
      %mul3A_31 = arith.constant 102400 : i32
      %mul3A_32 = arith.muli %arg1, %mul3A_31 : i32
      "tpu.region"() ({
        %run_scoped3A = tpu.sem_alloc : memref<!tpu.dma_semaphore, #tpu.memory_space<semaphore_mem>>
        %dma_start3A = arith.constant 0 : i32
        %dma_start3A_33 = tpu.memref_slice %arg10[%dma_start3A] : memref<102528xf32, #tpu.memory_space<vmem>> -> memref<102400xf32, #tpu.memory_space<vmem>>
        %dma_start3A_34 = tpu.memref_slice %arg9[%mul3A_32] : memref<1638400xf32, #tpu.memory_space<hbm>> -> memref<102400xf32, #tpu.memory_space<hbm>>
        %dma_start3A_35 = tpu.memref_slice %arg9[%mul3A_32] : memref<1638400xf32, #tpu.memory_space<hbm>> -> memref<102400xf32, #tpu.memory_space<hbm>>
        %dma_start3A_36 = arith.constant 0 : i32
        %dma_start3A_37 = tpu.memref_slice %arg10[%dma_start3A_36] : memref<102528xf32, #tpu.memory_space<vmem>> -> memref<102400xf32, #tpu.memory_space<vmem>>
        tpu.enqueue_dma source(%dma_start3A_37 : memref<102400xf32, #tpu.memory_space<vmem>>) target(%dma_start3A_35 : memref<102400xf32, #tpu.memory_space<hbm>>) target_semaphore(%run_scoped3A : memref<!tpu.dma_semaphore, #tpu.memory_space<semaphore_mem>>)
        %dma_wait3A = arith.constant 0 : i32
        %dma_wait3A_38 = tpu.memref_slice %arg10[%dma_wait3A] : memref<102528xf32, #tpu.memory_space<vmem>> -> memref<102400xf32, #tpu.memory_space<vmem>>
        %dma_wait3A_39 = tpu.memref_slice %arg9[%mul3A_32] : memref<1638400xf32, #tpu.memory_space<hbm>> -> memref<102400xf32, #tpu.memory_space<hbm>>
        %dma_wait3A_40 = tpu.memref_slice %arg9[%mul3A_32] : memref<1638400xf32, #tpu.memory_space<hbm>> -> memref<102400xf32, #tpu.memory_space<hbm>>
        %dma_wait3A_41 = arith.constant 0 : i32
        %dma_wait3A_42 = tpu.memref_slice %arg10[%dma_wait3A_41] : memref<102528xf32, #tpu.memory_space<vmem>> -> memref<102400xf32, #tpu.memory_space<vmem>>
        tpu.wait_dma2 semaphore(%run_scoped3A : memref<!tpu.dma_semaphore, #tpu.memory_space<semaphore_mem>>) src(%dma_wait3A_42 : memref<102400xf32, #tpu.memory_space<vmem>>) dst(%dma_wait3A_40 : memref<102400xf32, #tpu.memory_space<hbm>>)
        tpu.yield
      }) : () -> ()
    } else {
    }
    return
  }
}

#map = affine_map<(d0, d1) -> (0, 0)>
#map1 = affine_map<(d0, d1) -> (0)>
module attributes {stable_mosaic.version = 14 : i64} {
  func.func @_agg_body(%arg0: i32, %arg1: i32, %arg2: memref<102400x128xf32, #tpu.memory_space<hbm>>, %arg3: memref<102400x128xf32, #tpu.memory_space<hbm>>, %arg4: memref<1602048xi32, #tpu.memory_space<hbm>>, %arg5: memref<25632768xi32, #tpu.memory_space<hbm>>, %arg6: memref<512xi32, #tpu.memory_space<hbm>>, %arg7: memref<102528xf32, #tpu.memory_space<hbm>>, %arg8: memref<1638400xf32, #tpu.memory_space<hbm>>, %arg9: memref<1638400xf32, #tpu.memory_space<hbm>>, %arg10: memref<102528xf32, #tpu.memory_space<vmem>>, %arg11: memref<256xi32, #tpu.memory_space<vmem>>, %arg12: memref<4096xi32, #tpu.memory_space<vmem>>, %arg13: memref<128x128xf32, #tpu.memory_space<vmem>>, %arg14: memref<512xi32, #tpu.memory_space<vmem>>, %arg15: memref<!tpu.dma_semaphore, #tpu.memory_space<semaphore_mem>>, %arg16: memref<!tpu.dma_semaphore, #tpu.memory_space<semaphore_mem>>) attributes {dimension_semantics = [#tpu.dimension_semantics<core_parallel>, #tpu.dimension_semantics<subcore_parallel>], iteration_bounds = array<i64: 2, 16>, scalar_prefetch = 0 : i64, scratch_operands = 7 : i64, tpu.core_type = #tpu.core_type<sc_vector_subcore>, window_params = [{transform_indices = #map}, {transform_indices = #map}, {transform_indices = #map1}, {transform_indices = #map1}, {transform_indices = #map1}, {transform_indices = #map1}, {transform_indices = #map1}, {transform_indices = #map1}]} {
    %eq3A = arith.constant 0 : i32
    %eq3A_0 = arith.cmpi eq, %arg0, %eq3A : i32
    %convert_element_type3A = arith.extui %eq3A_0 : i1 to i32
    %cond3A = arith.constant 0 : i32
    %cond3A_1 = arith.cmpi ne, %convert_element_type3A, %cond3A : i32
    scf.if %cond3A_1 {
      "tpu.region"() ({
        %run_scoped3A = tpu.sem_alloc : memref<!tpu.dma_semaphore, #tpu.memory_space<semaphore_mem>>
        tpu.enqueue_dma source(%arg7 : memref<102528xf32, #tpu.memory_space<hbm>>) target(%arg10 : memref<102528xf32, #tpu.memory_space<vmem>>) target_semaphore(%run_scoped3A : memref<!tpu.dma_semaphore, #tpu.memory_space<semaphore_mem>>)
        tpu.wait_dma2 semaphore(%run_scoped3A : memref<!tpu.dma_semaphore, #tpu.memory_space<semaphore_mem>>) src(%arg7 : memref<102528xf32, #tpu.memory_space<hbm>>) dst(%arg10 : memref<102528xf32, #tpu.memory_space<vmem>>)
        tpu.yield
      }) : () -> ()
      "tpu.region"() ({
        %run_scoped3A = tpu.sem_alloc : memref<!tpu.dma_semaphore, #tpu.memory_space<semaphore_mem>>
        tpu.enqueue_dma source(%arg6 : memref<512xi32, #tpu.memory_space<hbm>>) target(%arg14 : memref<512xi32, #tpu.memory_space<vmem>>) target_semaphore(%run_scoped3A : memref<!tpu.dma_semaphore, #tpu.memory_space<semaphore_mem>>)
        tpu.wait_dma2 semaphore(%run_scoped3A : memref<!tpu.dma_semaphore, #tpu.memory_space<semaphore_mem>>) src(%arg6 : memref<512xi32, #tpu.memory_space<hbm>>) dst(%arg14 : memref<512xi32, #tpu.memory_space<vmem>>)
        tpu.yield
      }) : () -> ()
      %mul3A = arith.constant 16 : i32
      %mul3A_7 = arith.muli %arg1, %mul3A : i32
      %get3A = arith.index_cast %mul3A_7 : i32 to index
      %get3A_8 = tpu.vector_load %arg14[%get3A] {strides = array<i32>} : memref<512xi32, #tpu.memory_space<vmem>>, vector<16xi32>,
      %slice3A = vector.extract_strided_slice %get3A_8 {offsets = [0], sizes = [1], strides = [1]} : vector<16xi32> to vector<1xi32>
      %squeeze3A = vector.extract %slice3A[0] : i32 from vector<1xi32>
      %add3A = arith.constant 16 : i32
      %add3A_9 = arith.addi %add3A, %arg1 : i32
      %mul3A_10 = arith.constant 16 : i32
      %mul3A_11 = arith.muli %add3A_9, %mul3A_10 : i32
      %get3A_12 = arith.index_cast %mul3A_11 : i32 to index
      %get3A_13 = tpu.vector_load %arg14[%get3A_12] {strides = array<i32>} : memref<512xi32, #tpu.memory_space<vmem>>, vector<16xi32>,
      %slice3A_14 = vector.extract_strided_slice %get3A_13 {offsets = [0], sizes = [1], strides = [1]} : vector<16xi32> to vector<1xi32>
      %squeeze3A_15 = vector.extract %slice3A_14[0] : i32 from vector<1xi32>
      %gt3A = arith.constant 0 : i32
      %gt3A_16 = arith.cmpi sgt, %squeeze3A_15, %gt3A : i32
      %convert_element_type3A_17 = arith.extui %gt3A_16 : i1 to i32
      %cond3A_18 = arith.constant 0 : i32
      %cond3A_19 = arith.cmpi ne, %convert_element_type3A_17, %cond3A_18 : i32
      scf.if %cond3A_19 {
        %mul3A_33 = arith.constant 128 : i32
        %mul3A_34 = arith.muli %squeeze3A, %mul3A_33 : i32
        %dma_start3A = arith.constant 0 : i32
        %dma_start3A_35 = tpu.memref_slice %arg11[%dma_start3A] : memref<256xi32, #tpu.memory_space<vmem>> -> memref<128xi32, #tpu.memory_space<vmem>>
        %dma_start3A_36 = tpu.memref_slice %arg4[%mul3A_34] : memref<1602048xi32, #tpu.memory_space<hbm>> -> memref<128xi32, #tpu.memory_space<hbm>>
        %dma_start3A_37 = arith.constant 0 : i32
        %dma_start3A_38 = tpu.memref_slice %arg11[%dma_start3A_37] : memref<256xi32, #tpu.memory_space<vmem>> -> memref<128xi32, #tpu.memory_space<vmem>>
        %dma_start3A_39 = tpu.memref_slice %arg4[%mul3A_34] : memref<1602048xi32, #tpu.memory_space<hbm>> -> memref<128xi32, #tpu.memory_space<hbm>>
        tpu.enqueue_dma source(%dma_start3A_39 : memref<128xi32, #tpu.memory_space<hbm>>) target(%dma_start3A_38 : memref<128xi32, #tpu.memory_space<vmem>>) target_semaphore(%arg16 : memref<!tpu.dma_semaphore, #tpu.memory_space<semaphore_mem>>)
        %mul3A_40 = arith.constant 2048 : i32
        %mul3A_41 = arith.muli %squeeze3A, %mul3A_40 : i32
        %dma_start3A_42 = arith.constant 0 : i32
        %dma_start3A_43 = tpu.memref_slice %arg12[%dma_start3A_42] : memref<4096xi32, #tpu.memory_space<vmem>> -> memref<2048xi32, #tpu.memory_space<vmem>>
        %dma_start3A_44 = tpu.memref_slice %arg5[%mul3A_41] : memref<25632768xi32, #tpu.memory_space<hbm>> -> memref<2048xi32, #tpu.memory_space<hbm>>
        %dma_start3A_45 = arith.constant 0 : i32
        %dma_start3A_46 = tpu.memref_slice %arg12[%dma_start3A_45] : memref<4096xi32, #tpu.memory_space<vmem>> -> memref<2048xi32, #tpu.memory_space<vmem>>
        %dma_start3A_47 = tpu.memref_slice %arg5[%mul3A_41] : memref<25632768xi32, #tpu.memory_space<hbm>> -> memref<2048xi32, #tpu.memory_space<hbm>>
        tpu.enqueue_dma source(%dma_start3A_47 : memref<2048xi32, #tpu.memory_space<hbm>>) target(%dma_start3A_46 : memref<2048xi32, #tpu.memory_space<vmem>>) target_semaphore(%arg16 : memref<!tpu.dma_semaphore, #tpu.memory_space<semaphore_mem>>)
      } else {
      }
      %while3A = arith.constant 0 : i32
      %while3A_20 = arith.constant 0 : i32
      %while3A_21 = arith.subi %squeeze3A_15, %while3A : i32
      %while3A_22 = arith.addi %while3A, %while3A_21 : i32
      %while3A_23 = arith.constant 1 : i32
      %while3A_24 = arith.divsi %while3A_21, %while3A_23 : i32
      %while3A_25 = arith.muli %while3A_24, %while3A_23 : i32
      %while3A_26 = arith.addi %while3A, %while3A_25 : i32
      %while3A_27 = arith.constant 1 : i32
      %while3A_28 = scf.for %while3A_33 = %while3A to %while3A_26 step %while3A_27 iter_args(%while3A_34 = %while3A_20) -> (i32)  : i32 {
        %and3A = arith.constant 1 : i32
        %and3A_35 = arith.andi %while3A_33, %and3A : i32
        %add3A_36 = arith.addi %squeeze3A, %while3A_33 : i32
        %mul3A_37 = arith.constant 128 : i32
        %mul3A_38 = arith.muli %add3A_36, %mul3A_37 : i32
        %mul3A_39 = arith.constant 128 : i32
        %mul3A_40 = arith.muli %and3A_35, %mul3A_39 : i32
        %dma_wait3A = tpu.memref_slice %arg11[%mul3A_40] : memref<256xi32, #tpu.memory_space<vmem>> -> memref<128xi32, #tpu.memory_space<vmem>>
        %dma_wait3A_41 = tpu.memref_slice %arg4[%mul3A_38] : memref<1602048xi32, #tpu.memory_space<hbm>> -> memref<128xi32, #tpu.memory_space<hbm>>
        %dma_wait3A_42 = tpu.memref_slice %arg11[%mul3A_40] : memref<256xi32, #tpu.memory_space<vmem>> -> memref<128xi32, #tpu.memory_space<vmem>>
        %dma_wait3A_43 = tpu.memref_slice %arg4[%mul3A_38] : memref<1602048xi32, #tpu.memory_space<hbm>> -> memref<128xi32, #tpu.memory_space<hbm>>
        tpu.wait_dma2 semaphore(%arg16 : memref<!tpu.dma_semaphore, #tpu.memory_space<semaphore_mem>>) src(%dma_wait3A_43 : memref<128xi32, #tpu.memory_space<hbm>>) dst(%dma_wait3A_42 : memref<128xi32, #tpu.memory_space<vmem>>)
        %mul3A_44 = arith.constant 2048 : i32
        %mul3A_45 = arith.muli %add3A_36, %mul3A_44 : i32
        %mul3A_46 = arith.constant 2048 : i32
        %mul3A_47 = arith.muli %and3A_35, %mul3A_46 : i32
        %dma_wait3A_48 = tpu.memref_slice %arg12[%mul3A_47] : memref<4096xi32, #tpu.memory_space<vmem>> -> memref<2048xi32, #tpu.memory_space<vmem>>
        %dma_wait3A_49 = tpu.memref_slice %arg5[%mul3A_45] : memref<25632768xi32, #tpu.memory_space<hbm>> -> memref<2048xi32, #tpu.memory_space<hbm>>
        %dma_wait3A_50 = tpu.memref_slice %arg12[%mul3A_47] : memref<4096xi32, #tpu.memory_space<vmem>> -> memref<2048xi32, #tpu.memory_space<vmem>>
        %dma_wait3A_51 = tpu.memref_slice %arg5[%mul3A_45] : memref<25632768xi32, #tpu.memory_space<hbm>> -> memref<2048xi32, #tpu.memory_space<hbm>>
        tpu.wait_dma2 semaphore(%arg16 : memref<!tpu.dma_semaphore, #tpu.memory_space<semaphore_mem>>) src(%dma_wait3A_51 : memref<2048xi32, #tpu.memory_space<hbm>>) dst(%dma_wait3A_50 : memref<2048xi32, #tpu.memory_space<vmem>>)
        %add3A_52 = arith.constant 1 : i32
        %add3A_53 = arith.addi %while3A_33, %add3A_52 : i32
        %lt3A = arith.cmpi slt, %add3A_53, %squeeze3A_15 : i32
        %convert_element_type3A_54 = arith.extui %lt3A : i1 to i32
        %cond3A_55 = arith.constant 0 : i32
        %cond3A_56 = arith.cmpi ne, %convert_element_type3A_54, %cond3A_55 : i32
        scf.if %cond3A_56 {
          %add3A_75 = arith.constant 1 : i32
          %add3A_76 = arith.addi %add3A_36, %add3A_75 : i32
          %add3A_77 = arith.constant 1 : i32
          %add3A_78 = arith.addi %while3A_33, %add3A_77 : i32
          %and3A_79 = arith.constant 1 : i32
          %and3A_80 = arith.andi %add3A_78, %and3A_79 : i32
          %mul3A_81 = arith.constant 128 : i32
          %mul3A_82 = arith.muli %add3A_76, %mul3A_81 : i32
          %mul3A_83 = arith.constant 128 : i32
          %mul3A_84 = arith.muli %and3A_80, %mul3A_83 : i32
          %dma_start3A_85 = tpu.memref_slice %arg11[%mul3A_84] : memref<256xi32, #tpu.memory_space<vmem>> -> memref<128xi32, #tpu.memory_space<vmem>>
          %dma_start3A_86 = tpu.memref_slice %arg4[%mul3A_82] : memref<1602048xi32, #tpu.memory_space<hbm>> -> memref<128xi32, #tpu.memory_space<hbm>>
          %dma_start3A_87 = tpu.memref_slice %arg11[%mul3A_84] : memref<256xi32, #tpu.memory_space<vmem>> -> memref<128xi32, #tpu.memory_space<vmem>>
          %dma_start3A_88 = tpu.memref_slice %arg4[%mul3A_82] : memref<1602048xi32, #tpu.memory_space<hbm>> -> memref<128xi32, #tpu.memory_space<hbm>>
          tpu.enqueue_dma source(%dma_start3A_88 : memref<128xi32, #tpu.memory_space<hbm>>) target(%dma_start3A_87 : memref<128xi32, #tpu.memory_space<vmem>>) target_semaphore(%arg16 : memref<!tpu.dma_semaphore, #tpu.memory_space<semaphore_mem>>)
          %mul3A_89 = arith.constant 2048 : i32
          %mul3A_90 = arith.muli %add3A_76, %mul3A_89 : i32
          %mul3A_91 = arith.constant 2048 : i32
          %mul3A_92 = arith.muli %and3A_80, %mul3A_91 : i32
          %dma_start3A_93 = tpu.memref_slice %arg12[%mul3A_92] : memref<4096xi32, #tpu.memory_space<vmem>> -> memref<2048xi32, #tpu.memory_space<vmem>>
          %dma_start3A_94 = tpu.memref_slice %arg5[%mul3A_90] : memref<25632768xi32, #tpu.memory_space<hbm>> -> memref<2048xi32, #tpu.memory_space<hbm>>
          %dma_start3A_95 = tpu.memref_slice %arg12[%mul3A_92] : memref<4096xi32, #tpu.memory_space<vmem>> -> memref<2048xi32, #tpu.memory_space<vmem>>
          %dma_start3A_96 = tpu.memref_slice %arg5[%mul3A_90] : memref<25632768xi32, #tpu.memory_space<hbm>> -> memref<2048xi32, #tpu.memory_space<hbm>>
          tpu.enqueue_dma source(%dma_start3A_96 : memref<2048xi32, #tpu.memory_space<hbm>>) target(%dma_start3A_95 : memref<2048xi32, #tpu.memory_space<vmem>>) target_semaphore(%arg16 : memref<!tpu.dma_semaphore, #tpu.memory_space<semaphore_mem>>)
        } else {
        }
        %mul3A_57 = arith.constant 128 : i32
        %mul3A_58 = arith.muli %and3A_35, %mul3A_57 : i32
        %dma_start3A = tpu.memref_slice %arg11[%mul3A_58] : memref<256xi32, #tpu.memory_space<vmem>> -> memref<128xi32, #tpu.memory_space<vmem>>
        %dma_start3A_59 = arith.constant 0 : i32
        %dma_start3A_60 = arith.constant 0 : i32
        %dma_start3A_61 = tpu.memref_slice %arg2[%dma_start3A_59, %dma_start3A_60] : memref<102400x128xf32, #tpu.memory_space<hbm>> -> memref<102400x128xf32, #tpu.memory_space<hbm>>
        tpu.enqueue_indirect_dma source(%dma_start3A_61 : memref<102400x128xf32, #tpu.memory_space<hbm>>) target(%arg13 : memref<128x128xf32, #tpu.memory_space<vmem>>) offsets(%dma_start3A : memref<128xi32, #tpu.memory_space<vmem>>) semaphore(%arg15 : memref<!tpu.dma_semaphore, #tpu.memory_space<semaphore_mem>>)
        %dma_wait3A_62 = tpu.memref_slice %arg11[%mul3A_58] : memref<256xi32, #tpu.memory_space<vmem>> -> memref<128xi32, #tpu.memory_space<vmem>>
        %dma_wait3A_63 = arith.constant 0 : i32
        %dma_wait3A_64 = arith.constant 0 : i32
        %dma_wait3A_65 = tpu.memref_slice %arg2[%dma_wait3A_63, %dma_wait3A_64] : memref<102400x128xf32, #tpu.memory_space<hbm>> -> memref<102400x128xf32, #tpu.memory_space<hbm>>
        tpu.wait_indirect_dma semaphore(%arg15 : memref<!tpu.dma_semaphore, #tpu.memory_space<semaphore_mem>>) src(%dma_wait3A_65 : memref<102400x128xf32, #tpu.memory_space<hbm>>) dst(%arg13 : memref<128x128xf32, #tpu.memory_space<vmem>>)
        %mul3A_66 = arith.constant 2048 : i32
        %mul3A_67 = arith.muli %and3A_35, %mul3A_66 : i32
        %scan3A = arith.constant 0 : i32
        %scan3A_68 = arith.constant 0 : i32
        %scan3A_69 = arith.constant 128 : i32
        %scan3A_70 = arith.addi %scan3A_68, %scan3A_69 : i32
        %scan3A_71 = arith.constant 1 : i32
        %scan3A_72 = scf.for %scan3A_75 = %scan3A_68 to %scan3A_70 step %scan3A_71 iter_args(%scan3A_76 = %scan3A) -> (i32)  : i32 {
          %get3A_77 = arith.index_cast %scan3A_75 : i32 to index
          %get3A_78 = arith.constant 0 : index
          %get3A_79 = tpu.vector_load %arg13[%get3A_77, %get3A_78] {strides = array<i32>} : memref<128x128xf32, #tpu.memory_space<vmem>>, vector<16xf32>,
          %mul3A_80 = arith.constant 16 : i32
          %mul3A_81 = arith.muli %scan3A_75, %mul3A_80 : i32
          %add3A_82 = arith.addi %mul3A_67, %mul3A_81 : i32
          %get3A_83 = arith.index_cast %add3A_82 : i32 to index
          %get3A_84 = tpu.vector_load %arg12[%get3A_83] {strides = array<i32>} : memref<4096xi32, #tpu.memory_space<vmem>>, vector<16xi32>,
          tpu.vector_store_idx %arg10[%get3A_84], %get3A_79 {add = true} : memref<102528xf32, #tpu.memory_space<vmem>>[vector<16xi32>], vector<16xf32>,
          %scan3A_85 = arith.constant 0 : i32
          scf.yield %scan3A_85 : i32
        }
        %scan3A_73 = arith.constant 128 : i32
        %while3A_74 = arith.constant 0 : i32
        scf.yield %while3A_74 : i32
      }
      %while3A_29 = arith.constant 1 : i32
      %while3A_30 = scf.for %while3A_33 = %while3A_26 to %while3A_22 step %while3A_29 iter_args(%while3A_34 = %while3A_28) -> (i32)  : i32 {
        %and3A = arith.constant 1 : i32
        %and3A_35 = arith.andi %while3A_33, %and3A : i32
        %add3A_36 = arith.addi %squeeze3A, %while3A_33 : i32
        %mul3A_37 = arith.constant 128 : i32
        %mul3A_38 = arith.muli %add3A_36, %mul3A_37 : i32
        %mul3A_39 = arith.constant 128 : i32
        %mul3A_40 = arith.muli %and3A_35, %mul3A_39 : i32
        %dma_wait3A = tpu.memref_slice %arg11[%mul3A_40] : memref<256xi32, #tpu.memory_space<vmem>> -> memref<128xi32, #tpu.memory_space<vmem>>
        %dma_wait3A_41 = tpu.memref_slice %arg4[%mul3A_38] : memref<1602048xi32, #tpu.memory_space<hbm>> -> memref<128xi32, #tpu.memory_space<hbm>>
        %dma_wait3A_42 = tpu.memref_slice %arg11[%mul3A_40] : memref<256xi32, #tpu.memory_space<vmem>> -> memref<128xi32, #tpu.memory_space<vmem>>
        %dma_wait3A_43 = tpu.memref_slice %arg4[%mul3A_38] : memref<1602048xi32, #tpu.memory_space<hbm>> -> memref<128xi32, #tpu.memory_space<hbm>>
        tpu.wait_dma2 semaphore(%arg16 : memref<!tpu.dma_semaphore, #tpu.memory_space<semaphore_mem>>) src(%dma_wait3A_43 : memref<128xi32, #tpu.memory_space<hbm>>) dst(%dma_wait3A_42 : memref<128xi32, #tpu.memory_space<vmem>>)
        %mul3A_44 = arith.constant 2048 : i32
        %mul3A_45 = arith.muli %add3A_36, %mul3A_44 : i32
        %mul3A_46 = arith.constant 2048 : i32
        %mul3A_47 = arith.muli %and3A_35, %mul3A_46 : i32
        %dma_wait3A_48 = tpu.memref_slice %arg12[%mul3A_47] : memref<4096xi32, #tpu.memory_space<vmem>> -> memref<2048xi32, #tpu.memory_space<vmem>>
        %dma_wait3A_49 = tpu.memref_slice %arg5[%mul3A_45] : memref<25632768xi32, #tpu.memory_space<hbm>> -> memref<2048xi32, #tpu.memory_space<hbm>>
        %dma_wait3A_50 = tpu.memref_slice %arg12[%mul3A_47] : memref<4096xi32, #tpu.memory_space<vmem>> -> memref<2048xi32, #tpu.memory_space<vmem>>
        %dma_wait3A_51 = tpu.memref_slice %arg5[%mul3A_45] : memref<25632768xi32, #tpu.memory_space<hbm>> -> memref<2048xi32, #tpu.memory_space<hbm>>
        tpu.wait_dma2 semaphore(%arg16 : memref<!tpu.dma_semaphore, #tpu.memory_space<semaphore_mem>>) src(%dma_wait3A_51 : memref<2048xi32, #tpu.memory_space<hbm>>) dst(%dma_wait3A_50 : memref<2048xi32, #tpu.memory_space<vmem>>)
        %add3A_52 = arith.constant 1 : i32
        %add3A_53 = arith.addi %while3A_33, %add3A_52 : i32
        %lt3A = arith.cmpi slt, %add3A_53, %squeeze3A_15 : i32
        %convert_element_type3A_54 = arith.extui %lt3A : i1 to i32
        %cond3A_55 = arith.constant 0 : i32
        %cond3A_56 = arith.cmpi ne, %convert_element_type3A_54, %cond3A_55 : i32
        scf.if %cond3A_56 {
          %add3A_75 = arith.constant 1 : i32
          %add3A_76 = arith.addi %add3A_36, %add3A_75 : i32
          %add3A_77 = arith.constant 1 : i32
          %add3A_78 = arith.addi %while3A_33, %add3A_77 : i32
          %and3A_79 = arith.constant 1 : i32
          %and3A_80 = arith.andi %add3A_78, %and3A_79 : i32
          %mul3A_81 = arith.constant 128 : i32
          %mul3A_82 = arith.muli %add3A_76, %mul3A_81 : i32
          %mul3A_83 = arith.constant 128 : i32
          %mul3A_84 = arith.muli %and3A_80, %mul3A_83 : i32
          %dma_start3A_85 = tpu.memref_slice %arg11[%mul3A_84] : memref<256xi32, #tpu.memory_space<vmem>> -> memref<128xi32, #tpu.memory_space<vmem>>
          %dma_start3A_86 = tpu.memref_slice %arg4[%mul3A_82] : memref<1602048xi32, #tpu.memory_space<hbm>> -> memref<128xi32, #tpu.memory_space<hbm>>
          %dma_start3A_87 = tpu.memref_slice %arg11[%mul3A_84] : memref<256xi32, #tpu.memory_space<vmem>> -> memref<128xi32, #tpu.memory_space<vmem>>
          %dma_start3A_88 = tpu.memref_slice %arg4[%mul3A_82] : memref<1602048xi32, #tpu.memory_space<hbm>> -> memref<128xi32, #tpu.memory_space<hbm>>
          tpu.enqueue_dma source(%dma_start3A_88 : memref<128xi32, #tpu.memory_space<hbm>>) target(%dma_start3A_87 : memref<128xi32, #tpu.memory_space<vmem>>) target_semaphore(%arg16 : memref<!tpu.dma_semaphore, #tpu.memory_space<semaphore_mem>>)
          %mul3A_89 = arith.constant 2048 : i32
          %mul3A_90 = arith.muli %add3A_76, %mul3A_89 : i32
          %mul3A_91 = arith.constant 2048 : i32
          %mul3A_92 = arith.muli %and3A_80, %mul3A_91 : i32
          %dma_start3A_93 = tpu.memref_slice %arg12[%mul3A_92] : memref<4096xi32, #tpu.memory_space<vmem>> -> memref<2048xi32, #tpu.memory_space<vmem>>
          %dma_start3A_94 = tpu.memref_slice %arg5[%mul3A_90] : memref<25632768xi32, #tpu.memory_space<hbm>> -> memref<2048xi32, #tpu.memory_space<hbm>>
          %dma_start3A_95 = tpu.memref_slice %arg12[%mul3A_92] : memref<4096xi32, #tpu.memory_space<vmem>> -> memref<2048xi32, #tpu.memory_space<vmem>>
          %dma_start3A_96 = tpu.memref_slice %arg5[%mul3A_90] : memref<25632768xi32, #tpu.memory_space<hbm>> -> memref<2048xi32, #tpu.memory_space<hbm>>
          tpu.enqueue_dma source(%dma_start3A_96 : memref<2048xi32, #tpu.memory_space<hbm>>) target(%dma_start3A_95 : memref<2048xi32, #tpu.memory_space<vmem>>) target_semaphore(%arg16 : memref<!tpu.dma_semaphore, #tpu.memory_space<semaphore_mem>>)
        } else {
        }
        %mul3A_57 = arith.constant 128 : i32
        %mul3A_58 = arith.muli %and3A_35, %mul3A_57 : i32
        %dma_start3A = tpu.memref_slice %arg11[%mul3A_58] : memref<256xi32, #tpu.memory_space<vmem>> -> memref<128xi32, #tpu.memory_space<vmem>>
        %dma_start3A_59 = arith.constant 0 : i32
        %dma_start3A_60 = arith.constant 0 : i32
        %dma_start3A_61 = tpu.memref_slice %arg2[%dma_start3A_59, %dma_start3A_60] : memref<102400x128xf32, #tpu.memory_space<hbm>> -> memref<102400x128xf32, #tpu.memory_space<hbm>>
        tpu.enqueue_indirect_dma source(%dma_start3A_61 : memref<102400x128xf32, #tpu.memory_space<hbm>>) target(%arg13 : memref<128x128xf32, #tpu.memory_space<vmem>>) offsets(%dma_start3A : memref<128xi32, #tpu.memory_space<vmem>>) semaphore(%arg15 : memref<!tpu.dma_semaphore, #tpu.memory_space<semaphore_mem>>)
        %dma_wait3A_62 = tpu.memref_slice %arg11[%mul3A_58] : memref<256xi32, #tpu.memory_space<vmem>> -> memref<128xi32, #tpu.memory_space<vmem>>
        %dma_wait3A_63 = arith.constant 0 : i32
        %dma_wait3A_64 = arith.constant 0 : i32
        %dma_wait3A_65 = tpu.memref_slice %arg2[%dma_wait3A_63, %dma_wait3A_64] : memref<102400x128xf32, #tpu.memory_space<hbm>> -> memref<102400x128xf32, #tpu.memory_space<hbm>>
        tpu.wait_indirect_dma semaphore(%arg15 : memref<!tpu.dma_semaphore, #tpu.memory_space<semaphore_mem>>) src(%dma_wait3A_65 : memref<102400x128xf32, #tpu.memory_space<hbm>>) dst(%arg13 : memref<128x128xf32, #tpu.memory_space<vmem>>)
        %mul3A_66 = arith.constant 2048 : i32
        %mul3A_67 = arith.muli %and3A_35, %mul3A_66 : i32
        %scan3A = arith.constant 0 : i32
        %scan3A_68 = arith.constant 0 : i32
        %scan3A_69 = arith.constant 128 : i32
        %scan3A_70 = arith.addi %scan3A_68, %scan3A_69 : i32
        %scan3A_71 = arith.constant 1 : i32
        %scan3A_72 = scf.for %scan3A_75 = %scan3A_68 to %scan3A_70 step %scan3A_71 iter_args(%scan3A_76 = %scan3A) -> (i32)  : i32 {
          %get3A_77 = arith.index_cast %scan3A_75 : i32 to index
          %get3A_78 = arith.constant 0 : index
          %get3A_79 = tpu.vector_load %arg13[%get3A_77, %get3A_78] {strides = array<i32>} : memref<128x128xf32, #tpu.memory_space<vmem>>, vector<16xf32>,
          %mul3A_80 = arith.constant 16 : i32
          %mul3A_81 = arith.muli %scan3A_75, %mul3A_80 : i32
          %add3A_82 = arith.addi %mul3A_67, %mul3A_81 : i32
          %get3A_83 = arith.index_cast %add3A_82 : i32 to index
          %get3A_84 = tpu.vector_load %arg12[%get3A_83] {strides = array<i32>} : memref<4096xi32, #tpu.memory_space<vmem>>, vector<16xi32>,
          tpu.vector_store_idx %arg10[%get3A_84], %get3A_79 {add = true} : memref<102528xf32, #tpu.memory_space<vmem>>[vector<16xi32>], vector<16xf32>,
          %scan3A_85 = arith.constant 0 : i32
          scf.yield %scan3A_85 : i32
        }
        %scan3A_73 = arith.constant 128 : i32
        %while3A_74 = arith.constant 0 : i32
        scf.yield %while3A_74 : i32
      }
      %mul3A_31 = arith.constant 102400 : i32
      %mul3A_32 = arith.muli %arg1, %mul3A_31 : i32
      "tpu.region"() ({
        %run_scoped3A = tpu.sem_alloc : memref<!tpu.dma_semaphore, #tpu.memory_space<semaphore_mem>>
        %dma_start3A = arith.constant 0 : i32
        %dma_start3A_33 = tpu.memref_slice %arg10[%dma_start3A] : memref<102528xf32, #tpu.memory_space<vmem>> -> memref<102400xf32, #tpu.memory_space<vmem>>
        %dma_start3A_34 = tpu.memref_slice %arg8[%mul3A_32] : memref<1638400xf32, #tpu.memory_space<hbm>> -> memref<102400xf32, #tpu.memory_space<hbm>>
        %dma_start3A_35 = tpu.memref_slice %arg8[%mul3A_32] : memref<1638400xf32, #tpu.memory_space<hbm>> -> memref<102400xf32, #tpu.memory_space<hbm>>
        %dma_start3A_36 = arith.constant 0 : i32
        %dma_start3A_37 = tpu.memref_slice %arg10[%dma_start3A_36] : memref<102528xf32, #tpu.memory_space<vmem>> -> memref<102400xf32, #tpu.memory_space<vmem>>
        tpu.enqueue_dma source(%dma_start3A_37 : memref<102400xf32, #tpu.memory_space<vmem>>) target(%dma_start3A_35 : memref<102400xf32, #tpu.memory_space<hbm>>) target_semaphore(%run_scoped3A : memref<!tpu.dma_semaphore, #tpu.memory_space<semaphore_mem>>)
        %dma_wait3A = arith.constant 0 : i32
        %dma_wait3A_38 = tpu.memref_slice %arg10[%dma_wait3A] : memref<102528xf32, #tpu.memory_space<vmem>> -> memref<102400xf32, #tpu.memory_space<vmem>>
        %dma_wait3A_39 = tpu.memref_slice %arg8[%mul3A_32] : memref<1638400xf32, #tpu.memory_space<hbm>> -> memref<102400xf32, #tpu.memory_space<hbm>>
        %dma_wait3A_40 = tpu.memref_slice %arg8[%mul3A_32] : memref<1638400xf32, #tpu.memory_space<hbm>> -> memref<102400xf32, #tpu.memory_space<hbm>>
        %dma_wait3A_41 = arith.constant 0 : i32
        %dma_wait3A_42 = tpu.memref_slice %arg10[%dma_wait3A_41] : memref<102528xf32, #tpu.memory_space<vmem>> -> memref<102400xf32, #tpu.memory_space<vmem>>
        tpu.wait_dma2 semaphore(%run_scoped3A : memref<!tpu.dma_semaphore, #tpu.memory_space<semaphore_mem>>) src(%dma_wait3A_42 : memref<102400xf32, #tpu.memory_space<vmem>>) dst(%dma_wait3A_40 : memref<102400xf32, #tpu.memory_space<hbm>>)
        tpu.yield
      }) : () -> ()
    } else {
    }
    %eq3A_2 = arith.constant 1 : i32
    %eq3A_3 = arith.cmpi eq, %arg0, %eq3A_2 : i32
    %convert_element_type3A_4 = arith.extui %eq3A_3 : i1 to i32
    %cond3A_5 = arith.constant 0 : i32
    %cond3A_6 = arith.cmpi ne, %convert_element_type3A_4, %cond3A_5 : i32
    scf.if %cond3A_6 {
      "tpu.region"() ({
        %run_scoped3A = tpu.sem_alloc : memref<!tpu.dma_semaphore, #tpu.memory_space<semaphore_mem>>
        tpu.enqueue_dma source(%arg7 : memref<102528xf32, #tpu.memory_space<hbm>>) target(%arg10 : memref<102528xf32, #tpu.memory_space<vmem>>) target_semaphore(%run_scoped3A : memref<!tpu.dma_semaphore, #tpu.memory_space<semaphore_mem>>)
        tpu.wait_dma2 semaphore(%run_scoped3A : memref<!tpu.dma_semaphore, #tpu.memory_space<semaphore_mem>>) src(%arg7 : memref<102528xf32, #tpu.memory_space<hbm>>) dst(%arg10 : memref<102528xf32, #tpu.memory_space<vmem>>)
        tpu.yield
      }) : () -> ()
      "tpu.region"() ({
        %run_scoped3A = tpu.sem_alloc : memref<!tpu.dma_semaphore, #tpu.memory_space<semaphore_mem>>
        tpu.enqueue_dma source(%arg6 : memref<512xi32, #tpu.memory_space<hbm>>) target(%arg14 : memref<512xi32, #tpu.memory_space<vmem>>) target_semaphore(%run_scoped3A : memref<!tpu.dma_semaphore, #tpu.memory_space<semaphore_mem>>)
        tpu.wait_dma2 semaphore(%run_scoped3A : memref<!tpu.dma_semaphore, #tpu.memory_space<semaphore_mem>>) src(%arg6 : memref<512xi32, #tpu.memory_space<hbm>>) dst(%arg14 : memref<512xi32, #tpu.memory_space<vmem>>)
        tpu.yield
      }) : () -> ()
      %mul3A = arith.constant 16 : i32
      %mul3A_7 = arith.muli %arg1, %mul3A : i32
      %get3A = arith.index_cast %mul3A_7 : i32 to index
      %get3A_8 = tpu.vector_load %arg14[%get3A] {strides = array<i32>} : memref<512xi32, #tpu.memory_space<vmem>>, vector<16xi32>,
      %slice3A = vector.extract_strided_slice %get3A_8 {offsets = [0], sizes = [1], strides = [1]} : vector<16xi32> to vector<1xi32>
      %squeeze3A = vector.extract %slice3A[0] : i32 from vector<1xi32>
      %add3A = arith.constant 16 : i32
      %add3A_9 = arith.addi %add3A, %arg1 : i32
      %mul3A_10 = arith.constant 16 : i32
      %mul3A_11 = arith.muli %add3A_9, %mul3A_10 : i32
      %get3A_12 = arith.index_cast %mul3A_11 : i32 to index
      %get3A_13 = tpu.vector_load %arg14[%get3A_12] {strides = array<i32>} : memref<512xi32, #tpu.memory_space<vmem>>, vector<16xi32>,
      %slice3A_14 = vector.extract_strided_slice %get3A_13 {offsets = [0], sizes = [1], strides = [1]} : vector<16xi32> to vector<1xi32>
      %squeeze3A_15 = vector.extract %slice3A_14[0] : i32 from vector<1xi32>
      %gt3A = arith.constant 0 : i32
      %gt3A_16 = arith.cmpi sgt, %squeeze3A_15, %gt3A : i32
      %convert_element_type3A_17 = arith.extui %gt3A_16 : i1 to i32
      %cond3A_18 = arith.constant 0 : i32
      %cond3A_19 = arith.cmpi ne, %convert_element_type3A_17, %cond3A_18 : i32
      scf.if %cond3A_19 {
        %mul3A_33 = arith.constant 128 : i32
        %mul3A_34 = arith.muli %squeeze3A, %mul3A_33 : i32
        %dma_start3A = arith.constant 0 : i32
        %dma_start3A_35 = tpu.memref_slice %arg11[%dma_start3A] : memref<256xi32, #tpu.memory_space<vmem>> -> memref<128xi32, #tpu.memory_space<vmem>>
        %dma_start3A_36 = tpu.memref_slice %arg4[%mul3A_34] : memref<1602048xi32, #tpu.memory_space<hbm>> -> memref<128xi32, #tpu.memory_space<hbm>>
        %dma_start3A_37 = arith.constant 0 : i32
        %dma_start3A_38 = tpu.memref_slice %arg11[%dma_start3A_37] : memref<256xi32, #tpu.memory_space<vmem>> -> memref<128xi32, #tpu.memory_space<vmem>>
        %dma_start3A_39 = tpu.memref_slice %arg4[%mul3A_34] : memref<1602048xi32, #tpu.memory_space<hbm>> -> memref<128xi32, #tpu.memory_space<hbm>>
        tpu.enqueue_dma source(%dma_start3A_39 : memref<128xi32, #tpu.memory_space<hbm>>) target(%dma_start3A_38 : memref<128xi32, #tpu.memory_space<vmem>>) target_semaphore(%arg16 : memref<!tpu.dma_semaphore, #tpu.memory_space<semaphore_mem>>)
        %mul3A_40 = arith.constant 2048 : i32
        %mul3A_41 = arith.muli %squeeze3A, %mul3A_40 : i32
        %dma_start3A_42 = arith.constant 0 : i32
        %dma_start3A_43 = tpu.memref_slice %arg12[%dma_start3A_42] : memref<4096xi32, #tpu.memory_space<vmem>> -> memref<2048xi32, #tpu.memory_space<vmem>>
        %dma_start3A_44 = tpu.memref_slice %arg5[%mul3A_41] : memref<25632768xi32, #tpu.memory_space<hbm>> -> memref<2048xi32, #tpu.memory_space<hbm>>
        %dma_start3A_45 = arith.constant 0 : i32
        %dma_start3A_46 = tpu.memref_slice %arg12[%dma_start3A_45] : memref<4096xi32, #tpu.memory_space<vmem>> -> memref<2048xi32, #tpu.memory_space<vmem>>
        %dma_start3A_47 = tpu.memref_slice %arg5[%mul3A_41] : memref<25632768xi32, #tpu.memory_space<hbm>> -> memref<2048xi32, #tpu.memory_space<hbm>>
        tpu.enqueue_dma source(%dma_start3A_47 : memref<2048xi32, #tpu.memory_space<hbm>>) target(%dma_start3A_46 : memref<2048xi32, #tpu.memory_space<vmem>>) target_semaphore(%arg16 : memref<!tpu.dma_semaphore, #tpu.memory_space<semaphore_mem>>)
      } else {
      }
      %while3A = arith.constant 0 : i32
      %while3A_20 = arith.constant 0 : i32
      %while3A_21 = arith.subi %squeeze3A_15, %while3A : i32
      %while3A_22 = arith.addi %while3A, %while3A_21 : i32
      %while3A_23 = arith.constant 1 : i32
      %while3A_24 = arith.divsi %while3A_21, %while3A_23 : i32
      %while3A_25 = arith.muli %while3A_24, %while3A_23 : i32
      %while3A_26 = arith.addi %while3A, %while3A_25 : i32
      %while3A_27 = arith.constant 1 : i32
      %while3A_28 = scf.for %while3A_33 = %while3A to %while3A_26 step %while3A_27 iter_args(%while3A_34 = %while3A_20) -> (i32)  : i32 {
        %and3A = arith.constant 1 : i32
        %and3A_35 = arith.andi %while3A_33, %and3A : i32
        %add3A_36 = arith.addi %squeeze3A, %while3A_33 : i32
        %mul3A_37 = arith.constant 128 : i32
        %mul3A_38 = arith.muli %add3A_36, %mul3A_37 : i32
        %mul3A_39 = arith.constant 128 : i32
        %mul3A_40 = arith.muli %and3A_35, %mul3A_39 : i32
        %dma_wait3A = tpu.memref_slice %arg11[%mul3A_40] : memref<256xi32, #tpu.memory_space<vmem>> -> memref<128xi32, #tpu.memory_space<vmem>>
        %dma_wait3A_41 = tpu.memref_slice %arg4[%mul3A_38] : memref<1602048xi32, #tpu.memory_space<hbm>> -> memref<128xi32, #tpu.memory_space<hbm>>
        %dma_wait3A_42 = tpu.memref_slice %arg11[%mul3A_40] : memref<256xi32, #tpu.memory_space<vmem>> -> memref<128xi32, #tpu.memory_space<vmem>>
        %dma_wait3A_43 = tpu.memref_slice %arg4[%mul3A_38] : memref<1602048xi32, #tpu.memory_space<hbm>> -> memref<128xi32, #tpu.memory_space<hbm>>
        tpu.wait_dma2 semaphore(%arg16 : memref<!tpu.dma_semaphore, #tpu.memory_space<semaphore_mem>>) src(%dma_wait3A_43 : memref<128xi32, #tpu.memory_space<hbm>>) dst(%dma_wait3A_42 : memref<128xi32, #tpu.memory_space<vmem>>)
        %mul3A_44 = arith.constant 2048 : i32
        %mul3A_45 = arith.muli %add3A_36, %mul3A_44 : i32
        %mul3A_46 = arith.constant 2048 : i32
        %mul3A_47 = arith.muli %and3A_35, %mul3A_46 : i32
        %dma_wait3A_48 = tpu.memref_slice %arg12[%mul3A_47] : memref<4096xi32, #tpu.memory_space<vmem>> -> memref<2048xi32, #tpu.memory_space<vmem>>
        %dma_wait3A_49 = tpu.memref_slice %arg5[%mul3A_45] : memref<25632768xi32, #tpu.memory_space<hbm>> -> memref<2048xi32, #tpu.memory_space<hbm>>
        %dma_wait3A_50 = tpu.memref_slice %arg12[%mul3A_47] : memref<4096xi32, #tpu.memory_space<vmem>> -> memref<2048xi32, #tpu.memory_space<vmem>>
        %dma_wait3A_51 = tpu.memref_slice %arg5[%mul3A_45] : memref<25632768xi32, #tpu.memory_space<hbm>> -> memref<2048xi32, #tpu.memory_space<hbm>>
        tpu.wait_dma2 semaphore(%arg16 : memref<!tpu.dma_semaphore, #tpu.memory_space<semaphore_mem>>) src(%dma_wait3A_51 : memref<2048xi32, #tpu.memory_space<hbm>>) dst(%dma_wait3A_50 : memref<2048xi32, #tpu.memory_space<vmem>>)
        %add3A_52 = arith.constant 1 : i32
        %add3A_53 = arith.addi %while3A_33, %add3A_52 : i32
        %lt3A = arith.cmpi slt, %add3A_53, %squeeze3A_15 : i32
        %convert_element_type3A_54 = arith.extui %lt3A : i1 to i32
        %cond3A_55 = arith.constant 0 : i32
        %cond3A_56 = arith.cmpi ne, %convert_element_type3A_54, %cond3A_55 : i32
        scf.if %cond3A_56 {
          %add3A_75 = arith.constant 1 : i32
          %add3A_76 = arith.addi %add3A_36, %add3A_75 : i32
          %add3A_77 = arith.constant 1 : i32
          %add3A_78 = arith.addi %while3A_33, %add3A_77 : i32
          %and3A_79 = arith.constant 1 : i32
          %and3A_80 = arith.andi %add3A_78, %and3A_79 : i32
          %mul3A_81 = arith.constant 128 : i32
          %mul3A_82 = arith.muli %add3A_76, %mul3A_81 : i32
          %mul3A_83 = arith.constant 128 : i32
          %mul3A_84 = arith.muli %and3A_80, %mul3A_83 : i32
          %dma_start3A_85 = tpu.memref_slice %arg11[%mul3A_84] : memref<256xi32, #tpu.memory_space<vmem>> -> memref<128xi32, #tpu.memory_space<vmem>>
          %dma_start3A_86 = tpu.memref_slice %arg4[%mul3A_82] : memref<1602048xi32, #tpu.memory_space<hbm>> -> memref<128xi32, #tpu.memory_space<hbm>>
          %dma_start3A_87 = tpu.memref_slice %arg11[%mul3A_84] : memref<256xi32, #tpu.memory_space<vmem>> -> memref<128xi32, #tpu.memory_space<vmem>>
          %dma_start3A_88 = tpu.memref_slice %arg4[%mul3A_82] : memref<1602048xi32, #tpu.memory_space<hbm>> -> memref<128xi32, #tpu.memory_space<hbm>>
          tpu.enqueue_dma source(%dma_start3A_88 : memref<128xi32, #tpu.memory_space<hbm>>) target(%dma_start3A_87 : memref<128xi32, #tpu.memory_space<vmem>>) target_semaphore(%arg16 : memref<!tpu.dma_semaphore, #tpu.memory_space<semaphore_mem>>)
          %mul3A_89 = arith.constant 2048 : i32
          %mul3A_90 = arith.muli %add3A_76, %mul3A_89 : i32
          %mul3A_91 = arith.constant 2048 : i32
          %mul3A_92 = arith.muli %and3A_80, %mul3A_91 : i32
          %dma_start3A_93 = tpu.memref_slice %arg12[%mul3A_92] : memref<4096xi32, #tpu.memory_space<vmem>> -> memref<2048xi32, #tpu.memory_space<vmem>>
          %dma_start3A_94 = tpu.memref_slice %arg5[%mul3A_90] : memref<25632768xi32, #tpu.memory_space<hbm>> -> memref<2048xi32, #tpu.memory_space<hbm>>
          %dma_start3A_95 = tpu.memref_slice %arg12[%mul3A_92] : memref<4096xi32, #tpu.memory_space<vmem>> -> memref<2048xi32, #tpu.memory_space<vmem>>
          %dma_start3A_96 = tpu.memref_slice %arg5[%mul3A_90] : memref<25632768xi32, #tpu.memory_space<hbm>> -> memref<2048xi32, #tpu.memory_space<hbm>>
          tpu.enqueue_dma source(%dma_start3A_96 : memref<2048xi32, #tpu.memory_space<hbm>>) target(%dma_start3A_95 : memref<2048xi32, #tpu.memory_space<vmem>>) target_semaphore(%arg16 : memref<!tpu.dma_semaphore, #tpu.memory_space<semaphore_mem>>)
        } else {
        }
        %mul3A_57 = arith.constant 128 : i32
        %mul3A_58 = arith.muli %and3A_35, %mul3A_57 : i32
        %dma_start3A = tpu.memref_slice %arg11[%mul3A_58] : memref<256xi32, #tpu.memory_space<vmem>> -> memref<128xi32, #tpu.memory_space<vmem>>
        %dma_start3A_59 = arith.constant 0 : i32
        %dma_start3A_60 = arith.constant 0 : i32
        %dma_start3A_61 = tpu.memref_slice %arg3[%dma_start3A_59, %dma_start3A_60] : memref<102400x128xf32, #tpu.memory_space<hbm>> -> memref<102400x128xf32, #tpu.memory_space<hbm>>
        tpu.enqueue_indirect_dma source(%dma_start3A_61 : memref<102400x128xf32, #tpu.memory_space<hbm>>) target(%arg13 : memref<128x128xf32, #tpu.memory_space<vmem>>) offsets(%dma_start3A : memref<128xi32, #tpu.memory_space<vmem>>) semaphore(%arg15 : memref<!tpu.dma_semaphore, #tpu.memory_space<semaphore_mem>>)
        %dma_wait3A_62 = tpu.memref_slice %arg11[%mul3A_58] : memref<256xi32, #tpu.memory_space<vmem>> -> memref<128xi32, #tpu.memory_space<vmem>>
        %dma_wait3A_63 = arith.constant 0 : i32
        %dma_wait3A_64 = arith.constant 0 : i32
        %dma_wait3A_65 = tpu.memref_slice %arg3[%dma_wait3A_63, %dma_wait3A_64] : memref<102400x128xf32, #tpu.memory_space<hbm>> -> memref<102400x128xf32, #tpu.memory_space<hbm>>
        tpu.wait_indirect_dma semaphore(%arg15 : memref<!tpu.dma_semaphore, #tpu.memory_space<semaphore_mem>>) src(%dma_wait3A_65 : memref<102400x128xf32, #tpu.memory_space<hbm>>) dst(%arg13 : memref<128x128xf32, #tpu.memory_space<vmem>>)
        %mul3A_66 = arith.constant 2048 : i32
        %mul3A_67 = arith.muli %and3A_35, %mul3A_66 : i32
        %scan3A = arith.constant 0 : i32
        %scan3A_68 = arith.constant 0 : i32
        %scan3A_69 = arith.constant 128 : i32
        %scan3A_70 = arith.addi %scan3A_68, %scan3A_69 : i32
        %scan3A_71 = arith.constant 1 : i32
        %scan3A_72 = scf.for %scan3A_75 = %scan3A_68 to %scan3A_70 step %scan3A_71 iter_args(%scan3A_76 = %scan3A) -> (i32)  : i32 {
          %get3A_77 = arith.index_cast %scan3A_75 : i32 to index
          %get3A_78 = arith.constant 0 : index
          %get3A_79 = tpu.vector_load %arg13[%get3A_77, %get3A_78] {strides = array<i32>} : memref<128x128xf32, #tpu.memory_space<vmem>>, vector<16xf32>,
          %mul3A_80 = arith.constant 16 : i32
          %mul3A_81 = arith.muli %scan3A_75, %mul3A_80 : i32
          %add3A_82 = arith.addi %mul3A_67, %mul3A_81 : i32
          %get3A_83 = arith.index_cast %add3A_82 : i32 to index
          %get3A_84 = tpu.vector_load %arg12[%get3A_83] {strides = array<i32>} : memref<4096xi32, #tpu.memory_space<vmem>>, vector<16xi32>,
          tpu.vector_store_idx %arg10[%get3A_84], %get3A_79 {add = true} : memref<102528xf32, #tpu.memory_space<vmem>>[vector<16xi32>], vector<16xf32>,
          %scan3A_85 = arith.constant 0 : i32
          scf.yield %scan3A_85 : i32
        }
        %scan3A_73 = arith.constant 128 : i32
        %while3A_74 = arith.constant 0 : i32
        scf.yield %while3A_74 : i32
      }
      %while3A_29 = arith.constant 1 : i32
      %while3A_30 = scf.for %while3A_33 = %while3A_26 to %while3A_22 step %while3A_29 iter_args(%while3A_34 = %while3A_28) -> (i32)  : i32 {
        %and3A = arith.constant 1 : i32
        %and3A_35 = arith.andi %while3A_33, %and3A : i32
        %add3A_36 = arith.addi %squeeze3A, %while3A_33 : i32
        %mul3A_37 = arith.constant 128 : i32
        %mul3A_38 = arith.muli %add3A_36, %mul3A_37 : i32
        %mul3A_39 = arith.constant 128 : i32
        %mul3A_40 = arith.muli %and3A_35, %mul3A_39 : i32
        %dma_wait3A = tpu.memref_slice %arg11[%mul3A_40] : memref<256xi32, #tpu.memory_space<vmem>> -> memref<128xi32, #tpu.memory_space<vmem>>
        %dma_wait3A_41 = tpu.memref_slice %arg4[%mul3A_38] : memref<1602048xi32, #tpu.memory_space<hbm>> -> memref<128xi32, #tpu.memory_space<hbm>>
        %dma_wait3A_42 = tpu.memref_slice %arg11[%mul3A_40] : memref<256xi32, #tpu.memory_space<vmem>> -> memref<128xi32, #tpu.memory_space<vmem>>
        %dma_wait3A_43 = tpu.memref_slice %arg4[%mul3A_38] : memref<1602048xi32, #tpu.memory_space<hbm>> -> memref<128xi32, #tpu.memory_space<hbm>>
        tpu.wait_dma2 semaphore(%arg16 : memref<!tpu.dma_semaphore, #tpu.memory_space<semaphore_mem>>) src(%dma_wait3A_43 : memref<128xi32, #tpu.memory_space<hbm>>) dst(%dma_wait3A_42 : memref<128xi32, #tpu.memory_space<vmem>>)
        %mul3A_44 = arith.constant 2048 : i32
        %mul3A_45 = arith.muli %add3A_36, %mul3A_44 : i32
        %mul3A_46 = arith.constant 2048 : i32
        %mul3A_47 = arith.muli %and3A_35, %mul3A_46 : i32
        %dma_wait3A_48 = tpu.memref_slice %arg12[%mul3A_47] : memref<4096xi32, #tpu.memory_space<vmem>> -> memref<2048xi32, #tpu.memory_space<vmem>>
        %dma_wait3A_49 = tpu.memref_slice %arg5[%mul3A_45] : memref<25632768xi32, #tpu.memory_space<hbm>> -> memref<2048xi32, #tpu.memory_space<hbm>>
        %dma_wait3A_50 = tpu.memref_slice %arg12[%mul3A_47] : memref<4096xi32, #tpu.memory_space<vmem>> -> memref<2048xi32, #tpu.memory_space<vmem>>
        %dma_wait3A_51 = tpu.memref_slice %arg5[%mul3A_45] : memref<25632768xi32, #tpu.memory_space<hbm>> -> memref<2048xi32, #tpu.memory_space<hbm>>
        tpu.wait_dma2 semaphore(%arg16 : memref<!tpu.dma_semaphore, #tpu.memory_space<semaphore_mem>>) src(%dma_wait3A_51 : memref<2048xi32, #tpu.memory_space<hbm>>) dst(%dma_wait3A_50 : memref<2048xi32, #tpu.memory_space<vmem>>)
        %add3A_52 = arith.constant 1 : i32
        %add3A_53 = arith.addi %while3A_33, %add3A_52 : i32
        %lt3A = arith.cmpi slt, %add3A_53, %squeeze3A_15 : i32
        %convert_element_type3A_54 = arith.extui %lt3A : i1 to i32
        %cond3A_55 = arith.constant 0 : i32
        %cond3A_56 = arith.cmpi ne, %convert_element_type3A_54, %cond3A_55 : i32
        scf.if %cond3A_56 {
          %add3A_75 = arith.constant 1 : i32
          %add3A_76 = arith.addi %add3A_36, %add3A_75 : i32
          %add3A_77 = arith.constant 1 : i32
          %add3A_78 = arith.addi %while3A_33, %add3A_77 : i32
          %and3A_79 = arith.constant 1 : i32
          %and3A_80 = arith.andi %add3A_78, %and3A_79 : i32
          %mul3A_81 = arith.constant 128 : i32
          %mul3A_82 = arith.muli %add3A_76, %mul3A_81 : i32
          %mul3A_83 = arith.constant 128 : i32
          %mul3A_84 = arith.muli %and3A_80, %mul3A_83 : i32
          %dma_start3A_85 = tpu.memref_slice %arg11[%mul3A_84] : memref<256xi32, #tpu.memory_space<vmem>> -> memref<128xi32, #tpu.memory_space<vmem>>
          %dma_start3A_86 = tpu.memref_slice %arg4[%mul3A_82] : memref<1602048xi32, #tpu.memory_space<hbm>> -> memref<128xi32, #tpu.memory_space<hbm>>
          %dma_start3A_87 = tpu.memref_slice %arg11[%mul3A_84] : memref<256xi32, #tpu.memory_space<vmem>> -> memref<128xi32, #tpu.memory_space<vmem>>
          %dma_start3A_88 = tpu.memref_slice %arg4[%mul3A_82] : memref<1602048xi32, #tpu.memory_space<hbm>> -> memref<128xi32, #tpu.memory_space<hbm>>
          tpu.enqueue_dma source(%dma_start3A_88 : memref<128xi32, #tpu.memory_space<hbm>>) target(%dma_start3A_87 : memref<128xi32, #tpu.memory_space<vmem>>) target_semaphore(%arg16 : memref<!tpu.dma_semaphore, #tpu.memory_space<semaphore_mem>>)
          %mul3A_89 = arith.constant 2048 : i32
          %mul3A_90 = arith.muli %add3A_76, %mul3A_89 : i32
          %mul3A_91 = arith.constant 2048 : i32
          %mul3A_92 = arith.muli %and3A_80, %mul3A_91 : i32
          %dma_start3A_93 = tpu.memref_slice %arg12[%mul3A_92] : memref<4096xi32, #tpu.memory_space<vmem>> -> memref<2048xi32, #tpu.memory_space<vmem>>
          %dma_start3A_94 = tpu.memref_slice %arg5[%mul3A_90] : memref<25632768xi32, #tpu.memory_space<hbm>> -> memref<2048xi32, #tpu.memory_space<hbm>>
          %dma_start3A_95 = tpu.memref_slice %arg12[%mul3A_92] : memref<4096xi32, #tpu.memory_space<vmem>> -> memref<2048xi32, #tpu.memory_space<vmem>>
          %dma_start3A_96 = tpu.memref_slice %arg5[%mul3A_90] : memref<25632768xi32, #tpu.memory_space<hbm>> -> memref<2048xi32, #tpu.memory_space<hbm>>
          tpu.enqueue_dma source(%dma_start3A_96 : memref<2048xi32, #tpu.memory_space<hbm>>) target(%dma_start3A_95 : memref<2048xi32, #tpu.memory_space<vmem>>) target_semaphore(%arg16 : memref<!tpu.dma_semaphore, #tpu.memory_space<semaphore_mem>>)
        } else {
        }
        %mul3A_57 = arith.constant 128 : i32
        %mul3A_58 = arith.muli %and3A_35, %mul3A_57 : i32
        %dma_start3A = tpu.memref_slice %arg11[%mul3A_58] : memref<256xi32, #tpu.memory_space<vmem>> -> memref<128xi32, #tpu.memory_space<vmem>>
        %dma_start3A_59 = arith.constant 0 : i32
        %dma_start3A_60 = arith.constant 0 : i32
        %dma_start3A_61 = tpu.memref_slice %arg3[%dma_start3A_59, %dma_start3A_60] : memref<102400x128xf32, #tpu.memory_space<hbm>> -> memref<102400x128xf32, #tpu.memory_space<hbm>>
        tpu.enqueue_indirect_dma source(%dma_start3A_61 : memref<102400x128xf32, #tpu.memory_space<hbm>>) target(%arg13 : memref<128x128xf32, #tpu.memory_space<vmem>>) offsets(%dma_start3A : memref<128xi32, #tpu.memory_space<vmem>>) semaphore(%arg15 : memref<!tpu.dma_semaphore, #tpu.memory_space<semaphore_mem>>)
        %dma_wait3A_62 = tpu.memref_slice %arg11[%mul3A_58] : memref<256xi32, #tpu.memory_space<vmem>> -> memref<128xi32, #tpu.memory_space<vmem>>
        %dma_wait3A_63 = arith.constant 0 : i32
        %dma_wait3A_64 = arith.constant 0 : i32
        %dma_wait3A_65 = tpu.memref_slice %arg3[%dma_wait3A_63, %dma_wait3A_64] : memref<102400x128xf32, #tpu.memory_space<hbm>> -> memref<102400x128xf32, #tpu.memory_space<hbm>>
        tpu.wait_indirect_dma semaphore(%arg15 : memref<!tpu.dma_semaphore, #tpu.memory_space<semaphore_mem>>) src(%dma_wait3A_65 : memref<102400x128xf32, #tpu.memory_space<hbm>>) dst(%arg13 : memref<128x128xf32, #tpu.memory_space<vmem>>)
        %mul3A_66 = arith.constant 2048 : i32
        %mul3A_67 = arith.muli %and3A_35, %mul3A_66 : i32
        %scan3A = arith.constant 0 : i32
        %scan3A_68 = arith.constant 0 : i32
        %scan3A_69 = arith.constant 128 : i32
        %scan3A_70 = arith.addi %scan3A_68, %scan3A_69 : i32
        %scan3A_71 = arith.constant 1 : i32
        %scan3A_72 = scf.for %scan3A_75 = %scan3A_68 to %scan3A_70 step %scan3A_71 iter_args(%scan3A_76 = %scan3A) -> (i32)  : i32 {
          %get3A_77 = arith.index_cast %scan3A_75 : i32 to index
          %get3A_78 = arith.constant 0 : index
          %get3A_79 = tpu.vector_load %arg13[%get3A_77, %get3A_78] {strides = array<i32>} : memref<128x128xf32, #tpu.memory_space<vmem>>, vector<16xf32>,
          %mul3A_80 = arith.constant 16 : i32
          %mul3A_81 = arith.muli %scan3A_75, %mul3A_80 : i32
          %add3A_82 = arith.addi %mul3A_67, %mul3A_81 : i32
          %get3A_83 = arith.index_cast %add3A_82 : i32 to index
          %get3A_84 = tpu.vector_load %arg12[%get3A_83] {strides = array<i32>} : memref<4096xi32, #tpu.memory_space<vmem>>, vector<16xi32>,
          tpu.vector_store_idx %arg10[%get3A_84], %get3A_79 {add = true} : memref<102528xf32, #tpu.memory_space<vmem>>[vector<16xi32>], vector<16xf32>,
          %scan3A_85 = arith.constant 0 : i32
          scf.yield %scan3A_85 : i32
        }
        %scan3A_73 = arith.constant 128 : i32
        %while3A_74 = arith.constant 0 : i32
        scf.yield %while3A_74 : i32
      }
      %mul3A_31 = arith.constant 102400 : i32
      %mul3A_32 = arith.muli %arg1, %mul3A_31 : i32
      "tpu.region"() ({
        %run_scoped3A = tpu.sem_alloc : memref<!tpu.dma_semaphore, #tpu.memory_space<semaphore_mem>>
        %dma_start3A = arith.constant 0 : i32
        %dma_start3A_33 = tpu.memref_slice %arg10[%dma_start3A] : memref<102528xf32, #tpu.memory_space<vmem>> -> memref<102400xf32, #tpu.memory_space<vmem>>
        %dma_start3A_34 = tpu.memref_slice %arg9[%mul3A_32] : memref<1638400xf32, #tpu.memory_space<hbm>> -> memref<102400xf32, #tpu.memory_space<hbm>>
        %dma_start3A_35 = tpu.memref_slice %arg9[%mul3A_32] : memref<1638400xf32, #tpu.memory_space<hbm>> -> memref<102400xf32, #tpu.memory_space<hbm>>
        %dma_start3A_36 = arith.constant 0 : i32
        %dma_start3A_37 = tpu.memref_slice %arg10[%dma_start3A_36] : memref<102528xf32, #tpu.memory_space<vmem>> -> memref<102400xf32, #tpu.memory_space<vmem>>
        tpu.enqueue_dma source(%dma_start3A_37 : memref<102400xf32, #tpu.memory_space<vmem>>) target(%dma_start3A_35 : memref<102400xf32, #tpu.memory_space<hbm>>) target_semaphore(%run_scoped3A : memref<!tpu.dma_semaphore, #tpu.memory_space<semaphore_mem>>)
        %dma_wait3A = arith.constant 0 : i32
        %dma_wait3A_38 = tpu.memref_slice %arg10[%dma_wait3A] : memref<102528xf32, #tpu.memory_space<vmem>> -> memref<102400xf32, #tpu.memory_space<vmem>>
        %dma_wait3A_39 = tpu.memref_slice %arg9[%mul3A_32] : memref<1638400xf32, #tpu.memory_space<hbm>> -> memref<102400xf32, #tpu.memory_space<hbm>>
        %dma_wait3A_40 = tpu.memref_slice %arg9[%mul3A_32] : memref<1638400xf32, #tpu.memory_space<hbm>> -> memref<102400xf32, #tpu.memory_space<hbm>>
        %dma_wait3A_41 = arith.constant 0 : i32
        %dma_wait3A_42 = tpu.memref_slice %arg10[%dma_wait3A_41] : memref<102528xf32, #tpu.memory_space<vmem>> -> memref<102400xf32, #tpu.memory_space<vmem>>
        tpu.wait_dma2 semaphore(%run_scoped3A : memref<!tpu.dma_semaphore, #tpu.memory_space<semaphore_mem>>) src(%dma_wait3A_42 : memref<102400xf32, #tpu.memory_space<vmem>>) dst(%dma_wait3A_40 : memref<102400xf32, #tpu.memory_space<hbm>>)
        tpu.yield
      }) : () -> ()
    } else {
    }
    return
  }
}

module attributes {stable_mosaic.version = 14 : i64} {
  func.func @_tc_pre_body(%arg0: i32, %arg1: memref<2048x32xf32, #tpu.memory_space<vmem>>, %arg2: memref<32x32xf32, #tpu.memory_space<vmem>>, %arg3: memref<2048x16xf32, #tpu.memory_space<vmem>>, %arg4: memref<2048x128xf32, #tpu.memory_space<vmem>>, %arg5: memref<2048x128xf32, #tpu.memory_space<vmem>>) attributes {dimension_semantics = [#tpu.dimension_semantics<arbitrary>], iteration_bounds = array<i64: 50>, scalar_prefetch = 0 : i64, scratch_operands = 0 : i64, tpu.core_type = #tpu.core_type<tc>, window_params = [{transform_indices = @transform_0, window_bounds = array<i64: 2048, 32>}, {pipeline_mode = #tpu.pipeline_mode<synchronous>, transform_indices = @transform_1, window_bounds = array<i64: 32, 32>}, {transform_indices = @transform_2, window_bounds = array<i64: 2048, 16>}, {transform_indices = @transform_3, window_bounds = array<i64: 2048, 128>}, {transform_indices = @transform_4, window_bounds = array<i64: 2048, 128>}]} {
    %get3A = arith.constant 0 : index
    %get3A_0 = arith.constant 0 : index
    %get3A_1 = vector.load %arg3[%get3A, %get3A_0] : memref<2048x16xf32, #tpu.memory_space<vmem>>, vector<2048x16xf32>
    %slice3A = vector.extract_strided_slice %get3A_1 {offsets = [0, 0], sizes = [2048, 1], strides = [1, 1]} : vector<2048x16xf32> to vector<2048x1xf32>
    %add3A = arith.constant 1.000000e+00 : f32
    %add3A_2 = vector.broadcast %add3A : f32 to vector<2048x1xf32>
    %add3A_3 = arith.addf %slice3A, %add3A_2 : vector<2048x1xf32>
    %rsqrt3A = math.rsqrt %add3A_3 : vector<2048x1xf32>
    %get3A_4 = arith.constant 0 : index
    %get3A_5 = arith.constant 0 : index
    %get3A_6 = vector.load %arg1[%get3A_4, %get3A_5] : memref<2048x32xf32, #tpu.memory_space<vmem>>, vector<2048x32xf32>
    %get3A_7 = arith.constant 0 : index
    %get3A_8 = arith.constant 0 : index
    %get3A_9 = vector.load %arg2[%get3A_7, %get3A_8] : memref<32x32xf32, #tpu.memory_space<vmem>>, vector<32x32xf32>
    %dot_general3A = arith.constant dense<0.000000e+00> : vector<2048x32xf32>
    %dot_general3A_10 = tpu.matmul %get3A_6, %get3A_9, %dot_general3A {dimension_numbers = #tpu.dot_dimension_numbers<[1], [0], [0], [1], [0, 0, 1, 1], [], []>, transpose_lhs_hint = false} : vector<2048x32xf32>, vector<32x32xf32>, vector<2048x32xf32> -> vector<2048x32xf32>
    %mul3A = vector.broadcast %rsqrt3A : vector<2048x1xf32> to vector<2048x32xf32>
    %mul3A_11 = arith.mulf %dot_general3A_10, %mul3A : vector<2048x32xf32>
    %broadcast_in_dim3A = arith.constant 0.000000e+00 : f32
    %broadcast_in_dim3A_12 = vector.broadcast %broadcast_in_dim3A : f32 to vector<2048x112xf32>
    %slice3A_13 = vector.extract_strided_slice %mul3A_11 {offsets = [0, 0], sizes = [2048, 16], strides = [1, 1]} : vector<2048x32xf32> to vector<2048x16xf32>
    %concatenate3A = tpu.concatenate %slice3A_13, %broadcast_in_dim3A_12 in 1 : vector<2048x16xf32>, vector<2048x112xf32> -> vector<2048x128xf32>
    %slice3A_14 = vector.extract_strided_slice %mul3A_11 {offsets = [0, 16], sizes = [2048, 16], strides = [1, 1]} : vector<2048x32xf32> to vector<2048x16xf32>
    %concatenate3A_15 = tpu.concatenate %slice3A_14, %broadcast_in_dim3A_12 in 1 : vector<2048x16xf32>, vector<2048x112xf32> -> vector<2048x128xf32>
    %swap3A = arith.constant 0 : index
    %swap3A_16 = arith.constant 0 : index
    %swap3A_17 = vector.load %arg4[%swap3A, %swap3A_16] : memref<2048x128xf32, #tpu.memory_space<vmem>>, vector<2048x128xf32>
    tpu.vector_store %arg4[%swap3A, %swap3A_16], %concatenate3A {strides = array<i32>} : memref<2048x128xf32, #tpu.memory_space<vmem>>, vector<2048x128xf32>,
    %swap3A_18 = arith.constant 0 : index
    %swap3A_19 = arith.constant 0 : index
    %swap3A_20 = vector.load %arg5[%swap3A_18, %swap3A_19] : memref<2048x128xf32, #tpu.memory_space<vmem>>, vector<2048x128xf32>
    tpu.vector_store %arg5[%swap3A_18, %swap3A_19], %concatenate3A_15 {strides = array<i32>} : memref<2048x128xf32, #tpu.memory_space<vmem>>, vector<2048x128xf32>,
    return
  }
  func.func @transform_0(%arg0: i32) -> (i32, i32) {
    %c0_i32 = arith.constant 0 : i32
    %c0_i32_0 = arith.constant 0 : i32
    return %arg0, %c0_i32 : i32, i32
  }
  func.func @transform_1(%arg0: i32) -> (i32, i32) {
    %c0_i32 = arith.constant 0 : i32
    %c0_i32_0 = arith.constant 0 : i32
    %c0_i32_1 = arith.constant 0 : i32
    return %c0_i32, %c0_i32_0 : i32, i32
  }
  func.func @transform_2(%arg0: i32) -> (i32, i32) {
    %c0_i32 = arith.constant 0 : i32
    %c0_i32_0 = arith.constant 0 : i32
    return %arg0, %c0_i32 : i32, i32
  }
  func.func @transform_3(%arg0: i32) -> (i32, i32) {
    %c0_i32 = arith.constant 0 : i32
    %c0_i32_0 = arith.constant 0 : i32
    return %arg0, %c0_i32 : i32, i32
  }
  func.func @transform_4(%arg0: i32) -> (i32, i32) {
    %c0_i32 = arith.constant 0 : i32
    %c0_i32_0 = arith.constant 0 : i32
    return %arg0, %c0_i32 : i32, i32
  }
}

module attributes {stable_mosaic.version = 14 : i64} {
  func.func @_tc_mid_body(%arg0: i32, %arg1: memref<2048x16xf32, #tpu.memory_space<vmem>>, %arg2: memref<2048x16xf32, #tpu.memory_space<vmem>>, %arg3: memref<2048x128xf32, #tpu.memory_space<vmem>>, %arg4: memref<2048x128xf32, #tpu.memory_space<vmem>>, %arg5: memref<2048x16xf32, #tpu.memory_space<vmem>>, %arg6: memref<32x32xf32, #tpu.memory_space<vmem>>, %arg7: memref<1x32xf32, #tpu.memory_space<vmem>>, %arg8: memref<2048x128xf32, #tpu.memory_space<vmem>>, %arg9: memref<2048x128xf32, #tpu.memory_space<vmem>>) attributes {dimension_semantics = [#tpu.dimension_semantics<arbitrary>], iteration_bounds = array<i64: 50>, scalar_prefetch = 0 : i64, scratch_operands = 0 : i64, tpu.core_type = #tpu.core_type<tc>, window_params = [{transform_indices = @transform_0, window_bounds = array<i64: 2048, 16>}, {transform_indices = @transform_1, window_bounds = array<i64: 2048, 16>}, {transform_indices = @transform_2, window_bounds = array<i64: 2048, 128>}, {transform_indices = @transform_3, window_bounds = array<i64: 2048, 128>}, {transform_indices = @transform_4, window_bounds = array<i64: 2048, 16>}, {pipeline_mode = #tpu.pipeline_mode<synchronous>, transform_indices = @transform_5, window_bounds = array<i64: 32, 32>}, {pipeline_mode = #tpu.pipeline_mode<synchronous>, transform_indices = @transform_6, window_bounds = array<i64: 1, 32>}, {transform_indices = @transform_7, window_bounds = array<i64: 2048, 128>}, {transform_indices = @transform_8, window_bounds = array<i64: 2048, 128>}]} {
    %get3A = arith.constant 0 : index
    %get3A_0 = arith.constant 0 : index
    %get3A_1 = vector.load %arg5[%get3A, %get3A_0] : memref<2048x16xf32, #tpu.memory_space<vmem>>, vector<2048x16xf32>
    %slice3A = vector.extract_strided_slice %get3A_1 {offsets = [0, 0], sizes = [2048, 1], strides = [1, 1]} : vector<2048x16xf32> to vector<2048x1xf32>
    %add3A = arith.constant 1.000000e+00 : f32
    %add3A_2 = vector.broadcast %add3A : f32 to vector<2048x1xf32>
    %add3A_3 = arith.addf %slice3A, %add3A_2 : vector<2048x1xf32>
    %rsqrt3A = math.rsqrt %add3A_3 : vector<2048x1xf32>
    %get3A_4 = arith.constant 0 : index
    %get3A_5 = arith.constant 0 : index
    %get3A_6 = vector.load %arg1[%get3A_4, %get3A_5] : memref<2048x16xf32, #tpu.memory_space<vmem>>, vector<2048x16xf32>
    %get3A_7 = arith.constant 0 : index
    %get3A_8 = arith.constant 0 : index
    %get3A_9 = vector.load %arg3[%get3A_7, %get3A_8] : memref<2048x128xf32, #tpu.memory_space<vmem>>, vector<2048x128xf32>
    %slice3A_10 = vector.extract_strided_slice %get3A_9 {offsets = [0, 0], sizes = [2048, 16], strides = [1, 1]} : vector<2048x128xf32> to vector<2048x16xf32>
    %add3A_11 = arith.addf %get3A_6, %slice3A_10 : vector<2048x16xf32>
    %get3A_12 = arith.constant 0 : index
    %get3A_13 = arith.constant 0 : index
    %get3A_14 = vector.load %arg2[%get3A_12, %get3A_13] : memref<2048x16xf32, #tpu.memory_space<vmem>>, vector<2048x16xf32>
    %get3A_15 = arith.constant 0 : index
    %get3A_16 = arith.constant 0 : index
    %get3A_17 = vector.load %arg4[%get3A_15, %get3A_16] : memref<2048x128xf32, #tpu.memory_space<vmem>>, vector<2048x128xf32>
    %slice3A_18 = vector.extract_strided_slice %get3A_17 {offsets = [0, 0], sizes = [2048, 16], strides = [1, 1]} : vector<2048x128xf32> to vector<2048x16xf32>
    %add3A_19 = arith.addf %get3A_14, %slice3A_18 : vector<2048x16xf32>
    %concatenate3A = tpu.concatenate %add3A_11, %add3A_19 in 1 : vector<2048x16xf32>, vector<2048x16xf32> -> vector<2048x32xf32>
    %mul3A = vector.broadcast %rsqrt3A : vector<2048x1xf32> to vector<2048x32xf32>
    %mul3A_20 = arith.mulf %concatenate3A, %mul3A : vector<2048x32xf32>
    %get3A_21 = arith.constant 0 : index
    %get3A_22 = arith.constant 0 : index
    %get3A_23 = vector.load %arg7[%get3A_21, %get3A_22] : memref<1x32xf32, #tpu.memory_space<vmem>>, vector<1x32xf32>
    %add3A_24 = vector.broadcast %get3A_23 : vector<1x32xf32> to vector<2048x32xf32>
    %add3A_25 = arith.addf %mul3A_20, %add3A_24 : vector<2048x32xf32>
    %max3A = arith.constant 0.000000e+00 : f32
    %max3A_26 = vector.broadcast %max3A : f32 to vector<2048x32xf32>
    %max3A_27 = arith.maximumf %add3A_25, %max3A_26 : vector<2048x32xf32>
    %get3A_28 = arith.constant 0 : index
    %get3A_29 = arith.constant 0 : index
    %get3A_30 = vector.load %arg6[%get3A_28, %get3A_29] : memref<32x32xf32, #tpu.memory_space<vmem>>, vector<32x32xf32>
    %dot_general3A = arith.constant dense<0.000000e+00> : vector<2048x32xf32>
    %dot_general3A_31 = tpu.matmul %max3A_27, %get3A_30, %dot_general3A {dimension_numbers = #tpu.dot_dimension_numbers<[1], [0], [0], [1], [0, 0, 1, 1], [], []>, transpose_lhs_hint = false} : vector<2048x32xf32>, vector<32x32xf32>, vector<2048x32xf32> -> vector<2048x32xf32>
    %mul3A_32 = vector.broadcast %rsqrt3A : vector<2048x1xf32> to vector<2048x32xf32>
    %mul3A_33 = arith.mulf %dot_general3A_31, %mul3A_32 : vector<2048x32xf32>
    %broadcast_in_dim3A = arith.constant 0.000000e+00 : f32
    %broadcast_in_dim3A_34 = vector.broadcast %broadcast_in_dim3A : f32 to vector<2048x112xf32>
    %slice3A_35 = vector.extract_strided_slice %mul3A_33 {offsets = [0, 0], sizes = [2048, 16], strides = [1, 1]} : vector<2048x32xf32> to vector<2048x16xf32>
    %concatenate3A_36 = tpu.concatenate %slice3A_35, %broadcast_in_dim3A_34 in 1 : vector<2048x16xf32>, vector<2048x112xf32> -> vector<2048x128xf32>
    %slice3A_37 = vector.extract_strided_slice %mul3A_33 {offsets = [0, 16], sizes = [2048, 16], strides = [1, 1]} : vector<2048x32xf32> to vector<2048x16xf32>
    %concatenate3A_38 = tpu.concatenate %slice3A_37, %broadcast_in_dim3A_34 in 1 : vector<2048x16xf32>, vector<2048x112xf32> -> vector<2048x128xf32>
    %swap3A = arith.constant 0 : index
    %swap3A_39 = arith.constant 0 : index
    %swap3A_40 = vector.load %arg8[%swap3A, %swap3A_39] : memref<2048x128xf32, #tpu.memory_space<vmem>>, vector<2048x128xf32>
    tpu.vector_store %arg8[%swap3A, %swap3A_39], %concatenate3A_36 {strides = array<i32>} : memref<2048x128xf32, #tpu.memory_space<vmem>>, vector<2048x128xf32>,
    %swap3A_41 = arith.constant 0 : index
    %swap3A_42 = arith.constant 0 : index
    %swap3A_43 = vector.load %arg9[%swap3A_41, %swap3A_42] : memref<2048x128xf32, #tpu.memory_space<vmem>>, vector<2048x128xf32>
    tpu.vector_store %arg9[%swap3A_41, %swap3A_42], %concatenate3A_38 {strides = array<i32>} : memref<2048x128xf32, #tpu.memory_space<vmem>>, vector<2048x128xf32>,
    return
  }
  func.func @transform_0(%arg0: i32) -> (i32, i32) {
    %c0_i32 = arith.constant 0 : i32
    %c0_i32_0 = arith.constant 0 : i32
    return %arg0, %c0_i32 : i32, i32
  }
  func.func @transform_1(%arg0: i32) -> (i32, i32) {
    %c0_i32 = arith.constant 0 : i32
    %c0_i32_0 = arith.constant 0 : i32
    return %arg0, %c0_i32 : i32, i32
  }
  func.func @transform_2(%arg0: i32) -> (i32, i32) {
    %c0_i32 = arith.constant 0 : i32
    %c0_i32_0 = arith.constant 0 : i32
    return %arg0, %c0_i32 : i32, i32
  }
  func.func @transform_3(%arg0: i32) -> (i32, i32) {
    %c0_i32 = arith.constant 0 : i32
    %c0_i32_0 = arith.constant 0 : i32
    return %arg0, %c0_i32 : i32, i32
  }
  func.func @transform_4(%arg0: i32) -> (i32, i32) {
    %c0_i32 = arith.constant 0 : i32
    %c0_i32_0 = arith.constant 0 : i32
    return %arg0, %c0_i32 : i32, i32
  }
  func.func @transform_5(%arg0: i32) -> (i32, i32) {
    %c0_i32 = arith.constant 0 : i32
    %c0_i32_0 = arith.constant 0 : i32
    %c0_i32_1 = arith.constant 0 : i32
    return %c0_i32, %c0_i32_0 : i32, i32
  }
  func.func @transform_6(%arg0: i32) -> (i32, i32) {
    %c0_i32 = arith.constant 0 : i32
    %c0_i32_0 = arith.constant 0 : i32
    %c0_i32_1 = arith.constant 0 : i32
    return %c0_i32, %c0_i32_0 : i32, i32
  }
  func.func @transform_7(%arg0: i32) -> (i32, i32) {
    %c0_i32 = arith.constant 0 : i32
    %c0_i32_0 = arith.constant 0 : i32
    return %arg0, %c0_i32 : i32, i32
  }
  func.func @transform_8(%arg0: i32) -> (i32, i32) {
    %c0_i32 = arith.constant 0 : i32
    %c0_i32_0 = arith.constant 0 : i32
    return %arg0, %c0_i32 : i32, i32
  }
}

module attributes {stable_mosaic.version = 14 : i64} {
  func.func @_tc_fin_body(%arg0: i32, %arg1: memref<2048x16xf32, #tpu.memory_space<vmem>>, %arg2: memref<2048x16xf32, #tpu.memory_space<vmem>>, %arg3: memref<2048x128xf32, #tpu.memory_space<vmem>>, %arg4: memref<2048x128xf32, #tpu.memory_space<vmem>>, %arg5: memref<2048x16xf32, #tpu.memory_space<vmem>>, %arg6: memref<1x32xf32, #tpu.memory_space<vmem>>, %arg7: memref<32x2xf32, #tpu.memory_space<vmem>>, %arg8: memref<1x2xf32, #tpu.memory_space<vmem>>, %arg9: memref<2048x2xf32, #tpu.memory_space<vmem>>) attributes {dimension_semantics = [#tpu.dimension_semantics<arbitrary>], iteration_bounds = array<i64: 50>, scalar_prefetch = 0 : i64, scratch_operands = 0 : i64, tpu.core_type = #tpu.core_type<tc>, window_params = [{transform_indices = @transform_0, window_bounds = array<i64: 2048, 16>}, {transform_indices = @transform_1, window_bounds = array<i64: 2048, 16>}, {transform_indices = @transform_2, window_bounds = array<i64: 2048, 128>}, {transform_indices = @transform_3, window_bounds = array<i64: 2048, 128>}, {transform_indices = @transform_4, window_bounds = array<i64: 2048, 16>}, {pipeline_mode = #tpu.pipeline_mode<synchronous>, transform_indices = @transform_5, window_bounds = array<i64: 1, 32>}, {pipeline_mode = #tpu.pipeline_mode<synchronous>, transform_indices = @transform_6, window_bounds = array<i64: 32, 2>}, {pipeline_mode = #tpu.pipeline_mode<synchronous>, transform_indices = @transform_7, window_bounds = array<i64: 1, 2>}, {transform_indices = @transform_8, window_bounds = array<i64: 2048, 2>}]} {
    %get3A = arith.constant 0 : index
    %get3A_0 = arith.constant 0 : index
    %get3A_1 = vector.load %arg5[%get3A, %get3A_0] : memref<2048x16xf32, #tpu.memory_space<vmem>>, vector<2048x16xf32>
    %slice3A = vector.extract_strided_slice %get3A_1 {offsets = [0, 0], sizes = [2048, 1], strides = [1, 1]} : vector<2048x16xf32> to vector<2048x1xf32>
    %add3A = arith.constant 1.000000e+00 : f32
    %add3A_2 = vector.broadcast %add3A : f32 to vector<2048x1xf32>
    %add3A_3 = arith.addf %slice3A, %add3A_2 : vector<2048x1xf32>
    %rsqrt3A = math.rsqrt %add3A_3 : vector<2048x1xf32>
    %get3A_4 = arith.constant 0 : index
    %get3A_5 = arith.constant 0 : index
    %get3A_6 = vector.load %arg1[%get3A_4, %get3A_5] : memref<2048x16xf32, #tpu.memory_space<vmem>>, vector<2048x16xf32>
    %get3A_7 = arith.constant 0 : index
    %get3A_8 = arith.constant 0 : index
    %get3A_9 = vector.load %arg3[%get3A_7, %get3A_8] : memref<2048x128xf32, #tpu.memory_space<vmem>>, vector<2048x128xf32>
    %slice3A_10 = vector.extract_strided_slice %get3A_9 {offsets = [0, 0], sizes = [2048, 16], strides = [1, 1]} : vector<2048x128xf32> to vector<2048x16xf32>
    %add3A_11 = arith.addf %get3A_6, %slice3A_10 : vector<2048x16xf32>
    %get3A_12 = arith.constant 0 : index
    %get3A_13 = arith.constant 0 : index
    %get3A_14 = vector.load %arg2[%get3A_12, %get3A_13] : memref<2048x16xf32, #tpu.memory_space<vmem>>, vector<2048x16xf32>
    %get3A_15 = arith.constant 0 : index
    %get3A_16 = arith.constant 0 : index
    %get3A_17 = vector.load %arg4[%get3A_15, %get3A_16] : memref<2048x128xf32, #tpu.memory_space<vmem>>, vector<2048x128xf32>
    %slice3A_18 = vector.extract_strided_slice %get3A_17 {offsets = [0, 0], sizes = [2048, 16], strides = [1, 1]} : vector<2048x128xf32> to vector<2048x16xf32>
    %add3A_19 = arith.addf %get3A_14, %slice3A_18 : vector<2048x16xf32>
    %concatenate3A = tpu.concatenate %add3A_11, %add3A_19 in 1 : vector<2048x16xf32>, vector<2048x16xf32> -> vector<2048x32xf32>
    %mul3A = vector.broadcast %rsqrt3A : vector<2048x1xf32> to vector<2048x32xf32>
    %mul3A_20 = arith.mulf %concatenate3A, %mul3A : vector<2048x32xf32>
    %get3A_21 = arith.constant 0 : index
    %get3A_22 = arith.constant 0 : index
    %get3A_23 = vector.load %arg6[%get3A_21, %get3A_22] : memref<1x32xf32, #tpu.memory_space<vmem>>, vector<1x32xf32>
    %add3A_24 = vector.broadcast %get3A_23 : vector<1x32xf32> to vector<2048x32xf32>
    %add3A_25 = arith.addf %mul3A_20, %add3A_24 : vector<2048x32xf32>
    %get3A_26 = arith.constant 0 : index
    %get3A_27 = arith.constant 0 : index
    %get3A_28 = vector.load %arg7[%get3A_26, %get3A_27] : memref<32x2xf32, #tpu.memory_space<vmem>>, vector<32x2xf32>
    %dot_general3A = arith.constant dense<0.000000e+00> : vector<2048x2xf32>
    %dot_general3A_29 = tpu.matmul %add3A_25, %get3A_28, %dot_general3A {dimension_numbers = #tpu.dot_dimension_numbers<[1], [0], [0], [1], [0, 0, 1, 1], [], []>, transpose_lhs_hint = false} : vector<2048x32xf32>, vector<32x2xf32>, vector<2048x2xf32> -> vector<2048x2xf32>
    %get3A_30 = arith.constant 0 : index
    %get3A_31 = arith.constant 0 : index
    %get3A_32 = vector.load %arg8[%get3A_30, %get3A_31] : memref<1x2xf32, #tpu.memory_space<vmem>>, vector<1x2xf32>
    %add3A_33 = vector.broadcast %get3A_32 : vector<1x2xf32> to vector<2048x2xf32>
    %add3A_34 = arith.addf %dot_general3A_29, %add3A_33 : vector<2048x2xf32>
    %swap3A = arith.constant 0 : index
    %swap3A_35 = arith.constant 0 : index
    %swap3A_36 = vector.load %arg9[%swap3A, %swap3A_35] : memref<2048x2xf32, #tpu.memory_space<vmem>>, vector<2048x2xf32>
    tpu.vector_store %arg9[%swap3A, %swap3A_35], %add3A_34 {strides = array<i32>} : memref<2048x2xf32, #tpu.memory_space<vmem>>, vector<2048x2xf32>,
    return
  }
  func.func @transform_0(%arg0: i32) -> (i32, i32) {
    %c0_i32 = arith.constant 0 : i32
    %c0_i32_0 = arith.constant 0 : i32
    return %arg0, %c0_i32 : i32, i32
  }
  func.func @transform_1(%arg0: i32) -> (i32, i32) {
    %c0_i32 = arith.constant 0 : i32
    %c0_i32_0 = arith.constant 0 : i32
    return %arg0, %c0_i32 : i32, i32
  }
  func.func @transform_2(%arg0: i32) -> (i32, i32) {
    %c0_i32 = arith.constant 0 : i32
    %c0_i32_0 = arith.constant 0 : i32
    return %arg0, %c0_i32 : i32, i32
  }
  func.func @transform_3(%arg0: i32) -> (i32, i32) {
    %c0_i32 = arith.constant 0 : i32
    %c0_i32_0 = arith.constant 0 : i32
    return %arg0, %c0_i32 : i32, i32
  }
  func.func @transform_4(%arg0: i32) -> (i32, i32) {
    %c0_i32 = arith.constant 0 : i32
    %c0_i32_0 = arith.constant 0 : i32
    return %arg0, %c0_i32 : i32, i32
  }
  func.func @transform_5(%arg0: i32) -> (i32, i32) {
    %c0_i32 = arith.constant 0 : i32
    %c0_i32_0 = arith.constant 0 : i32
    %c0_i32_1 = arith.constant 0 : i32
    return %c0_i32, %c0_i32_0 : i32, i32
  }
  func.func @transform_6(%arg0: i32) -> (i32, i32) {
    %c0_i32 = arith.constant 0 : i32
    %c0_i32_0 = arith.constant 0 : i32
    %c0_i32_1 = arith.constant 0 : i32
    return %c0_i32, %c0_i32_0 : i32, i32
  }
  func.func @transform_7(%arg0: i32) -> (i32, i32) {
    %c0_i32 = arith.constant 0 : i32
    %c0_i32_0 = arith.constant 0 : i32
    %c0_i32_1 = arith.constant 0 : i32
    return %c0_i32, %c0_i32_0 : i32, i32
  }
  func.func @transform_8(%arg0: i32) -> (i32, i32) {
    %c0_i32 = arith.constant 0 : i32
    %c0_i32_0 = arith.constant 0 : i32
    return %arg0, %c0_i32 : i32, i32
  }
}

</mosaic_0001>

<sc_bundles>
// kernel: gather_offload_async_start.1
scs
__scs_entry_jumppad:
0x0: {  	(pc) =	sbr.rel $0x88, $3  }
0x1: {  	(tag) =	ssettag $0x0;
	lr =	simm.s32 $0x1  }
0x2: {  	[smem:$0x3F97] =	sst lr;
	_ =	strace $0xD0000000  }
0x3: {  	_ = 	snop  }
0x4: {  	_ = 	snop  }
0x5: {  	_ = 	snop  }
0x6: {  	_ = 	snop  }
0x7: {  	_ = 	snop  }
__scs_overlays_trampoline_lowered:
0x8: {  	[smem:$0x3FA6] =	sst s0  }
0x9: {  	[smem:$0x3FA7] =	sst s1  }
0xa: {  	[smem:$0x3FA8] =	sst s2  }
0xb: {  	[smem:$0x3FA9] =	sst s3  }
0xc: {  	[smem:$0x3FAA] =	sst s4  }
0xd: {  	[smem:$0x3FAB] =	sst s5  }
0xe: {  	[smem:$0x3FAC] =	sst s6  }
0xf: {  	[smem:$0x3FAD] =	sst s7  }
0x10: {  	[smem:$0x3FAE] =	sst s8  }
0x11: {  	[smem:$0x3FAF] =	sst s9;
	s0 =	simm.s32 @!p0 $0x0  }
0x12: {  	s1 =	sld [smem:$0x3F95];
	s0 =	simm.s32 @p0 $0x1  }
0x13: {  	[smem:$0x3FB0] =	sst s0;
	s0 =	simm.s32 @!p1 $0x0  }
0x14: {  	s2 =	sld [smem:$0x3F94];
	s0 =	simm.s32 @p1 $0x1  }
0x15: {  	[smem:$0x3FB1] =	sst s0;
	s0 =	simm.s32 @!p2 $0x0  }
0x16: {  	s3 =	sld [smem:$0x3FDB];
	s0 =	simm.s32 @p2 $0x1  }
0x17: {  	s4 =	simm.s32 $0x1BF5;
	[smem:$0x3FB3] =	sst s0  }
0x18: {  	s0 =	sld [smem:$0x3F96];
	_ =	swait.ge [sflag:s4], $0x0  }
0x19: {  	s7 =	sld [smem:$0x3F97]  }
0x1a: {  	s8 =	sadd.s32 $0xFFFFE003, lr  }
0x1b: {  	s9 =	sadd.s32 $0xFFFFFEF7, lr;
	s5 =	simm.s32 $0xFFFFFFFF;
	p2 =	slt.u32 s8, $0xFFFFF086  }
0x1c: {  	p1 =	slt.u32 s9, $0xF7A;
	s5 =	simm.s32 @!p2 $0x0  }
0x1d: {  	s5 =	simm.s32 @p1 $0x1;
	p0 =	seq.s32 s7, s2  }
0x1e: {  	s7 =	smul.u32 @!p0 $0xF7A, s2;
	p2 =	seq.s32 @!p0 s5, $0x0  }
0x1f: {  	s9 =	smul.u32 $0xF7A, s1;
	s8 =	simm.s32 @!p0 $0x1BF5;
	p2 =	por !p2, p0  }
0x20: {  	[sflag:s8] =	ssyncset.s32 @!p0 $0xFFFFF086;
	s6 =	sadd.s32 @!p0 s3, s7;
	s7 =	simm.s32 @!p0 $0x108  }
0x21: {  	s3 =	sadd.s32 s3, s9;
	s6 =	sadd.s32 @!p0 $0x88, s6;
	s7 =	simm.s32 @p2 $0x1082  }
0x22: {  	[simem:s7], [sflag:s8] =	dma.local @!p0 [hbm:s6], $0xF7A  }
0x23: {  	s9 =	sor.u32 $0xD0000000, s2;
	s6 =	simm.s32 $0x108;
	_ =	swait.ge @!p0 [sflag:s8], $0x0  }
0x24: {  	s3 =	sadd.s32 $0x88, s3;
	s6 =	simm.s32 @!p1 $0x1082;
	[sflag:s4] =	ssyncset.s32 $0xFFFFF086  }
0x25: {  	[simem:s6], [sflag:s4] =	dma.local [hbm:s3], $0xF7A  }
0x26: {  	[smem:$0x3F97] =	sst s1;
	(tag) =	ssettag s2;
	_ =	strace s9  }
0x27: {  	s1 =	sld [smem:$0x3FA7]  }
0x28: {  	s2 =	sld [smem:$0x3FA8]  }
0x29: {  	s4 =	sld [smem:$0x3FAA]  }
0x2a: {  	p0 =	seq.s32 s5, $0x0;
	s5 =	sld [smem:$0x3FAB]  }
0x2b: {  	s6 =	sld [smem:$0x3FAC]  }
0x2c: {  	s7 =	sld [smem:$0x3FAD]  }
0x2d: {  	s3 =	simm.s32 $0x108;
	s8 =	sld [smem:$0x3FAE]  }
0x2e: {  	s3 =	simm.s32 @!p0 $0x1082;
	s9 =	sld [smem:$0x3FAF]  }
0x2f: {  	lr =	sadd.s32 s0, s3;
	s0 =	sld [smem:$0x3FA6]  }
0x30: {  	s3 =	sld [smem:$0x3FA9]  }
0x31: {  	[smem:$0x3FB2] =	sst s10  }
0x32: {  	s10 =	sld [smem:$0x3FB0];
	_ =	sdelay $0x3  }
0x33: {  	p0 =	seq.s32 s10, $0x1;
	s10 =	sld [smem:$0x3FB2];
	_ =	sdelay $0x3  }
0x34: {  	[smem:$0x3FB2] =	sst s10  }
0x35: {  	s10 =	sld [smem:$0x3FB1];
	_ =	sdelay $0x3  }
0x36: {  	p1 =	seq.s32 s10, $0x1;
	s10 =	sld [smem:$0x3FB2];
	_ =	sdelay $0x3  }
0x37: {  	[smem:$0x3FB2] =	sst s10  }
0x38: {  	s10 =	sld [smem:$0x3FB3]  }
0x39: {  	_ = 	snop;
	(pc) =	sbr.ind lr, $3  }
0x3a: {  	_ = 	snop  }
0x3b: {  	_ = 	snop  }
0x3c: {  	p2 =	seq.s32 s10, $0x1;
	s10 =	sld [smem:$0x3FB2]  }
0x3d: {  	_ =	shalt  }
0x3e: {  	_ =	shalt  }
0x3f: {  	_ =	shalt  }
0x40: {  	_ =	shalt  }
0x41: {  	_ =	shalt  }
0x42: {  	_ =	shalt  }
0x43: {  	_ =	shalt  }
0x44: {  	_ =	shalt  }
0x45: {  	_ =	shalt  }
0x46: {  	_ =	shalt  }
0x47: {  	_ =	shalt  }
0x48: {  	_ =	shalt  }
0x49: {  	_ =	shalt  }
0x4a: {  	_ =	shalt  }
0x4b: {  	_ =	shalt  }
0x4c: {  	_ =	shalt  }
0x4d: {  	_ =	shalt  }
0x4e: {  	_ =	shalt  }
0x4f: {  	_ =	shalt  }
0x50: {  	_ =	shalt  }
0x51: {  	_ =	shalt  }
0x52: {  	_ =	shalt  }
0x53: {  	_ =	shalt  }
0x54: {  	_ =	shalt  }
0x55: {  	_ =	shalt  }
0x56: {  	_ =	shalt  }
0x57: {  	_ =	shalt  }
0x58: {  	_ =	shalt  }
0x59: {  	_ =	shalt  }
0x5a: {  	_ =	shalt  }
0x5b: {  	_ =	shalt  }
0x5c: {  	_ =	shalt  }
0x5d: {  	_ =	shalt  }
0x5e: {  	_ =	shalt  }
0x5f: {  	_ =	shalt  }
0x60: {  	_ =	shalt  }
0x61: {  	_ =	shalt  }
0x62: {  	_ =	shalt  }
0x63: {  	_ =	shalt  }
0x64: {  	_ =	shalt  }
0x65: {  	_ =	shalt  }
0x66: {  	_ =	shalt  }
0x67: {  	_ =	shalt  }
0x68: {  	_ =	shalt  }
0x69: {  	_ =	shalt  }
0x6a: {  	_ =	shalt  }
0x6b: {  	_ =	shalt  }
0x6c: {  	_ =	shalt  }
0x6d: {  	_ =	shalt  }
0x6e: {  	_ =	shalt  }
0x6f: {  	_ =	shalt  }
0x70: {  	_ =	shalt  }
0x71: {  	_ =	shalt  }
0x72: {  	_ =	shalt  }
0x73: {  	_ =	shalt  }
0x74: {  	_ =	shalt  }
0x75: {  	_ =	shalt  }
0x76: {  	_ =	shalt  }
0x77: {  	_ =	shalt  }
0x78: {  	_ =	shalt  }
0x79: {  	_ =	shalt  }
0x7a: {  	_ =	shalt  }
0x7b: {  	_ =	shalt  }
0x7c: {  	_ =	shalt  }
0x7d: {  	_ =	shalt  }
0x7e: {  	_ =	shalt  }
0x7f: {  	_ =	shalt  }
0x80: {  	_ =	shalt  }
0x81: {  	_ =	shalt  }
0x82: {  	_ =	shalt  }
0x83: {  	_ =	shalt  }
0x84: {  	_ =	shalt  }
0x85: {  	_ =	shalt  }
0x86: {  	_ =	shalt  }
0x87: {  	_ =	shalt  }
.Lfunc_end0:
.L_simem_size_0:
called_computation.1_lowered:
.L_overlay_start_0:
0x88: {  	s2 =	sld [smem:$0x3FD9]  }
0x89: {  	s3 =	sld [smem:$0x3FFE];
	_ =	sdelay $0x1  }
0x8a: {  	s1 =	srdreg.scid  }
0x8b: {  	s0 =	sand.u32 $0x1, s1  }
0x8c: {  	s16 =	sshll.u32 s0, $0xA;
	s2 =	sadd.s32 s3, s2  }
0x8d: {  	s2 =	sadd.s32 s2, s16  }
0x8e: {  	[smem:$0x3FBE] =	sst s2  }
0x8f: {  	_ = 	snop  }
0x90: {  	(tm) =	ssettm $0x1  }
0x91: {  	s17 =	sld [smem:$0x3FFB];
	_ =	sdelay $0x3  }
0x92: {  	_ =	strace s17  }
0x93: {  	s2 =	sld [smem:$0x3FFC];
	_ =	sdelay $0x3  }
0x94: {  	_ =	strace s2  }
0x95: {  	s2 =	sld [smem:$0x3FFD];
	_ =	sdelay $0x3  }
0x96: {  	_ =	strace s2  }
0x97: {  	_ =	strace $0x8FFFFFFF  }
0x98: {  	s18 =	sld [smem:$0x3FDB];
	_ =	sdelay $0x1  }
0x99: {  	s19 =	simm.s32 $_scs_section_size  }
0x9a: {  	s4 =	simm.s32 $_size__tile_overlayer_lowered;
	s5 =	simm.s32 $_tile_overlayer_lowered  }
0x9b: {  	s22 =	simm.s32 $0x1BFF;
	s21 =	sshll.u32 s5, $0x1;
	s2 =	sadd.s32 s19, s18  }
0x9c: {  	s6 =	simm.s32 $0x0;
	s20 =	sshll.u32 s4, $0x1;
	s4 =	sadd.s32 s21, s2  }
0x9d: {  	[timem:s6], [sflag:s22] =	dma.local [hbm:s4], s20  }
0x9e: {  	_ =	swait.ge [sflag:s22], s20  }
0x9f: {  	s3 =	ssub.s32 $0x0, s20;
	[sflag:s22] =	ssyncset.done $0x0  }
0xa0: {  	[sflag:s22] =	ssyncadd.s32 s3;
	_ =	sdelay $0x1  }
0xa1: {  	s23 =	simm.s32 $0x1B8B  }
0xa2: {  	_ =	swait.ge [sflag:s23], $0x1  }
0xa3: {  	[sflag:s23] =	ssyncset.done $0x0  }
0xa4: {  	s25 =	simm.s32 $0x1B8E;
	s24 =	sld [smem:$0x3FFE];
	[sflag:s23] =	ssyncadd.s32 $0xFFFFFFFF  }
0xa5: {  	s26 =	simm.s32 $execute0_lowered;
	[smem:$0x3FD2] =	sst s25  }
0xa6: {  	s4 =	sshll.u32 s26, $0x1;
	_ =	strace $0x80000046;
	[dreg:$0x1] =	wrdreg $0xFFFFFFFF  }
0xa7: {  	s28 =	simm.s32 $_size_execute0_lowered;
	s2 =	sadd.s32 s2, s4;
	[dreg:$0x0] =	wrdreg $0x0  }
0xa8: {  	s4 =	sshll.u32 s28, $0x1;
	[dreg:$0x2] =	wrdreg s2  }
0xa9: {  	[dreg:$0x3] =	wrdreg s4  }
0xaa: {  	[dreg:$0x4] =	wrdreg $0xC0  }
0xab: {  	_ =	task [dreg:s6], $0x5FFFF  }
0xac: {  	[dreg:$0x1] =	wrdreg $0xFFFFFFFF  }
0xad: {  	[dreg:$0x0] =	wrdreg $0x60  }
0xae: {  	[dreg:$0x2] =	wrdreg s24  }
0xaf: {  	[dreg:$0x3] =	wrdreg $0x9  }
0xb0: {  	_ =	task.clear_ibuf [dreg:s6], $0x4FFFF;
	_ =	strace $0x90000046  }
0xb1: {  	s29 =	simm.s32 $0x9;
	_ =	strace $0x80000048  }
0xb2: {  	_ =	swait.ge [sflag:s29], $0x1  }
0xb3: {  	[sflag:s29] =	ssyncadd.s32 $0xFFFFFFFF  }
0xb4: {  	_ =	strace $0x90000048  }
0xb5: {  	_ =	sfence  }
0xb6: {  	s30 =	sld [smem:$0x0];
	_ =	sdelay $0x2  }
0xb7: {  	s31 =	sshll.u32 s1, $0xD;
	s1 =	sshrl.u32 s1, $0x2  }
0xb8: {  	s3 =	sand.u32 $0x4000, s31;
	s1 =	sadd.s32 s1, s30  }
0xb9: {  	s0 =	sor.u32 s3, s0;
	s1 =	sshll.u32 s1, $0x11  }
0xba: {  	s0 =	sor.u32 s1, s0  }
0xbb: {  	s0 =	sadd.s32 $0x8F2B, s0  }
0xbc: {  	[sflag:s0] =	ssyncadd.remote.s32 $0x1  }
0xbd: {  	_ =	sfence.sel $0xFFFF  }
0xbe: {  	[dreg:$0x0] =	wrdreg $0xFFFFFFFF;
	(pc) =	sbr.abs _section_cstart, $3  }
0xbf: {  	[dreg:$0x1] =	wrdreg $0xFFFFFFFF  }
0xc0: {  	_ =	task.clear_ibuf [dreg:s6], $0x2FFFF;
	_ =	strace $0x9FFFFFFF  }
0xc1: {  	(tm) =	ssettm $0x7FFFFFFF  }
tec
execute0_lowered:
.L_overlay_start_1:
0x0: {  	(tag) =	ssettag $0x1  }
0x1: {  	s8 =	rddreg [dreg:$0x0]  }
0x2: {  	s0 =	rddreg [dreg:$0x1];
	_ =	strace $0x80000047;
	s1 =	stileid.u32  }
0x3: {  	s3 =	srdreg.scid;
	s4 =	simm.s32 $0x1;
	s7 =	simm.s32 $0x1  }
0x4: {  	s9 =	simm.s32 $0x1;
	s10 =	simm.s32 $0x3;
	s13 =	simm.s32 $0x0  }
0x5: {  	s12 =	simm.s32 $0x0;
	s5 =	sand.u32 $0x1, s3;
	s6 =	sshll.u32 s1, $0x1  }
0x6: {  	s2 =	sadd.s32 $0x31600, s8;
	s3 =	sadd.s32 $0x62400, s8;
	s5 =	sor.u32 s6, s5  }
.Ltmp0:
0x7: {  	[sflag:s4] =	ssyncpa.u1 $0x0;
	p0 =	slt.u32 s5, $0x13;
	(pc) =	sbr.rel .LBB2_1-.Ltmp0, $4  }
0x8: {  	s6 =	simm.s32 $0x2;
	s7 =	simm.s32 @!p0 $0x0;
	p0 =	sne.s32 s5, $0x12  }
0x9: {  	[sflag:s6] =	ssyncpa.u1 $0x0;
	s5 =	smul.u32 $0x7D00, s5;
	s9 =	simm.s32 @!p0 $0x0  }
0xa: {  	s8 =	sadd.s32 $0x93200, s8;
	[sflag:s10] =	ssyncpa.u1 $0x0;
	s7 =	sadd.s32 s9, s7  }
0xb: {  	vm0 =	vmmov $0xffff;
	s10 =	simm.s32 $0x0;
	s11 =	smov.u32 s5;
	s9 =	sadd.s32 $0x1, s7  }
.LBB2_4:
0xc: {  	v2 =	vnsel vm1, $0x0, v2  }
0xd: {  	vm1 =	vgt.s32 v0, $0x0;
	v2 =	vmin.u32 v2, $0x1869FF  }
0xe: {  	v0 =	vnsel vm1, $0x0, v0  }
0xf: {  	v0 =	vmin.u32 v0, $0x1869FF  }
0x10: {  	[tilespmem:s18], [sflag:$0x1] =	stream.indirect_vreg.gather [hbm4b:s2+s10], $0x1, v1, vm0, $0x4038;
	[tilespmem:$0x1F400] =	vst v63  }
0x11: {  	(ifvalue) =	ssetifvalue $0x7FFFFFFF  }
0x12: {  	[tilespmem:s15], [sflag:$0x1] =	stream.indirect_vreg.gather [hbm4b:s2+s10], $0x1, v2, vm0, $0x4038;
	[tilespmem:$0x1F400] =	vst v63  }
0x13: {  	s29 =	sadd.s32 $0x10, s15;
	(ifvalue) =	ssetifvalue $0x7FFFFFFF  }
0x14: {  	[tilespmem:s29], [sflag:$0x1] =	stream.indirect_vreg.gather [hbm4b:s2+s10], $0x1, v0, vm0, $0x4038;
	[tilespmem:$0x1F400] =	vst v63  }
0x15: {  	_ =	swait.ge [sflag:s4], $0x7D00  }
0x16: {  	s30 =	sshrl.u32 s13, $0x3;
	[sflag:s4] =	ssyncset.done $0x0  }
0x17: {  	s31 =	sand.u32 $0x7, s13;
	s15 =	sadd.s32 s8, s30;
	[sflag:s4] =	ssyncadd.s32 $0xFFFF8300  }
0x18: {  	[hbm4b:s15+s31] =	stream.linear.scatter [tilespmem:s14], [sflag:$0x3], $0x7D00, $0x38;
	[tilespmem:$0x1F400] =	vst v63  }
.LBB2_5:
0x19: {  	s15 =	sadd.s32 $0xFA000, s11  }
0x1a: {  	p1 =	sgt.s32 s15, $0x1869FF  }
0x1b: {  	s15 =	smov.u32 @p1 s5;
	p1 =	sne.s32 s12, s9  }
.Ltmp1:
0x1c: {  	p0 =	slt.u32 s12, $0x2;
	(pc) =	sbr.rel @!p1 .LBB2_6-.Ltmp1, $4  }
0x1d: {  	s14 =	simm.s32 @!p0 $0x3  }
0x1e: {  	_ =	swait.ge @!p0 [sflag:s14], $0x7D00  }
0x1f: {  	s16 =	sadd.s32 $0x1, s12;
	s13 =	smov.u32 s11;
	[sflag:s14] =	ssyncset.done @!p0 $0x0  }
0x20: {  	s12 =	smov.u32 s16;
	s11 =	smov.u32 s15;
	[sflag:s14] =	ssyncadd.s32 @!p0 $0xFFFF8300  }
.LBB2_1:
0x21: {  	p0 =	sge.u32 s12, s7  }
0x22: {  	s14 =	sxor.u32 @!p0 $0x1, s12  }
0x23: {  	s14 =	smul.u32 @!p0 $0x1F400, s14  }
0x24: {  	s31 =	sadd.s32 $0xFFFFFFFF, s12;
	s15 =	sshrl.u32 @!p0 s11, $0x3  }
0x25: {  	s16 =	sand.u32 @!p0 $0x7, s11;
	s15 =	sadd.s32 @!p0 s3, s15;
	s14 =	sshra.s32 @!p0 s14, $0x2  }
0x26: {  	[tilespmem:s14], [sflag:$0x2] =	stream.linear.gather @!p0 [hbm4b:s15+s16], $0x7D00, $0x38;
	[tilespmem:$0x1F400] =	vst v63  }
0x27: {  	p0 =	sge.u32 s31, s7  }
.Ltmp2:
0x28: {  	_ = 	snop;
	(pc) =	sbr.rel @p0 .LBB2_5-.Ltmp2, $1  }
0x29: {  	_ =	sdelay $0x3  }
0x2a: {  	s14 =	sand.u32 $0x1, s12  }
0x2b: {  	_ =	swait.ge [sflag:s6], $0x7D00;
	p0 =	seq.s32 s14, $0x1;
	s14 =	simm.s32 $0x7D00  }
0x2c: {  	[sflag:s6] =	ssyncset.done $0x0;
	s14 =	simm.s32 @!p0 $0x0  }
0x2d: {  	[sflag:s6] =	ssyncadd.s32 $0xFFFF8300;
	(ifvalue) =	ssetifvalue $0x7FFFFFFF;
	v0 =	vld.msk [tilespmem:s14+$0x0 ss:$0x1], $0xffff;
	_ =	sdelay $0x4  }
0x2e: {  	s15 =	sadd.s32 $0x10, s14;
	vm1 =	vgt.s32 v0, $0x0  }
0x2f: {  	v2 =	vld.msk [tilespmem:s15+$0x0 ss:$0x1], $0xffff;
	v1 =	vnsel vm1, $0x0, v0  }
0x30: {  	v1 =	vmin.u32 v1, $0x1869FF;
	_ =	sdelay $0x2  }
0x31: {  	s17 =	simm.s32 $0x20;
	s14 =	sadd.s32 $0xFA00, s14;
	s16 =	sadd.s32 $0x10, s15  }
0x32: {  	s15 =	sadd.s32 $0x10, s14;
	s18 =	smov.u32 s14;
	v0 =	vld.msk [tilespmem:s16+$0x0 ss:$0x1], $0xffff;
	vm1 =	vgt.s32 v2, $0x0;
	(ifvalue) =	ssetifvalue $0x7FFFFFFF  }
.LBB2_3:
0x33: {  	[tilespmem:s18], [sflag:$0x1] =	stream.indirect_vreg.gather [hbm4b:s2+s10], $0x1, v1, vm0, $0x4038;
	[tilespmem:$0x1F400] =	vst v63  }
0x34: {  	s17 =	sadd.s32 $0x10, s17  }
0x35: {  	v2 =	vnsel vm1, $0x0, v2;
	p0 =	slt.u32 s17, $0x7CF0  }
.Ltmp3:
0x36: {  	s18 =	smov.u32 s15;
	v1 =	vmin.u32 v2, $0x1869FF;
	(pc) =	sbr.rel @p0 .LBB2_3-.Ltmp3, $3  }
0x37: {  	_ =	sdelay $0x1  }
0x38: {  	s16 =	sadd.s32 $0x10, s16  }
0x39: {  	vm1 =	vgt.s32 v0, $0x0;
	s15 =	sadd.s32 $0x10, s15;
	v2 =	vmov v0;
	(ifvalue) =	ssetifvalue $0x7FFFFFFF;
	v0 =	vld.msk [tilespmem:s16+$0x0 ss:$0x1], $0xffff  }
.Ltmp4:
0x3a: {  	_ = 	snop;
	(pc) =	sbr.rel .LBB2_4-.Ltmp4, $1  }
0x3b: {  	_ =	sdelay $0x3  }
.LBB2_6:
0x3c: {  	_ =	sfence.sel $0x180000  }
0x3d: {  	s2 =	simm.s32 $0x2;
	[bflag:$0x0] =	sbarrier.arrive $0xFFFF  }
0x3e: {  	s30 =	simm.s32 $0x3;
	[sflag:s2] =	ssyncpa.u1 $0x1  }
0x3f: {  	s31 =	simm.s32 $0x1;
	[sflag:s30] =	ssyncpa.u1 $0x1  }
0x40: {  	[sflag:s31] =	ssyncpa.u1 $0x1  }
0x41: {  	p0 =	sne.s32 s1, $0x0;
	_ =	strace $0x90000047  }
0x42: {  	s0 =	sadd.s32 @!p0 $0x100000, s0;
	[bflag:$0x2] =	sbarrier.arrive $0xFFFF  }
0x43: {  	[sflag:s0] =	ssyncadd.tile.s32 @!p0 $0x1;
	_ =	shalt  }
.Lfunc_end2:
_tile_overlayer_lowered:
.L_overlay_start_2:
0x44: {  	(tag) =	ssettag $0x2  }
0x45: {  	s0 =	rddreg [dreg:$0x0];
	s2 =	stileid.u32  }
0x46: {  	s1 =	rddreg [dreg:$0x1];
	p0 =	sne.s32 s2, $0x0  }
0x47: {  	s3 =	rddreg [dreg:$0x2];
	[bflag:$0x3] =	sbarrier.arrive $0xFFFF;
	s2 =	simm.s32 @!p0 $0x1C01  }
0x48: {  	[timem:s3], [sflag:s2] =	dma.local @!p0 [hbm:s0], s1  }
0x49: {  	s0 =	simm.s32 @!p0 $0x1  }
0x4a: {  	_ =	swait.ge @!p0 [sflag:s0], s1  }
0x4b: {  	s1 =	ssub.s32 @!p0 $0x0, s1;
	[sflag:s0] =	ssyncset.done @!p0 $0x0  }
0x4c: {  	[sflag:s0] =	ssyncadd.s32 @!p0 s1  }
0x4d: {  	[bflag:$0x3] =	sbarrier.arrive $0xFFFF  }
0x4e: {  	_ =	shalt  }

// kernel: gather_offload_async_start
scs
__scs_entry_jumppad:
0x0: {  	(pc) =	sbr.rel $0x88, $3  }
0x1: {  	(tag) =	ssettag $0x0;
	lr =	simm.s32 $0x1  }
0x2: {  	[smem:$0x3F97] =	sst lr;
	_ =	strace $0xD0000000  }
0x3: {  	_ = 	snop  }
0x4: {  	_ = 	snop  }
0x5: {  	_ = 	snop  }
0x6: {  	_ = 	snop  }
0x7: {  	_ = 	snop  }
__scs_overlays_trampoline_lowered:
0x8: {  	[smem:$0x3FA6] =	sst s0  }
0x9: {  	[smem:$0x3FA7] =	sst s1  }
0xa: {  	[smem:$0x3FA8] =	sst s2  }
0xb: {  	[smem:$0x3FA9] =	sst s3  }
0xc: {  	[smem:$0x3FAA] =	sst s4  }
0xd: {  	[smem:$0x3FAB] =	sst s5  }
0xe: {  	[smem:$0x3FAC] =	sst s6  }
0xf: {  	[smem:$0x3FAD] =	sst s7  }
0x10: {  	[smem:$0x3FAE] =	sst s8  }
0x11: {  	[smem:$0x3FAF] =	sst s9;
	s0 =	simm.s32 @!p0 $0x0  }
0x12: {  	s1 =	sld [smem:$0x3F95];
	s0 =	simm.s32 @p0 $0x1  }
0x13: {  	[smem:$0x3FB0] =	sst s0;
	s0 =	simm.s32 @!p1 $0x0  }
0x14: {  	s2 =	sld [smem:$0x3F94];
	s0 =	simm.s32 @p1 $0x1  }
0x15: {  	[smem:$0x3FB1] =	sst s0;
	s0 =	simm.s32 @!p2 $0x0  }
0x16: {  	s3 =	sld [smem:$0x3FDB];
	s0 =	simm.s32 @p2 $0x1  }
0x17: {  	s4 =	simm.s32 $0x1BF5;
	[smem:$0x3FB3] =	sst s0  }
0x18: {  	s0 =	sld [smem:$0x3F96];
	_ =	swait.ge [sflag:s4], $0x0  }
0x19: {  	s7 =	sld [smem:$0x3F97]  }
0x1a: {  	s8 =	sadd.s32 $0xFFFFE003, lr  }
0x1b: {  	s9 =	sadd.s32 $0xFFFFFEF7, lr;
	s5 =	simm.s32 $0xFFFFFFFF;
	p2 =	slt.u32 s8, $0xFFFFF086  }
0x1c: {  	p1 =	slt.u32 s9, $0xF7A;
	s5 =	simm.s32 @!p2 $0x0  }
0x1d: {  	s5 =	simm.s32 @p1 $0x1;
	p0 =	seq.s32 s7, s2  }
0x1e: {  	s7 =	smul.u32 @!p0 $0xF7A, s2;
	p2 =	seq.s32 @!p0 s5, $0x0  }
0x1f: {  	s9 =	smul.u32 $0xF7A, s1;
	s8 =	simm.s32 @!p0 $0x1BF5;
	p2 =	por !p2, p0  }
0x20: {  	[sflag:s8] =	ssyncset.s32 @!p0 $0xFFFFF086;
	s6 =	sadd.s32 @!p0 s3, s7;
	s7 =	simm.s32 @!p0 $0x108  }
0x21: {  	s3 =	sadd.s32 s3, s9;
	s6 =	sadd.s32 @!p0 $0x88, s6;
	s7 =	simm.s32 @p2 $0x1082  }
0x22: {  	[simem:s7], [sflag:s8] =	dma.local @!p0 [hbm:s6], $0xF7A  }
0x23: {  	s9 =	sor.u32 $0xD0000000, s2;
	s6 =	simm.s32 $0x108;
	_ =	swait.ge @!p0 [sflag:s8], $0x0  }
0x24: {  	s3 =	sadd.s32 $0x88, s3;
	s6 =	simm.s32 @!p1 $0x1082;
	[sflag:s4] =	ssyncset.s32 $0xFFFFF086  }
0x25: {  	[simem:s6], [sflag:s4] =	dma.local [hbm:s3], $0xF7A  }
0x26: {  	[smem:$0x3F97] =	sst s1;
	(tag) =	ssettag s2;
	_ =	strace s9  }
0x27: {  	s1 =	sld [smem:$0x3FA7]  }
0x28: {  	s2 =	sld [smem:$0x3FA8]  }
0x29: {  	s4 =	sld [smem:$0x3FAA]  }
0x2a: {  	p0 =	seq.s32 s5, $0x0;
	s5 =	sld [smem:$0x3FAB]  }
0x2b: {  	s6 =	sld [smem:$0x3FAC]  }
0x2c: {  	s7 =	sld [smem:$0x3FAD]  }
0x2d: {  	s3 =	simm.s32 $0x108;
	s8 =	sld [smem:$0x3FAE]  }
0x2e: {  	s3 =	simm.s32 @!p0 $0x1082;
	s9 =	sld [smem:$0x3FAF]  }
0x2f: {  	lr =	sadd.s32 s0, s3;
	s0 =	sld [smem:$0x3FA6]  }
0x30: {  	s3 =	sld [smem:$0x3FA9]  }
0x31: {  	[smem:$0x3FB2] =	sst s10  }
0x32: {  	s10 =	sld [smem:$0x3FB0];
	_ =	sdelay $0x3  }
0x33: {  	p0 =	seq.s32 s10, $0x1;
	s10 =	sld [smem:$0x3FB2];
	_ =	sdelay $0x3  }
0x34: {  	[smem:$0x3FB2] =	sst s10  }
0x35: {  	s10 =	sld [smem:$0x3FB1];
	_ =	sdelay $0x3  }
0x36: {  	p1 =	seq.s32 s10, $0x1;
	s10 =	sld [smem:$0x3FB2];
	_ =	sdelay $0x3  }
0x37: {  	[smem:$0x3FB2] =	sst s10  }
0x38: {  	s10 =	sld [smem:$0x3FB3]  }
0x39: {  	_ = 	snop;
	(pc) =	sbr.ind lr, $3  }
0x3a: {  	_ = 	snop  }
0x3b: {  	_ = 	snop  }
0x3c: {  	p2 =	seq.s32 s10, $0x1;
	s10 =	sld [smem:$0x3FB2]  }
0x3d: {  	_ =	shalt  }
0x3e: {  	_ =	shalt  }
0x3f: {  	_ =	shalt  }
0x40: {  	_ =	shalt  }
0x41: {  	_ =	shalt  }
0x42: {  	_ =	shalt  }
0x43: {  	_ =	shalt  }
0x44: {  	_ =	shalt  }
0x45: {  	_ =	shalt  }
0x46: {  	_ =	shalt  }
0x47: {  	_ =	shalt  }
0x48: {  	_ =	shalt  }
0x49: {  	_ =	shalt  }
0x4a: {  	_ =	shalt  }
0x4b: {  	_ =	shalt  }
0x4c: {  	_ =	shalt  }
0x4d: {  	_ =	shalt  }
0x4e: {  	_ =	shalt  }
0x4f: {  	_ =	shalt  }
0x50: {  	_ =	shalt  }
0x51: {  	_ =	shalt  }
0x52: {  	_ =	shalt  }
0x53: {  	_ =	shalt  }
0x54: {  	_ =	shalt  }
0x55: {  	_ =	shalt  }
0x56: {  	_ =	shalt  }
0x57: {  	_ =	shalt  }
0x58: {  	_ =	shalt  }
0x59: {  	_ =	shalt  }
0x5a: {  	_ =	shalt  }
0x5b: {  	_ =	shalt  }
0x5c: {  	_ =	shalt  }
0x5d: {  	_ =	shalt  }
0x5e: {  	_ =	shalt  }
0x5f: {  	_ =	shalt  }
0x60: {  	_ =	shalt  }
0x61: {  	_ =	shalt  }
0x62: {  	_ =	shalt  }
0x63: {  	_ =	shalt  }
0x64: {  	_ =	shalt  }
0x65: {  	_ =	shalt  }
0x66: {  	_ =	shalt  }
0x67: {  	_ =	shalt  }
0x68: {  	_ =	shalt  }
0x69: {  	_ =	shalt  }
0x6a: {  	_ =	shalt  }
0x6b: {  	_ =	shalt  }
0x6c: {  	_ =	shalt  }
0x6d: {  	_ =	shalt  }
0x6e: {  	_ =	shalt  }
0x6f: {  	_ =	shalt  }
0x70: {  	_ =	shalt  }
0x71: {  	_ =	shalt  }
0x72: {  	_ =	shalt  }
0x73: {  	_ =	shalt  }
0x74: {  	_ =	shalt  }
0x75: {  	_ =	shalt  }
0x76: {  	_ =	shalt  }
0x77: {  	_ =	shalt  }
0x78: {  	_ =	shalt  }
0x79: {  	_ =	shalt  }
0x7a: {  	_ =	shalt  }
0x7b: {  	_ =	shalt  }
0x7c: {  	_ =	shalt  }
0x7d: {  	_ =	shalt  }
0x7e: {  	_ =	shalt  }
0x7f: {  	_ =	shalt  }
0x80: {  	_ =	shalt  }
0x81: {  	_ =	shalt  }
0x82: {  	_ =	shalt  }
0x83: {  	_ =	shalt  }
0x84: {  	_ =	shalt  }
0x85: {  	_ =	shalt  }
0x86: {  	_ =	shalt  }
0x87: {  	_ =	shalt  }
.Lfunc_end0:
.L_simem_size_0:
called_computation_lowered:
.L_overlay_start_0:
0x88: {  	s2 =	sld [smem:$0x3FD9]  }
0x89: {  	s3 =	sld [smem:$0x3FFE];
	_ =	sdelay $0x1  }
0x8a: {  	s1 =	srdreg.scid  }
0x8b: {  	s0 =	sand.u32 $0x1, s1  }
0x8c: {  	s16 =	sshll.u32 s0, $0xA;
	s2 =	sadd.s32 s3, s2  }
0x8d: {  	s2 =	sadd.s32 s2, s16  }
0x8e: {  	[smem:$0x3FBE] =	sst s2  }
0x8f: {  	_ = 	snop  }
0x90: {  	(tm) =	ssettm $0x1  }
0x91: {  	s17 =	sld [smem:$0x3FFB];
	_ =	sdelay $0x3  }
0x92: {  	_ =	strace s17  }
0x93: {  	s2 =	sld [smem:$0x3FFC];
	_ =	sdelay $0x3  }
0x94: {  	_ =	strace s2  }
0x95: {  	s2 =	sld [smem:$0x3FFD];
	_ =	sdelay $0x3  }
0x96: {  	_ =	strace s2  }
0x97: {  	_ =	strace $0x8FFFFFFF  }
0x98: {  	s18 =	sld [smem:$0x3FDB];
	_ =	sdelay $0x1  }
0x99: {  	s19 =	simm.s32 $_scs_section_size  }
0x9a: {  	s4 =	simm.s32 $_size__tile_overlayer_lowered;
	s5 =	simm.s32 $_tile_overlayer_lowered  }
0x9b: {  	s22 =	simm.s32 $0x1BFF;
	s21 =	sshll.u32 s5, $0x1;
	s2 =	sadd.s32 s19, s18  }
0x9c: {  	s6 =	simm.s32 $0x0;
	s20 =	sshll.u32 s4, $0x1;
	s4 =	sadd.s32 s21, s2  }
0x9d: {  	[timem:s6], [sflag:s22] =	dma.local [hbm:s4], s20  }
0x9e: {  	_ =	swait.ge [sflag:s22], s20  }
0x9f: {  	s3 =	ssub.s32 $0x0, s20;
	[sflag:s22] =	ssyncset.done $0x0  }
0xa0: {  	[sflag:s22] =	ssyncadd.s32 s3;
	_ =	sdelay $0x1  }
0xa1: {  	s23 =	simm.s32 $0x1B8B  }
0xa2: {  	_ =	swait.ge [sflag:s23], $0x1  }
0xa3: {  	[sflag:s23] =	ssyncset.done $0x0  }
0xa4: {  	s25 =	simm.s32 $0x1B8E;
	s24 =	sld [smem:$0x3FFE];
	[sflag:s23] =	ssyncadd.s32 $0xFFFFFFFF  }
0xa5: {  	s26 =	simm.s32 $execute0_lowered;
	[smem:$0x3FD2] =	sst s25  }
0xa6: {  	s4 =	sshll.u32 s26, $0x1;
	_ =	strace $0x80000049;
	[dreg:$0x1] =	wrdreg $0xFFFFFFFF  }
0xa7: {  	s28 =	simm.s32 $_size_execute0_lowered;
	s2 =	sadd.s32 s2, s4;
	[dreg:$0x0] =	wrdreg $0x0  }
0xa8: {  	s4 =	sshll.u32 s28, $0x1;
	[dreg:$0x2] =	wrdreg s2  }
0xa9: {  	[dreg:$0x3] =	wrdreg s4  }
0xaa: {  	[dreg:$0x4] =	wrdreg $0xC0  }
0xab: {  	_ =	task [dreg:s6], $0x5FFFF  }
0xac: {  	[dreg:$0x1] =	wrdreg $0xFFFFFFFF  }
0xad: {  	[dreg:$0x0] =	wrdreg $0x60  }
0xae: {  	[dreg:$0x2] =	wrdreg s24  }
0xaf: {  	[dreg:$0x3] =	wrdreg $0x9  }
0xb0: {  	_ =	task.clear_ibuf [dreg:s6], $0x4FFFF;
	_ =	strace $0x90000049  }
0xb1: {  	s29 =	simm.s32 $0x9;
	_ =	strace $0x8000004B  }
0xb2: {  	_ =	swait.ge [sflag:s29], $0x1  }
0xb3: {  	[sflag:s29] =	ssyncadd.s32 $0xFFFFFFFF  }
0xb4: {  	_ =	strace $0x9000004B  }
0xb5: {  	_ =	sfence  }
0xb6: {  	s30 =	sld [smem:$0x0];
	_ =	sdelay $0x2  }
0xb7: {  	s31 =	sshll.u32 s1, $0xD;
	s1 =	sshrl.u32 s1, $0x2  }
0xb8: {  	s3 =	sand.u32 $0x4000, s31;
	s1 =	sadd.s32 s1, s30  }
0xb9: {  	s0 =	sor.u32 s3, s0;
	s1 =	sshll.u32 s1, $0x11  }
0xba: {  	s0 =	sor.u32 s1, s0  }
0xbb: {  	s0 =	sadd.s32 $0x8F2B, s0  }
0xbc: {  	[sflag:s0] =	ssyncadd.remote.s32 $0x1  }
0xbd: {  	_ =	sfence.sel $0xFFFF  }
0xbe: {  	[dreg:$0x0] =	wrdreg $0xFFFFFFFF;
	(pc) =	sbr.abs _section_cstart, $3  }
0xbf: {  	[dreg:$0x1] =	wrdreg $0xFFFFFFFF  }
0xc0: {  	_ =	task.clear_ibuf [dreg:s6], $0x2FFFF;
	_ =	strace $0x9FFFFFFF  }
0xc1: {  	(tm) =	ssettm $0x7FFFFFFF  }
tec
execute0_lowered:
.L_overlay_start_1:
0x0: {  	(tag) =	ssettag $0x1  }
0x1: {  	s8 =	rddreg [dreg:$0x0]  }
0x2: {  	s0 =	rddreg [dreg:$0x1];
	_ =	strace $0x8000004A;
	s1 =	stileid.u32  }
0x3: {  	s3 =	srdreg.scid;
	s4 =	simm.s32 $0x1;
	s7 =	simm.s32 $0x1  }
0x4: {  	s9 =	simm.s32 $0x1;
	s10 =	simm.s32 $0x3;
	s13 =	simm.s32 $0x0  }
0x5: {  	s12 =	simm.s32 $0x0;
	s5 =	sand.u32 $0x1, s3;
	s6 =	sshll.u32 s1, $0x1  }
0x6: {  	s2 =	sadd.s32 $0x800, s8;
	s3 =	sadd.s32 $0x62400, s8;
	s5 =	sor.u32 s6, s5  }
.Ltmp0:
0x7: {  	[sflag:s4] =	ssyncpa.u1 $0x0;
	p0 =	slt.u32 s5, $0x13;
	(pc) =	sbr.rel .LBB2_1-.Ltmp0, $4  }
0x8: {  	s6 =	simm.s32 $0x2;
	s7 =	simm.s32 @!p0 $0x0;
	p0 =	sne.s32 s5, $0x12  }
0x9: {  	[sflag:s6] =	ssyncpa.u1 $0x0;
	s5 =	smul.u32 $0x7D00, s5;
	s9 =	simm.s32 @!p0 $0x0  }
0xa: {  	s8 =	sadd.s32 $0x31600, s8;
	[sflag:s10] =	ssyncpa.u1 $0x0;
	s7 =	sadd.s32 s9, s7  }
0xb: {  	vm0 =	vmmov $0xffff;
	s10 =	simm.s32 $0x0;
	s11 =	smov.u32 s5;
	s9 =	sadd.s32 $0x1, s7  }
.LBB2_4:
0xc: {  	v2 =	vnsel vm1, $0x0, v2  }
0xd: {  	vm1 =	vgt.s32 v0, $0x0;
	v2 =	vmin.u32 v2, $0x1869FF  }
0xe: {  	v0 =	vnsel vm1, $0x0, v0  }
0xf: {  	v0 =	vmin.u32 v0, $0x1869FF  }
0x10: {  	[tilespmem:s18], [sflag:$0x1] =	stream.indirect_vreg.gather [hbm4b:s2+s10], $0x1, v1, vm0, $0x4038;
	[tilespmem:$0x1F400] =	vst v63  }
0x11: {  	(ifvalue) =	ssetifvalue $0x7FFFFFFF  }
0x12: {  	[tilespmem:s15], [sflag:$0x1] =	stream.indirect_vreg.gather [hbm4b:s2+s10], $0x1, v2, vm0, $0x4038;
	[tilespmem:$0x1F400] =	vst v63  }
0x13: {  	s29 =	sadd.s32 $0x10, s15;
	(ifvalue) =	ssetifvalue $0x7FFFFFFF  }
0x14: {  	[tilespmem:s29], [sflag:$0x1] =	stream.indirect_vreg.gather [hbm4b:s2+s10], $0x1, v0, vm0, $0x4038;
	[tilespmem:$0x1F400] =	vst v63  }
0x15: {  	_ =	swait.ge [sflag:s4], $0x7D00  }
0x16: {  	s30 =	sshrl.u32 s13, $0x3;
	[sflag:s4] =	ssyncset.done $0x0  }
0x17: {  	s31 =	sand.u32 $0x7, s13;
	s15 =	sadd.s32 s8, s30;
	[sflag:s4] =	ssyncadd.s32 $0xFFFF8300  }
0x18: {  	[hbm4b:s15+s31] =	stream.linear.scatter [tilespmem:s14], [sflag:$0x3], $0x7D00, $0x38;
	[tilespmem:$0x1F400] =	vst v63  }
.LBB2_5:
0x19: {  	s15 =	sadd.s32 $0xFA000, s11  }
0x1a: {  	p1 =	sgt.s32 s15, $0x1869FF  }
0x1b: {  	s15 =	smov.u32 @p1 s5;
	p1 =	sne.s32 s12, s9  }
.Ltmp1:
0x1c: {  	p0 =	slt.u32 s12, $0x2;
	(pc) =	sbr.rel @!p1 .LBB2_6-.Ltmp1, $4  }
0x1d: {  	s14 =	simm.s32 @!p0 $0x3  }
0x1e: {  	_ =	swait.ge @!p0 [sflag:s14], $0x7D00  }
0x1f: {  	s16 =	sadd.s32 $0x1, s12;
	s13 =	smov.u32 s11;
	[sflag:s14] =	ssyncset.done @!p0 $0x0  }
0x20: {  	s12 =	smov.u32 s16;
	s11 =	smov.u32 s15;
	[sflag:s14] =	ssyncadd.s32 @!p0 $0xFFFF8300  }
.LBB2_1:
0x21: {  	p0 =	sge.u32 s12, s7  }
0x22: {  	s14 =	sxor.u32 @!p0 $0x1, s12  }
0x23: {  	s14 =	smul.u32 @!p0 $0x1F400, s14  }
0x24: {  	s31 =	sadd.s32 $0xFFFFFFFF, s12;
	s15 =	sshrl.u32 @!p0 s11, $0x3  }
0x25: {  	s16 =	sand.u32 @!p0 $0x7, s11;
	s15 =	sadd.s32 @!p0 s3, s15;
	s14 =	sshra.s32 @!p0 s14, $0x2  }
0x26: {  	[tilespmem:s14], [sflag:$0x2] =	stream.linear.gather @!p0 [hbm4b:s15+s16], $0x7D00, $0x38;
	[tilespmem:$0x1F400] =	vst v63  }
0x27: {  	p0 =	sge.u32 s31, s7  }
.Ltmp2:
0x28: {  	_ = 	snop;
	(pc) =	sbr.rel @p0 .LBB2_5-.Ltmp2, $1  }
0x29: {  	_ =	sdelay $0x3  }
0x2a: {  	s14 =	sand.u32 $0x1, s12  }
0x2b: {  	_ =	swait.ge [sflag:s6], $0x7D00;
	p0 =	seq.s32 s14, $0x1;
	s14 =	simm.s32 $0x7D00  }
0x2c: {  	[sflag:s6] =	ssyncset.done $0x0;
	s14 =	simm.s32 @!p0 $0x0  }
0x2d: {  	[sflag:s6] =	ssyncadd.s32 $0xFFFF8300;
	(ifvalue) =	ssetifvalue $0x7FFFFFFF;
	v0 =	vld.msk [tilespmem:s14+$0x0 ss:$0x1], $0xffff;
	_ =	sdelay $0x4  }
0x2e: {  	s15 =	sadd.s32 $0x10, s14;
	vm1 =	vgt.s32 v0, $0x0  }
0x2f: {  	v2 =	vld.msk [tilespmem:s15+$0x0 ss:$0x1], $0xffff;
	v1 =	vnsel vm1, $0x0, v0  }
0x30: {  	v1 =	vmin.u32 v1, $0x1869FF;
	_ =	sdelay $0x2  }
0x31: {  	s17 =	simm.s32 $0x20;
	s14 =	sadd.s32 $0xFA00, s14;
	s16 =	sadd.s32 $0x10, s15  }
0x32: {  	s15 =	sadd.s32 $0x10, s14;
	s18 =	smov.u32 s14;
	v0 =	vld.msk [tilespmem:s16+$0x0 ss:$0x1], $0xffff;
	vm1 =	vgt.s32 v2, $0x0;
	(ifvalue) =	ssetifvalue $0x7FFFFFFF  }
.LBB2_3:
0x33: {  	[tilespmem:s18], [sflag:$0x1] =	stream.indirect_vreg.gather [hbm4b:s2+s10], $0x1, v1, vm0, $0x4038;
	[tilespmem:$0x1F400] =	vst v63  }
0x34: {  	s17 =	sadd.s32 $0x10, s17  }
0x35: {  	v2 =	vnsel vm1, $0x0, v2;
	p0 =	slt.u32 s17, $0x7CF0  }
.Ltmp3:
0x36: {  	s18 =	smov.u32 s15;
	v1 =	vmin.u32 v2, $0x1869FF;
	(pc) =	sbr.rel @p0 .LBB2_3-.Ltmp3, $3  }
0x37: {  	_ =	sdelay $0x1  }
0x38: {  	s16 =	sadd.s32 $0x10, s16  }
0x39: {  	vm1 =	vgt.s32 v0, $0x0;
	s15 =	sadd.s32 $0x10, s15;
	v2 =	vmov v0;
	(ifvalue) =	ssetifvalue $0x7FFFFFFF;
	v0 =	vld.msk [tilespmem:s16+$0x0 ss:$0x1], $0xffff  }
.Ltmp4:
0x3a: {  	_ = 	snop;
	(pc) =	sbr.rel .LBB2_4-.Ltmp4, $1  }
0x3b: {  	_ =	sdelay $0x3  }
.LBB2_6:
0x3c: {  	_ =	sfence.sel $0x180000  }
0x3d: {  	s2 =	simm.s32 $0x2;
	[bflag:$0x0] =	sbarrier.arrive $0xFFFF  }
0x3e: {  	s30 =	simm.s32 $0x3;
	[sflag:s2] =	ssyncpa.u1 $0x1  }
0x3f: {  	s31 =	simm.s32 $0x1;
	[sflag:s30] =	ssyncpa.u1 $0x1  }
0x40: {  	[sflag:s31] =	ssyncpa.u1 $0x1  }
0x41: {  	p0 =	sne.s32 s1, $0x0;
	_ =	strace $0x9000004A  }
0x42: {  	s0 =	sadd.s32 @!p0 $0x100000, s0;
	[bflag:$0x2] =	sbarrier.arrive $0xFFFF  }
0x43: {  	[sflag:s0] =	ssyncadd.tile.s32 @!p0 $0x1;
	_ =	shalt  }
.Lfunc_end2:
_tile_overlayer_lowered:
.L_overlay_start_2:
0x44: {  	(tag) =	ssettag $0x2  }
0x45: {  	s0 =	rddreg [dreg:$0x0];
	s2 =	stileid.u32  }
0x46: {  	s1 =	rddreg [dreg:$0x1];
	p0 =	sne.s32 s2, $0x0  }
0x47: {  	s3 =	rddreg [dreg:$0x2];
	[bflag:$0x3] =	sbarrier.arrive $0xFFFF;
	s2 =	simm.s32 @!p0 $0x1C01  }
0x48: {  	[timem:s3], [sflag:s2] =	dma.local @!p0 [hbm:s0], s1  }
0x49: {  	s0 =	simm.s32 @!p0 $0x1  }
0x4a: {  	_ =	swait.ge @!p0 [sflag:s0], s1  }
0x4b: {  	s1 =	ssub.s32 @!p0 $0x0, s1;
	[sflag:s0] =	ssyncset.done @!p0 $0x0  }
0x4c: {  	[sflag:s0] =	ssyncadd.s32 @!p0 s1  }
0x4d: {  	[bflag:$0x3] =	sbarrier.arrive $0xFFFF  }
0x4e: {  	_ =	shalt  }

// kernel: kernel.10.cloned.1.call-start
scs
__scs_entry_jumppad:
0x0: {  	(pc) =	sbr.rel $0x88, $3  }
0x1: {  	(tag) =	ssettag $0x0;
	lr =	simm.s32 $0x1  }
0x2: {  	[smem:$0x3F97] =	sst lr;
	_ =	strace $0xD0000000  }
0x3: {  	_ = 	snop  }
0x4: {  	_ = 	snop  }
0x5: {  	_ = 	snop  }
0x6: {  	_ = 	snop  }
0x7: {  	_ = 	snop  }
__scs_overlays_trampoline_lowered:
0x8: {  	[smem:$0x3FA6] =	sst s0  }
0x9: {  	[smem:$0x3FA7] =	sst s1  }
0xa: {  	[smem:$0x3FA8] =	sst s2  }
0xb: {  	[smem:$0x3FA9] =	sst s3  }
0xc: {  	[smem:$0x3FAA] =	sst s4  }
0xd: {  	[smem:$0x3FAB] =	sst s5  }
0xe: {  	[smem:$0x3FAC] =	sst s6  }
0xf: {  	[smem:$0x3FAD] =	sst s7  }
0x10: {  	[smem:$0x3FAE] =	sst s8  }
0x11: {  	[smem:$0x3FAF] =	sst s9;
	s0 =	simm.s32 @!p0 $0x0  }
0x12: {  	s1 =	sld [smem:$0x3F95];
	s0 =	simm.s32 @p0 $0x1  }
0x13: {  	[smem:$0x3FB0] =	sst s0;
	s0 =	simm.s32 @!p1 $0x0  }
0x14: {  	s2 =	sld [smem:$0x3F94];
	s0 =	simm.s32 @p1 $0x1  }
0x15: {  	[smem:$0x3FB1] =	sst s0;
	s0 =	simm.s32 @!p2 $0x0  }
0x16: {  	s3 =	sld [smem:$0x3FDB];
	s0 =	simm.s32 @p2 $0x1  }
0x17: {  	s4 =	simm.s32 $0x1BF5;
	[smem:$0x3FB3] =	sst s0  }
0x18: {  	s0 =	sld [smem:$0x3F96];
	_ =	swait.ge [sflag:s4], $0x0  }
0x19: {  	s7 =	sld [smem:$0x3F97]  }
0x1a: {  	s8 =	sadd.s32 $0xFFFFE003, lr  }
0x1b: {  	s9 =	sadd.s32 $0xFFFFFEF7, lr;
	s5 =	simm.s32 $0xFFFFFFFF;
	p2 =	slt.u32 s8, $0xFFFFF086  }
0x1c: {  	p1 =	slt.u32 s9, $0xF7A;
	s5 =	simm.s32 @!p2 $0x0  }
0x1d: {  	s5 =	simm.s32 @p1 $0x1;
	p0 =	seq.s32 s7, s2  }
0x1e: {  	s7 =	smul.u32 @!p0 $0xF7A, s2;
	p2 =	seq.s32 @!p0 s5, $0x0  }
0x1f: {  	s9 =	smul.u32 $0xF7A, s1;
	s8 =	simm.s32 @!p0 $0x1BF5;
	p2 =	por !p2, p0  }
0x20: {  	[sflag:s8] =	ssyncset.s32 @!p0 $0xFFFFF086;
	s6 =	sadd.s32 @!p0 s3, s7;
	s7 =	simm.s32 @!p0 $0x108  }
0x21: {  	s3 =	sadd.s32 s3, s9;
	s6 =	sadd.s32 @!p0 $0x88, s6;
	s7 =	simm.s32 @p2 $0x1082  }
0x22: {  	[simem:s7], [sflag:s8] =	dma.local @!p0 [hbm:s6], $0xF7A  }
0x23: {  	s9 =	sor.u32 $0xD0000000, s2;
	s6 =	simm.s32 $0x108;
	_ =	swait.ge @!p0 [sflag:s8], $0x0  }
0x24: {  	s3 =	sadd.s32 $0x88, s3;
	s6 =	simm.s32 @!p1 $0x1082;
	[sflag:s4] =	ssyncset.s32 $0xFFFFF086  }
0x25: {  	[simem:s6], [sflag:s4] =	dma.local [hbm:s3], $0xF7A  }
0x26: {  	[smem:$0x3F97] =	sst s1;
	(tag) =	ssettag s2;
	_ =	strace s9  }
0x27: {  	s1 =	sld [smem:$0x3FA7]  }
0x28: {  	s2 =	sld [smem:$0x3FA8]  }
0x29: {  	s4 =	sld [smem:$0x3FAA]  }
0x2a: {  	p0 =	seq.s32 s5, $0x0;
	s5 =	sld [smem:$0x3FAB]  }
0x2b: {  	s6 =	sld [smem:$0x3FAC]  }
0x2c: {  	s7 =	sld [smem:$0x3FAD]  }
0x2d: {  	s3 =	simm.s32 $0x108;
	s8 =	sld [smem:$0x3FAE]  }
0x2e: {  	s3 =	simm.s32 @!p0 $0x1082;
	s9 =	sld [smem:$0x3FAF]  }
0x2f: {  	lr =	sadd.s32 s0, s3;
	s0 =	sld [smem:$0x3FA6]  }
0x30: {  	s3 =	sld [smem:$0x3FA9]  }
0x31: {  	[smem:$0x3FB2] =	sst s10  }
0x32: {  	s10 =	sld [smem:$0x3FB0];
	_ =	sdelay $0x3  }
0x33: {  	p0 =	seq.s32 s10, $0x1;
	s10 =	sld [smem:$0x3FB2];
	_ =	sdelay $0x3  }
0x34: {  	[smem:$0x3FB2] =	sst s10  }
0x35: {  	s10 =	sld [smem:$0x3FB1];
	_ =	sdelay $0x3  }
0x36: {  	p1 =	seq.s32 s10, $0x1;
	s10 =	sld [smem:$0x3FB2];
	_ =	sdelay $0x3  }
0x37: {  	[smem:$0x3FB2] =	sst s10  }
0x38: {  	s10 =	sld [smem:$0x3FB3]  }
0x39: {  	_ = 	snop;
	(pc) =	sbr.ind lr, $3  }
0x3a: {  	_ = 	snop  }
0x3b: {  	_ = 	snop  }
0x3c: {  	p2 =	seq.s32 s10, $0x1;
	s10 =	sld [smem:$0x3FB2]  }
0x3d: {  	_ =	shalt  }
0x3e: {  	_ =	shalt  }
0x3f: {  	_ =	shalt  }
0x40: {  	_ =	shalt  }
0x41: {  	_ =	shalt  }
0x42: {  	_ =	shalt  }
0x43: {  	_ =	shalt  }
0x44: {  	_ =	shalt  }
0x45: {  	_ =	shalt  }
0x46: {  	_ =	shalt  }
0x47: {  	_ =	shalt  }
0x48: {  	_ =	shalt  }
0x49: {  	_ =	shalt  }
0x4a: {  	_ =	shalt  }
0x4b: {  	_ =	shalt  }
0x4c: {  	_ =	shalt  }
0x4d: {  	_ =	shalt  }
0x4e: {  	_ =	shalt  }
0x4f: {  	_ =	shalt  }
0x50: {  	_ =	shalt  }
0x51: {  	_ =	shalt  }
0x52: {  	_ =	shalt  }
0x53: {  	_ =	shalt  }
0x54: {  	_ =	shalt  }
0x55: {  	_ =	shalt  }
0x56: {  	_ =	shalt  }
0x57: {  	_ =	shalt  }
0x58: {  	_ =	shalt  }
0x59: {  	_ =	shalt  }
0x5a: {  	_ =	shalt  }
0x5b: {  	_ =	shalt  }
0x5c: {  	_ =	shalt  }
0x5d: {  	_ =	shalt  }
0x5e: {  	_ =	shalt  }
0x5f: {  	_ =	shalt  }
0x60: {  	_ =	shalt  }
0x61: {  	_ =	shalt  }
0x62: {  	_ =	shalt  }
0x63: {  	_ =	shalt  }
0x64: {  	_ =	shalt  }
0x65: {  	_ =	shalt  }
0x66: {  	_ =	shalt  }
0x67: {  	_ =	shalt  }
0x68: {  	_ =	shalt  }
0x69: {  	_ =	shalt  }
0x6a: {  	_ =	shalt  }
0x6b: {  	_ =	shalt  }
0x6c: {  	_ =	shalt  }
0x6d: {  	_ =	shalt  }
0x6e: {  	_ =	shalt  }
0x6f: {  	_ =	shalt  }
0x70: {  	_ =	shalt  }
0x71: {  	_ =	shalt  }
0x72: {  	_ =	shalt  }
0x73: {  	_ =	shalt  }
0x74: {  	_ =	shalt  }
0x75: {  	_ =	shalt  }
0x76: {  	_ =	shalt  }
0x77: {  	_ =	shalt  }
0x78: {  	_ =	shalt  }
0x79: {  	_ =	shalt  }
0x7a: {  	_ =	shalt  }
0x7b: {  	_ =	shalt  }
0x7c: {  	_ =	shalt  }
0x7d: {  	_ =	shalt  }
0x7e: {  	_ =	shalt  }
0x7f: {  	_ =	shalt  }
0x80: {  	_ =	shalt  }
0x81: {  	_ =	shalt  }
0x82: {  	_ =	shalt  }
0x83: {  	_ =	shalt  }
0x84: {  	_ =	shalt  }
0x85: {  	_ =	shalt  }
0x86: {  	_ =	shalt  }
0x87: {  	_ =	shalt  }
.Lfunc_end0:
.L_simem_size_0:
called_computation.2_lowered:
.L_overlay_start_0:
0x88: {  	s2 =	sld [smem:$0x3FD9]  }
0x89: {  	s3 =	sld [smem:$0x3FFE];
	_ =	sdelay $0x1  }
0x8a: {  	s1 =	srdreg.scid  }
0x8b: {  	s0 =	sand.u32 $0x1, s1  }
0x8c: {  	s17 =	sshll.u32 s0, $0xA;
	s2 =	sadd.s32 s3, s2  }
0x8d: {  	s2 =	sadd.s32 s2, s17  }
0x8e: {  	[smem:$0x3FBE] =	sst s2  }
0x8f: {  	_ = 	snop  }
0x90: {  	s18 =	sld [smem:$0x3FD0];
	(tm) =	ssettm $0x1  }
0x91: {  	s19 =	sld [smem:$0x3FFB];
	_ =	sdelay $0x3  }
0x92: {  	_ =	strace s19  }
0x93: {  	s2 =	sld [smem:$0x3FFC];
	_ =	sdelay $0x3  }
0x94: {  	_ =	strace s2  }
0x95: {  	s2 =	sld [smem:$0x3FFD];
	_ =	sdelay $0x3  }
0x96: {  	_ =	strace s2  }
0x97: {  	_ =	strace $0x8FFFFFFF  }
0x98: {  	s20 =	sld [smem:$0x3FDB];
	_ =	sdelay $0x1  }
0x99: {  	s4 =	simm.s32 $_scs_section_size  }
0x9a: {  	s5 =	simm.s32 $_size__tile_overlayer_lowered;
	s6 =	simm.s32 $_tile_overlayer_lowered  }
0x9b: {  	s7 =	simm.s32 $0x1BFF;
	s21 =	sshll.u32 s6, $0x1;
	s4 =	sadd.s32 s4, s20  }
0x9c: {  	s22 =	simm.s32 $0x0;
	s5 =	sshll.u32 s5, $0x1;
	s6 =	sadd.s32 s21, s4  }
0x9d: {  	[timem:s22], [sflag:s7] =	dma.local [hbm:s6], s5  }
0x9e: {  	_ =	swait.ge [sflag:s7], s5  }
0x9f: {  	s5 =	ssub.s32 $0x0, s5;
	[sflag:s7] =	ssyncset.done $0x0  }
0xa0: {  	[sflag:s7] =	ssyncadd.s32 s5;
	_ =	sdelay $0x1  }
0xa1: {  	s23 =	simm.s32 $0x1B8B  }
0xa2: {  	_ =	swait.ge [sflag:s23], $0x1  }
0xa3: {  	[sflag:s23] =	ssyncset.done $0x0  }
0xa4: {  	[sflag:s23] =	ssyncadd.s32 $0xFFFFFFFF  }
0xa5: {  	s5 =	sld [smem:$0x0]  }
0xa6: {  	s6 =	sand.u32 $0xFFFFFFFE, s1  }
0xa7: {  	p0 =	sne.s32 s1, s6  }
0xa8: {  	s6 =	sshll.u32 @p0 s6, $0xE  }
0xa9: {  	s6 =	sadd.s32 @p0 $0x11B8D, s6;
	s7 =	sshll.u32 @p0 s5, $0x11  }
0xaa: {  	s6 =	sor.u32 @p0 s7, s6  }
0xab: {  	[sflag:s6] =	ssyncadd.remote.s32 @p0 $0x1;
	_ =	sdelay $0x1  }
0xac: {  	s6 =	simm.s32 @p0 $0x1B8D  }
0xad: {  	_ =	swait.eq @p0 [sflag:s6], $0x1  }
0xae: {  	[sflag:s6] =	ssyncadd.s32 @p0 $0xFFFFFFFF  }
0xaf: {  	s7 =	sshll.u32 @!p0 s1, $0xE  }
0xb0: {  	s7 =	sor.u32 @!p0 $0x4000, s7;
	s6 =	simm.s32 @!p0 $0x1B8D  }
0xb1: {  	s5 =	sshll.u32 @!p0 s5, $0x11;
	s7 =	sadd.s32 @!p0 $0x11B8D, s7;
	_ =	swait.eq @!p0 [sflag:s6], $0x1  }
0xb2: {  	s5 =	sor.u32 @!p0 s5, s7;
	[sflag:s6] =	ssyncadd.s32 @!p0 $0xFFFFFFFF  }
0xb3: {  	s25 =	simm.s32 $0x1B8E;
	s24 =	sld [smem:$0x3FFE];
	[sflag:s5] =	ssyncadd.remote.s32 @!p0 $0x1  }
0xb4: {  	s26 =	simm.s32 $execute0_lowered;
	[smem:$0x3FD2] =	sst s25  }
0xb5: {  	s6 =	sshll.u32 s26, $0x1;
	_ =	strace $0x8000004C;
	[dreg:$0x1] =	wrdreg $0xFFFFFFFF  }
0xb6: {  	s28 =	simm.s32 $_size_execute0_lowered;
	s4 =	sadd.s32 s4, s6;
	[dreg:$0x0] =	wrdreg $0x0  }
0xb7: {  	s6 =	sshll.u32 s28, $0x1;
	[dreg:$0x2] =	wrdreg s4  }
0xb8: {  	[dreg:$0x3] =	wrdreg s6  }
0xb9: {  	[dreg:$0x4] =	wrdreg $0xC0  }
0xba: {  	_ =	task [dreg:s22], $0x5FFFF  }
0xbb: {  	[dreg:$0x1] =	wrdreg $0xFFFFFFFF  }
0xbc: {  	[dreg:$0x0] =	wrdreg $0x60  }
0xbd: {  	[dreg:$0x2] =	wrdreg s24  }
0xbe: {  	[dreg:$0x3] =	wrdreg s18  }
0xbf: {  	[dreg:$0x4] =	wrdreg $0xA  }
0xc0: {  	_ =	task.clear_ibuf [dreg:s22], $0x5FFFF;
	_ =	strace $0x9000004C  }
0xc1: {  	s29 =	simm.s32 $0xA;
	_ =	strace $0x8000004E  }
0xc2: {  	_ =	swait.ge [sflag:s29], $0x1  }
0xc3: {  	[sflag:s29] =	ssyncadd.s32 $0xFFFFFFFF  }
0xc4: {  	_ =	strace $0x9000004E  }
0xc5: {  	_ =	sfence  }
0xc6: {  	s30 =	sld [smem:$0x0];
	_ =	sdelay $0x2  }
0xc7: {  	s31 =	sshll.u32 s1, $0xD;
	s1 =	sshrl.u32 s1, $0x2  }
0xc8: {  	s4 =	sand.u32 $0x4000, s31;
	s1 =	sadd.s32 s1, s30  }
0xc9: {  	s0 =	sor.u32 s4, s0;
	s1 =	sshll.u32 s1, $0x11  }
0xca: {  	s0 =	sor.u32 s1, s0  }
0xcb: {  	s0 =	sadd.s32 $0x8F2B, s0  }
0xcc: {  	[sflag:s0] =	ssyncadd.remote.s32 $0x1  }
0xcd: {  	_ =	sfence.sel $0xFFFF  }
0xce: {  	[dreg:$0x0] =	wrdreg $0xFFFFFFFF;
	(pc) =	sbr.abs _section_cstart, $3  }
0xcf: {  	[dreg:$0x1] =	wrdreg $0xFFFFFFFF  }
0xd0: {  	_ =	task.clear_ibuf [dreg:s22], $0x2FFFF;
	_ =	strace $0x9FFFFFFF  }
0xd1: {  	(tm) =	ssettm $0x7FFFFFFF  }
tec
execute0_lowered:
.L_overlay_start_1:
0x0: {  	(tag) =	ssettag $0x1  }
0x1: {  	s1 =	srdreg.scid  }
0x2: {  	s1 =	sand.u32 $0x1, s1  }
0x3: {  	p0 =	seq.s32 s1, $0x1  }
.Ltmp0:
0x4: {  	_ = 	snop;
	(pc) =	sbr.rel @p0 .LBB2_7-.Ltmp0, $4  }
0x5: {  	s7 =	rddreg [dreg:$0x0]  }
0x6: {  	s3 =	rddreg [dreg:$0x1];
	s2 =	simm.s32 $0x0  }
0x7: {  	[smem:$0x7FF] =	sst s2  }
0x8: {  	s0 =	rddreg [dreg:$0x2];
	_ =	strace $0x8000004D;
	s1 =	stileid.u32  }
0x9: {  	[tilespmem:s2], [sflag:$0x1] =	stream.linear.gather [hbm4b:s3+s2], $0x19080, $0x38;
	[tilespmem:$0x19A80] =	vst v63  }
0xa: {  	s3 =	simm.s32 $0x1  }
0xb: {  	_ =	swait.ge [sflag:s3], $0x19080  }
0xc: {  	[sflag:s3] =	ssyncset.done $0x0  }
0xd: {  	s4 =	simm.s32 $0x19880;
	[sflag:s3] =	ssyncadd.s32 $0xFFFE6F80  }
0xe: {  	[tilespmem:s4], [sflag:$0x1] =	stream.linear.gather [hbm4b:s7+s2], $0x200, $0x38;
	[tilespmem:$0x19A80] =	vst v63  }
0xf: {  	_ =	swait.ge [sflag:s3], $0x200  }
0x10: {  	[sflag:s3] =	ssyncset.done $0x0  }
0x11: {  	s31 =	sshll.u32 s1, $0x4;
	[sflag:s3] =	ssyncadd.s32 $0xFFFFFE00  }
0x12: {  	v0 =	vld [tilespmem:s31+$0x19880]  }
0x13: {  	v1 =	vld [tilespmem:s31+$0x19980];
	_ =	sdelay $0x3  }
0x14: {  	(v2sf) =	vpush v0, $0x0  }
0x15: {  	(v2sf) =	vpush v1, $0x0;
	_ =	sdelay $0xd  }
0x16: {  	s4 =	spop (v2sf)  }
0x17: {  	s5 =	spop (v2sf)  }
0x18: {  	p0 =	slt.s32 s5, $0x1  }
.Ltmp1:
0x19: {  	_ = 	snop;
	(pc) =	sbr.rel @p0 .LBB2_6-.Ltmp1, $3  }
0x1a: {  	s6 =	smul.u32 $0x3200, s1;
	_ =	sdelay $0x1  }
0x1b: {  	s6 =	sadd.s32 s6, s7  }
0x1c: {  	s6 =	sadd.s32 $0xC4000, s6  }
0x1d: {  	s7 =	sadd.s32 $0x1936000, s7;
	s8 =	simm.s32 $0x19080;
	v0 =	vimm.f32 $1.000000000e+00;
	s9 =	simm.s32 $0x0  }
.LBB2_3:
0x1e: {  	s10 =	sadd.s32 s4, s2  }
0x1f: {  	s10 =	sshll.u32 s10, $0x8  }
0x20: {  	s10 =	sand.u32 $0x1FFFFF00, s10  }
0x21: {  	s10 =	sadd.s32 s7, s10  }
0x22: {  	[tilespmem:s8], [sflag:$0x1] =	stream.linear.gather [hbm4b:s10+s9], $0x800, $0x38;
	[tilespmem:$0x19A80] =	vst v63  }
0x23: {  	_ =	swait.ge [sflag:s3], $0x800  }
0x24: {  	[sflag:s3] =	ssyncset.done $0x0  }
0x25: {  	s11 =	simm.s32 $0x0;
	s10 =	simm.s32 $0x40;
	[sflag:s3] =	ssyncadd.s32 $0xFFFFF800  }
.LBB2_4:
0x26: {  	p0 =	sne.s32 s10, $0x1FC0;
	v1 =	vld [tilespmem:s11+$0x19080];
	_ =	sdelay $0x3  }
.Ltmp2:
0x27: {  	(pc) =	sbr.rel @p0 .LBB2_4-.Ltmp2, $2  }
0x28: {  	_ =	sdelay $0x2  }
0x29: {  	s11 =	sshra.s32 s10, $0x2;
	s10 =	sadd.s32 $0x40, s10;
	[tilespmem:v1+s9+$0x0] =	vst.idx.add.f32.msk $0xffff, v0  }
0x2a: {  	v1 =	vld [tilespmem:s11+$0x19080];
	_ =	sdelay $0x1  }
0x2b: {  	s2 =	sadd.s32 $0x1, s2  }
0x2c: {  	p0 =	sne.s32 s2, s5  }
.Ltmp3:
0x2d: {  	_ = 	snop;
	(pc) =	sbr.rel @p0 .LBB2_3-.Ltmp3, $2  }
0x2e: {  	_ =	sdelay $0x2  }
0x2f: {  	[tilespmem:v1+s9+$0x0] =	vst.idx.add.f32.msk $0xffff, v0  }
.LBB2_6:
0x30: {  	s2 =	simm.s32 $0x0  }
0x31: {  	[hbm4b:s6+s2] =	stream.linear.scatter [tilespmem:s2], [sflag:$0x1], $0x19000, $0x38;
	[tilespmem:$0x19A80] =	vst v63  }
0x32: {  	_ =	swait.ge [sflag:s3], $0x19000  }
0x33: {  	[sflag:s3] =	ssyncset.done $0x0  }
0x34: {  	[sflag:s3] =	ssyncadd.s32 $0xFFFE7000  }
.LBB2_7:
0x35: {  	_ =	sfence.sel $0x180000  }
0x36: {  	[bflag:$0x0] =	sbarrier.arrive $0xFFFF  }
0x37: {  	p0 =	sne.s32 s1, $0x0;
	_ =	strace $0x9000004D  }
0x38: {  	s0 =	sadd.s32 @!p0 $0x100000, s0;
	[bflag:$0x2] =	sbarrier.arrive $0xFFFF  }
0x39: {  	[sflag:s0] =	ssyncadd.tile.s32 @!p0 $0x1;
	_ =	shalt  }
.Lfunc_end2:
_tile_overlayer_lowered:
.L_overlay_start_2:
0x3a: {  	(tag) =	ssettag $0x2  }
0x3b: {  	s0 =	rddreg [dreg:$0x0];
	s2 =	stileid.u32  }
0x3c: {  	s1 =	rddreg [dreg:$0x1];
	p0 =	sne.s32 s2, $0x0  }
0x3d: {  	s3 =	rddreg [dreg:$0x2];
	[bflag:$0x3] =	sbarrier.arrive $0xFFFF;
	s2 =	simm.s32 @!p0 $0x1C01  }
0x3e: {  	[timem:s3], [sflag:s2] =	dma.local @!p0 [hbm:s0], s1  }
0x3f: {  	s0 =	simm.s32 @!p0 $0x1  }
0x40: {  	_ =	swait.ge @!p0 [sflag:s0], s1  }
0x41: {  	s1 =	ssub.s32 @!p0 $0x0, s1;
	[sflag:s0] =	ssyncset.done @!p0 $0x0  }
0x42: {  	[sflag:s0] =	ssyncadd.s32 @!p0 s1  }
0x43: {  	[bflag:$0x3] =	sbarrier.arrive $0xFFFF  }
0x44: {  	_ =	shalt  }

// kernel: kernel.13.cloned.1.call-start
scs
__scs_entry_jumppad:
0x0: {  	(pc) =	sbr.rel $0x88, $3  }
0x1: {  	(tag) =	ssettag $0x0;
	lr =	simm.s32 $0x1  }
0x2: {  	[smem:$0x3F97] =	sst lr;
	_ =	strace $0xD0000000  }
0x3: {  	_ = 	snop  }
0x4: {  	_ = 	snop  }
0x5: {  	_ = 	snop  }
0x6: {  	_ = 	snop  }
0x7: {  	_ = 	snop  }
__scs_overlays_trampoline_lowered:
0x8: {  	[smem:$0x3FA6] =	sst s0  }
0x9: {  	[smem:$0x3FA7] =	sst s1  }
0xa: {  	[smem:$0x3FA8] =	sst s2  }
0xb: {  	[smem:$0x3FA9] =	sst s3  }
0xc: {  	[smem:$0x3FAA] =	sst s4  }
0xd: {  	[smem:$0x3FAB] =	sst s5  }
0xe: {  	[smem:$0x3FAC] =	sst s6  }
0xf: {  	[smem:$0x3FAD] =	sst s7  }
0x10: {  	[smem:$0x3FAE] =	sst s8  }
0x11: {  	[smem:$0x3FAF] =	sst s9;
	s0 =	simm.s32 @!p0 $0x0  }
0x12: {  	s1 =	sld [smem:$0x3F95];
	s0 =	simm.s32 @p0 $0x1  }
0x13: {  	[smem:$0x3FB0] =	sst s0;
	s0 =	simm.s32 @!p1 $0x0  }
0x14: {  	s2 =	sld [smem:$0x3F94];
	s0 =	simm.s32 @p1 $0x1  }
0x15: {  	[smem:$0x3FB1] =	sst s0;
	s0 =	simm.s32 @!p2 $0x0  }
0x16: {  	s3 =	sld [smem:$0x3FDB];
	s0 =	simm.s32 @p2 $0x1  }
0x17: {  	s4 =	simm.s32 $0x1BF5;
	[smem:$0x3FB3] =	sst s0  }
0x18: {  	s0 =	sld [smem:$0x3F96];
	_ =	swait.ge [sflag:s4], $0x0  }
0x19: {  	s7 =	sld [smem:$0x3F97]  }
0x1a: {  	s8 =	sadd.s32 $0xFFFFE003, lr  }
0x1b: {  	s9 =	sadd.s32 $0xFFFFFEF7, lr;
	s5 =	simm.s32 $0xFFFFFFFF;
	p2 =	slt.u32 s8, $0xFFFFF086  }
0x1c: {  	p1 =	slt.u32 s9, $0xF7A;
	s5 =	simm.s32 @!p2 $0x0  }
0x1d: {  	s5 =	simm.s32 @p1 $0x1;
	p0 =	seq.s32 s7, s2  }
0x1e: {  	s7 =	smul.u32 @!p0 $0xF7A, s2;
	p2 =	seq.s32 @!p0 s5, $0x0  }
0x1f: {  	s9 =	smul.u32 $0xF7A, s1;
	s8 =	simm.s32 @!p0 $0x1BF5;
	p2 =	por !p2, p0  }
0x20: {  	[sflag:s8] =	ssyncset.s32 @!p0 $0xFFFFF086;
	s6 =	sadd.s32 @!p0 s3, s7;
	s7 =	simm.s32 @!p0 $0x108  }
0x21: {  	s3 =	sadd.s32 s3, s9;
	s6 =	sadd.s32 @!p0 $0x88, s6;
	s7 =	simm.s32 @p2 $0x1082  }
0x22: {  	[simem:s7], [sflag:s8] =	dma.local @!p0 [hbm:s6], $0xF7A  }
0x23: {  	s9 =	sor.u32 $0xD0000000, s2;
	s6 =	simm.s32 $0x108;
	_ =	swait.ge @!p0 [sflag:s8], $0x0  }
0x24: {  	s3 =	sadd.s32 $0x88, s3;
	s6 =	simm.s32 @!p1 $0x1082;
	[sflag:s4] =	ssyncset.s32 $0xFFFFF086  }
0x25: {  	[simem:s6], [sflag:s4] =	dma.local [hbm:s3], $0xF7A  }
0x26: {  	[smem:$0x3F97] =	sst s1;
	(tag) =	ssettag s2;
	_ =	strace s9  }
0x27: {  	s1 =	sld [smem:$0x3FA7]  }
0x28: {  	s2 =	sld [smem:$0x3FA8]  }
0x29: {  	s4 =	sld [smem:$0x3FAA]  }
0x2a: {  	p0 =	seq.s32 s5, $0x0;
	s5 =	sld [smem:$0x3FAB]  }
0x2b: {  	s6 =	sld [smem:$0x3FAC]  }
0x2c: {  	s7 =	sld [smem:$0x3FAD]  }
0x2d: {  	s3 =	simm.s32 $0x108;
	s8 =	sld [smem:$0x3FAE]  }
0x2e: {  	s3 =	simm.s32 @!p0 $0x1082;
	s9 =	sld [smem:$0x3FAF]  }
0x2f: {  	lr =	sadd.s32 s0, s3;
	s0 =	sld [smem:$0x3FA6]  }
0x30: {  	s3 =	sld [smem:$0x3FA9]  }
0x31: {  	[smem:$0x3FB2] =	sst s10  }
0x32: {  	s10 =	sld [smem:$0x3FB0];
	_ =	sdelay $0x3  }
0x33: {  	p0 =	seq.s32 s10, $0x1;
	s10 =	sld [smem:$0x3FB2];
	_ =	sdelay $0x3  }
0x34: {  	[smem:$0x3FB2] =	sst s10  }
0x35: {  	s10 =	sld [smem:$0x3FB1];
	_ =	sdelay $0x3  }
0x36: {  	p1 =	seq.s32 s10, $0x1;
	s10 =	sld [smem:$0x3FB2];
	_ =	sdelay $0x3  }
0x37: {  	[smem:$0x3FB2] =	sst s10  }
0x38: {  	s10 =	sld [smem:$0x3FB3]  }
0x39: {  	_ = 	snop;
	(pc) =	sbr.ind lr, $3  }
0x3a: {  	_ = 	snop  }
0x3b: {  	_ = 	snop  }
0x3c: {  	p2 =	seq.s32 s10, $0x1;
	s10 =	sld [smem:$0x3FB2]  }
0x3d: {  	_ =	shalt  }
0x3e: {  	_ =	shalt  }
0x3f: {  	_ =	shalt  }
0x40: {  	_ =	shalt  }
0x41: {  	_ =	shalt  }
0x42: {  	_ =	shalt  }
0x43: {  	_ =	shalt  }
0x44: {  	_ =	shalt  }
0x45: {  	_ =	shalt  }
0x46: {  	_ =	shalt  }
0x47: {  	_ =	shalt  }
0x48: {  	_ =	shalt  }
0x49: {  	_ =	shalt  }
0x4a: {  	_ =	shalt  }
0x4b: {  	_ =	shalt  }
0x4c: {  	_ =	shalt  }
0x4d: {  	_ =	shalt  }
0x4e: {  	_ =	shalt  }
0x4f: {  	_ =	shalt  }
0x50: {  	_ =	shalt  }
0x51: {  	_ =	shalt  }
0x52: {  	_ =	shalt  }
0x53: {  	_ =	shalt  }
0x54: {  	_ =	shalt  }
0x55: {  	_ =	shalt  }
0x56: {  	_ =	shalt  }
0x57: {  	_ =	shalt  }
0x58: {  	_ =	shalt  }
0x59: {  	_ =	shalt  }
0x5a: {  	_ =	shalt  }
0x5b: {  	_ =	shalt  }
0x5c: {  	_ =	shalt  }
0x5d: {  	_ =	shalt  }
0x5e: {  	_ =	shalt  }
0x5f: {  	_ =	shalt  }
0x60: {  	_ =	shalt  }
0x61: {  	_ =	shalt  }
0x62: {  	_ =	shalt  }
0x63: {  	_ =	shalt  }
0x64: {  	_ =	shalt  }
0x65: {  	_ =	shalt  }
0x66: {  	_ =	shalt  }
0x67: {  	_ =	shalt  }
0x68: {  	_ =	shalt  }
0x69: {  	_ =	shalt  }
0x6a: {  	_ =	shalt  }
0x6b: {  	_ =	shalt  }
0x6c: {  	_ =	shalt  }
0x6d: {  	_ =	shalt  }
0x6e: {  	_ =	shalt  }
0x6f: {  	_ =	shalt  }
0x70: {  	_ =	shalt  }
0x71: {  	_ =	shalt  }
0x72: {  	_ =	shalt  }
0x73: {  	_ =	shalt  }
0x74: {  	_ =	shalt  }
0x75: {  	_ =	shalt  }
0x76: {  	_ =	shalt  }
0x77: {  	_ =	shalt  }
0x78: {  	_ =	shalt  }
0x79: {  	_ =	shalt  }
0x7a: {  	_ =	shalt  }
0x7b: {  	_ =	shalt  }
0x7c: {  	_ =	shalt  }
0x7d: {  	_ =	shalt  }
0x7e: {  	_ =	shalt  }
0x7f: {  	_ =	shalt  }
0x80: {  	_ =	shalt  }
0x81: {  	_ =	shalt  }
0x82: {  	_ =	shalt  }
0x83: {  	_ =	shalt  }
0x84: {  	_ =	shalt  }
0x85: {  	_ =	shalt  }
0x86: {  	_ =	shalt  }
0x87: {  	_ =	shalt  }
.Lfunc_end0:
.L_simem_size_0:
called_computation.3_lowered:
.L_overlay_start_0:
0x88: {  	s2 =	sld [smem:$0x3FD9]  }
0x89: {  	s3 =	sld [smem:$0x3FFE];
	_ =	sdelay $0x1  }
0x8a: {  	s1 =	srdreg.scid  }
0x8b: {  	s0 =	sand.u32 $0x1, s1  }
0x8c: {  	s17 =	sshll.u32 s0, $0xA;
	s2 =	sadd.s32 s3, s2  }
0x8d: {  	s2 =	sadd.s32 s2, s17  }
0x8e: {  	[smem:$0x3FBE] =	sst s2  }
0x8f: {  	_ = 	snop  }
0x90: {  	s2 =	sld [smem:$0x3FD0];
	(tm) =	ssettm $0x1  }
0x91: {  	s18 =	sld [smem:$0x3FFB];
	_ =	sdelay $0x3  }
0x92: {  	_ =	strace s18  }
0x93: {  	s3 =	sld [smem:$0x3FFC];
	_ =	sdelay $0x3  }
0x94: {  	_ =	strace s3  }
0x95: {  	s3 =	sld [smem:$0x3FFD];
	_ =	sdelay $0x3  }
0x96: {  	_ =	strace s3  }
0x97: {  	_ =	strace $0x8FFFFFFF  }
0x98: {  	s19 =	sld [smem:$0x3FDB];
	_ =	sdelay $0x1  }
0x99: {  	s4 =	simm.s32 $_scs_section_size  }
0x9a: {  	s5 =	simm.s32 $_size__tile_overlayer_lowered;
	s6 =	simm.s32 $_tile_overlayer_lowered  }
0x9b: {  	s22 =	simm.s32 $0x1BFF;
	s21 =	sshll.u32 s6, $0x1;
	s3 =	sadd.s32 s4, s19  }
0x9c: {  	s7 =	simm.s32 $0x0;
	s20 =	sshll.u32 s5, $0x1;
	s5 =	sadd.s32 s21, s3  }
0x9d: {  	[timem:s7], [sflag:s22] =	dma.local [hbm:s5], s20  }
0x9e: {  	_ =	swait.ge [sflag:s22], s20  }
0x9f: {  	s4 =	ssub.s32 $0x0, s20;
	[sflag:s22] =	ssyncset.done $0x0  }
0xa0: {  	[sflag:s22] =	ssyncadd.s32 s4;
	_ =	sdelay $0x1  }
0xa1: {  	s23 =	simm.s32 $0x1B8B  }
0xa2: {  	_ =	swait.ge [sflag:s23], $0x1  }
0xa3: {  	[sflag:s23] =	ssyncset.done $0x0  }
0xa4: {  	s25 =	simm.s32 $0x1B8E;
	s24 =	sld [smem:$0x3FFE];
	[sflag:s23] =	ssyncadd.s32 $0xFFFFFFFF  }
0xa5: {  	s26 =	simm.s32 $execute0_lowered;
	[smem:$0x3FD2] =	sst s25  }
0xa6: {  	s5 =	sshll.u32 s26, $0x1;
	_ =	strace $0x8000004F;
	[dreg:$0x1] =	wrdreg $0xFFFFFFFF  }
0xa7: {  	s28 =	simm.s32 $_size_execute0_lowered;
	s3 =	sadd.s32 s3, s5;
	[dreg:$0x0] =	wrdreg $0x0  }
0xa8: {  	s5 =	sshll.u32 s28, $0x1;
	[dreg:$0x2] =	wrdreg s3  }
0xa9: {  	[dreg:$0x3] =	wrdreg s5  }
0xaa: {  	[dreg:$0x4] =	wrdreg $0xC0  }
0xab: {  	_ =	task [dreg:s7], $0x5FFFF  }
0xac: {  	[dreg:$0x1] =	wrdreg $0xFFFFFFFF  }
0xad: {  	[dreg:$0x0] =	wrdreg $0x60  }
0xae: {  	[dreg:$0x2] =	wrdreg s24  }
0xaf: {  	[dreg:$0x3] =	wrdreg s2  }
0xb0: {  	[dreg:$0x4] =	wrdreg $0x9  }
0xb1: {  	_ =	task.clear_ibuf [dreg:s7], $0x5FFFF;
	_ =	strace $0x9000004F  }
0xb2: {  	s29 =	simm.s32 $0x9;
	_ =	strace $0x80000051  }
0xb3: {  	_ =	swait.ge [sflag:s29], $0x1  }
0xb4: {  	[sflag:s29] =	ssyncadd.s32 $0xFFFFFFFF  }
0xb5: {  	_ =	strace $0x90000051  }
0xb6: {  	_ =	sfence  }
0xb7: {  	s30 =	sld [smem:$0x0];
	_ =	sdelay $0x2  }
0xb8: {  	s31 =	sshll.u32 s1, $0xD;
	s1 =	sshrl.u32 s1, $0x2  }
0xb9: {  	s3 =	sand.u32 $0x4000, s31;
	s1 =	sadd.s32 s1, s30  }
0xba: {  	s0 =	sor.u32 s3, s0;
	s1 =	sshll.u32 s1, $0x11  }
0xbb: {  	s0 =	sor.u32 s1, s0  }
0xbc: {  	s0 =	sadd.s32 $0x8F2B, s0  }
0xbd: {  	[sflag:s0] =	ssyncadd.remote.s32 $0x1  }
0xbe: {  	_ =	sfence.sel $0xFFFF  }
0xbf: {  	[dreg:$0x0] =	wrdreg $0xFFFFFFFF;
	(pc) =	sbr.abs _section_cstart, $3  }
0xc0: {  	[dreg:$0x1] =	wrdreg $0xFFFFFFFF  }
0xc1: {  	_ =	task.clear_ibuf [dreg:s7], $0x2FFFF;
	_ =	strace $0x9FFFFFFF  }
0xc2: {  	(tm) =	ssettm $0x7FFFFFFF  }
0xc3: {  	_ =	shalt  }
tec
execute0_lowered:
.L_overlay_start_1:
0x0: {  	(tag) =	ssettag $0x1  }
0x1: {  	s1 =	rddreg [dreg:$0x0]  }
0x2: {  	s2 =	rddreg [dreg:$0x1]  }
0x3: {  	s3 =	simm.s32 $0x0;
	s0 =	srdreg.scid;
	s7 =	stileid.u32  }
0x4: {  	s14 =	simm.s32 $0x3;
	s15 =	simm.s32 $0x1E180;
	s17 =	simm.s32 $0x19080  }
0x5: {  	s18 =	simm.s32 $0x19180;
	s19 =	simm.s32 $0x2;
	s20 =	simm.s32 $0x80  }
0x6: {  	s21 =	simm.s32 $0x1;
	s22 =	simm.s32 $0x0;
	[smem:$0x7FF] =	sst s3  }
0x7: {  	s4 =	sadd.s32 $0x31200, s1;
	s5 =	sadd.s32 $0x59CA00, s1;
	s6 =	sadd.s32 $0x200, s1  }
.Ltmp0:
0x8: {  	s0 =	sand.u32 $0x1, s0;
	s8 =	sadd.s32 $0x1936000, s1;
	(pc) =	sbr.rel .LBB2_1-.Ltmp0, $4  }
0x9: {  	s9 =	sadd.s32 $0x1C1200, s1;
	s10 =	sadd.s32 $0x1F3200, s1;
	s11 =	ssub.s32 $0x2, s0  }
0xa: {  	s31 =	sshll.u32 s7, $0x6;
	_ =	strace $0x80000050;
	s12 =	sshrl.u32 s11, $0x1  }
0xb: {  	p0 =	seq.s32 s0, $0x1;
	s16 =	sshrl.u32 s31, $0x2;
	s13 =	ssub.s32 s11, s12  }
0xc: {  	s11 =	sshll.u32 s7, $0x4;
	s12 =	smul.u32 $0x3200, s7;
	s13 =	smax.u32 s13, $0x1  }
.LBB2_14:
0xd: {  	s22 =	sadd.s32 $0x1, s22  }
0xe: {  	p1 =	sne.s32 s22, s13  }
.Ltmp1:
0xf: {  	s0 =	sadd.s32 s0, s12;
	(pc) =	sbr.rel @!p1 .LBB2_15-.Ltmp1, $4  }
0x10: {  	[hbm4b:s0+s3] =	stream.linear.scatter [tilespmem:s3], [sflag:$0x3], $0x19000, $0x38;
	[tilespmem:$0x1E380] =	vst v63  }
0x11: {  	_ =	swait.ge [sflag:s14], $0x19000  }
0x12: {  	[sflag:s14] =	ssyncset.done $0x0  }
0x13: {  	[sflag:s14] =	ssyncadd.s32 $0xFFFE7000  }
.LBB2_1:
0x14: {  	[tilespmem:s3], [sflag:$0x3] =	stream.linear.gather [hbm4b:s2+s3], $0x19080, $0x38;
	[tilespmem:$0x1E380] =	vst v63  }
0x15: {  	_ =	swait.ge [sflag:s14], $0x19080  }
0x16: {  	[sflag:s14] =	ssyncset.done $0x0  }
0x17: {  	[sflag:s14] =	ssyncadd.s32 $0xFFFE6F80  }
0x18: {  	[tilespmem:s15], [sflag:$0x3] =	stream.linear.gather [hbm4b:s1+s3], $0x200, $0x38;
	[tilespmem:$0x1E380] =	vst v63  }
0x19: {  	_ =	swait.ge [sflag:s14], $0x200  }
0x1a: {  	[sflag:s14] =	ssyncset.done $0x0  }
0x1b: {  	[sflag:s14] =	ssyncadd.s32 $0xFFFFFE00  }
0x1c: {  	v0 =	vld [tilespmem:s16+$0x1E180]  }
0x1d: {  	v1 =	vld [tilespmem:s11+$0x1E280];
	_ =	sdelay $0x3  }
0x1e: {  	(v2sf) =	vpush v0, $0x0  }
0x1f: {  	(v2sf) =	vpush v1, $0x0;
	_ =	sdelay $0xb  }
.Ltmp2:
0x20: {  	_ = 	snop;
	(pc) =	sbr.rel @!p0 .LBB2_2-.Ltmp2, $4  }
0x21: {  	_ = 	snop  }
0x22: {  	s25 =	spop (v2sf)  }
0x23: {  	s23 =	spop (v2sf)  }
0x24: {  	p1 =	slt.s32 s23, $0x1  }
.Ltmp3:
0x25: {  	(pc) =	sbr.rel @p1 .LBB2_14-.Ltmp3, $2  }
0x26: {  	_ =	sdelay $0x2  }
0x27: {  	s0 =	smov.u32 s10  }
0x28: {  	s0 =	sshll.u32 s25, $0x4  }
0x29: {  	s0 =	sand.u32 $0x1FFFFFF0, s0  }
0x2a: {  	s24 =	simm.s32 $0x0;
	s31 =	sshll.u32 s25, $0x8;
	s0 =	sadd.s32 s6, s0  }
0x2b: {  	[tilespmem:s17], [sflag:$0x2] =	stream.linear.gather [hbm4b:s0+s24], $0x80, $0x38;
	[tilespmem:$0x1E380] =	vst v63  }
0x2c: {  	s0 =	sand.u32 $0x1FFFFF00, s31  }
0x2d: {  	s25 =	sadd.s32 $0x1, s25;
	s26 =	simm.s32 $0x0;
	s0 =	sadd.s32 s8, s0  }
0x2e: {  	[tilespmem:s18], [sflag:$0x2] =	stream.linear.gather [hbm4b:s0+s24], $0x800, $0x38;
	[tilespmem:$0x1E380] =	vst v63  }
.LBB2_10:
0x2f: {  	_ =	swait.ge [sflag:s19], $0x80  }
0x30: {  	s0 =	smov.u32 s26;
	s26 =	sadd.s32 $0x1, s26;
	[sflag:s19] =	ssyncset.done $0x0  }
0x31: {  	p1 =	sge.s32 s26, s23;
	[sflag:s19] =	ssyncadd.s32 $0xFFFFFF80  }
0x32: {  	s7 =	sadd.s32 @!p1 s0, s25;
	s28 =	sand.u32 @!p1 $0x1, s26;
	s31 =	simm.s32 @!p1 $0x0  }
0x33: {  	s0 =	sand.u32 $0x1, s0;
	_ =	swait.ge [sflag:s19], $0x800;
	s29 =	sshll.u32 @!p1 s7, $0x4  }
0x34: {  	s30 =	sshll.u32 @!p1 s28, $0x7;
	s7 =	sshll.u32 @!p1 s7, $0x8;
	s28 =	sshll.u32 @!p1 s28, $0xB  }
0x35: {  	[sflag:s19] =	ssyncset.done $0x0;
	s29 =	sand.u32 @!p1 $0x1FFFFFF0, s29;
	s30 =	sadd.s32 @!p1 $0x19080, s30  }
0x36: {  	s7 =	sand.u32 @!p1 $0x1FFFFF00, s7;
	[sflag:s19] =	ssyncadd.s32 $0xFFFFF800;
	s29 =	sadd.s32 @!p1 s6, s29  }
0x37: {  	[tilespmem:s30], [sflag:$0x2] =	stream.linear.gather @!p1 [hbm4b:s29+s31], $0x80, $0x38;
	[tilespmem:$0x1E380] =	vst v63  }
0x38: {  	s28 =	sor.u32 @!p1 $0x19180, s28;
	s7 =	sadd.s32 @!p1 s8, s7;
	s29 =	sshll.u32 s0, $0x7  }
0x39: {  	[tilespmem:s28], [sflag:$0x2] =	stream.linear.gather @!p1 [hbm4b:s7+s31], $0x800, $0x38;
	[tilespmem:$0x1E380] =	vst v63  }
0x3a: {  	s0 =	sshll.u32 s0, $0xB;
	s7 =	sadd.s32 $0x19080, s29;
	s28 =	simm.s32 $0x1A180  }
0x3b: {  	[tilespmem:s28], [sflag:$0x1] =	stream.indirect.gather [hbm4b:s5+s20], $0x80, s7, s20, $0xb8;
	[tilespmem:$0x1E380] =	vst v63  }
0x3c: {  	s29 =	sor.u32 $0x19180, s0;
	s0 =	sand.u32 $0x780, s24;
	_ =	swait.ge [sflag:s21], $0x4000  }
0x3d: {  	s0 =	sadd.s32 s0, s29;
	s7 =	sand.u32 $0x70, s24;
	[sflag:s21] =	ssyncset.done $0x0  }
0x3e: {  	s0 =	sadd.s32 s7, s0;
	[sflag:s21] =	ssyncadd.s32 $0xFFFFC000  }
0x3f: {  	v0 =	vld [tilespmem:s0+$0x0];
	_ =	sdelay $0x2  }
0x40: {  	v1 =	vld [tilespmem:s28+$0x0];
	_ =	sdelay $0x1  }
0x41: {  	s30 =	simm.s32 $0x10  }
0x42: {  	s31 =	simm.s32 $0x20;
	s0 =	sand.u32 $0x780, s30  }
.LBB2_11:
0x43: {  	p1 =	seq.s32 s31, $0x7F0;
	s7 =	sand.u32 $0x70, s30;
	s0 =	sadd.s32 s0, s29  }
0x44: {  	s30 =	smov.u32 s31;
	s0 =	sadd.s32 s7, s0;
	[tilespmem:v0+s3+$0x0] =	vst.idx.add.f32.msk $0xffff, v1  }
0x45: {  	v0 =	vld [tilespmem:s0+$0x0];
	_ =	sdelay $0x1  }
.Ltmp4:
0x46: {  	s28 =	sadd.s32 $0x80, s28;
	(pc) =	sbr.rel @!p1 .LBB2_11-.Ltmp4, $2  }
0x47: {  	v1 =	vld [tilespmem:s28+$0x0];
	_ =	sdelay $0x2  }
0x48: {  	s31 =	sadd.s32 $0x10, s31;
	s0 =	sand.u32 $0x780, s30  }
0x49: {  	_ =	sdelay $0x2  }
0x4a: {  	s7 =	sand.u32 $0x70, s30;
	s0 =	sadd.s32 s0, s29  }
0x4b: {  	s0 =	sadd.s32 s7, s0;
	[tilespmem:v0+s3+$0x0] =	vst.idx.add.f32.msk $0xffff, v1  }
0x4c: {  	v0 =	vld [tilespmem:s0+$0x0];
	_ =	sdelay $0x1  }
0x4d: {  	s31 =	sadd.s32 $0x80, s28  }
0x4e: {  	p1 =	seq.s32 s26, s23;
	v1 =	vld [tilespmem:s31+$0x0]  }
.Ltmp5:
0x4f: {  	_ = 	snop;
	(pc) =	sbr.rel @!p1 .LBB2_10-.Ltmp5, $2  }
0x50: {  	_ =	sdelay $0x2  }
0x51: {  	[tilespmem:v0+s3+$0x0] =	vst.idx.add.f32.msk $0xffff, v1  }
.Ltmp6:
0x52: {  	(pc) =	sbr.rel .LBB2_14-.Ltmp6, $2  }
0x53: {  	_ =	sdelay $0x2  }
0x54: {  	s0 =	smov.u32 s10  }
.LBB2_2:
.Ltmp7:
0x55: {  	(pc) =	sbr.rel @p1 .LBB2_14-.Ltmp7, $2  }
0x56: {  	_ =	sdelay $0x2  }
0x57: {  	s0 =	smov.u32 s9  }
0x58: {  	s0 =	sshll.u32 s25, $0x4  }
0x59: {  	s0 =	sand.u32 $0x1FFFFFF0, s0  }
0x5a: {  	s24 =	simm.s32 $0x0;
	s31 =	sshll.u32 s25, $0x8;
	s0 =	sadd.s32 s6, s0  }
0x5b: {  	[tilespmem:s17], [sflag:$0x2] =	stream.linear.gather [hbm4b:s0+s24], $0x80, $0x38;
	[tilespmem:$0x1E380] =	vst v63  }
0x5c: {  	s0 =	sand.u32 $0x1FFFFF00, s31  }
0x5d: {  	s25 =	sadd.s32 $0x1, s25;
	s26 =	simm.s32 $0x0;
	s0 =	sadd.s32 s8, s0  }
0x5e: {  	[tilespmem:s18], [sflag:$0x2] =	stream.linear.gather [hbm4b:s0+s24], $0x800, $0x38;
	[tilespmem:$0x1E380] =	vst v63  }
.LBB2_4:
0x5f: {  	_ =	swait.ge [sflag:s19], $0x80  }
0x60: {  	s0 =	smov.u32 s26;
	s26 =	sadd.s32 $0x1, s26;
	[sflag:s19] =	ssyncset.done $0x0  }
0x61: {  	p1 =	sge.s32 s26, s23;
	[sflag:s19] =	ssyncadd.s32 $0xFFFFFF80  }
0x62: {  	s28 =	sadd.s32 @!p1 s0, s25;
	s29 =	sand.u32 @!p1 $0x1, s26;
	s7 =	simm.s32 @!p1 $0x0  }
0x63: {  	s0 =	sand.u32 $0x1, s0;
	_ =	swait.ge [sflag:s19], $0x800;
	s30 =	sshll.u32 @!p1 s28, $0x4  }
0x64: {  	s31 =	sshll.u32 @!p1 s29, $0x7;
	s28 =	sshll.u32 @!p1 s28, $0x8;
	s29 =	sshll.u32 @!p1 s29, $0xB  }
0x65: {  	[sflag:s19] =	ssyncset.done $0x0;
	s30 =	sand.u32 @!p1 $0x1FFFFFF0, s30;
	s31 =	sadd.s32 @!p1 $0x19080, s31  }
0x66: {  	s28 =	sand.u32 @!p1 $0x1FFFFF00, s28;
	[sflag:s19] =	ssyncadd.s32 $0xFFFFF800;
	s30 =	sadd.s32 @!p1 s6, s30  }
0x67: {  	[tilespmem:s31], [sflag:$0x2] =	stream.linear.gather @!p1 [hbm4b:s30+s7], $0x80, $0x38;
	[tilespmem:$0x1E380] =	vst v63  }
0x68: {  	s29 =	sor.u32 @!p1 $0x19180, s29;
	s28 =	sadd.s32 @!p1 s8, s28;
	s30 =	sshll.u32 s0, $0x7  }
0x69: {  	[tilespmem:s29], [sflag:$0x2] =	stream.linear.gather @!p1 [hbm4b:s28+s7], $0x800, $0x38;
	[tilespmem:$0x1E380] =	vst v63  }
0x6a: {  	s0 =	sshll.u32 s0, $0xB;
	s7 =	sadd.s32 $0x19080, s30;
	s28 =	simm.s32 $0x1A180  }
0x6b: {  	[tilespmem:s28], [sflag:$0x1] =	stream.indirect.gather [hbm4b:s4+s20], $0x80, s7, s20, $0xb8;
	[tilespmem:$0x1E380] =	vst v63  }
0x6c: {  	s29 =	sor.u32 $0x19180, s0;
	s0 =	sand.u32 $0x780, s24;
	_ =	swait.ge [sflag:s21], $0x4000  }
0x6d: {  	s0 =	sadd.s32 s0, s29;
	s7 =	sand.u32 $0x70, s24;
	[sflag:s21] =	ssyncset.done $0x0  }
0x6e: {  	s0 =	sadd.s32 s7, s0;
	[sflag:s21] =	ssyncadd.s32 $0xFFFFC000  }
0x6f: {  	v0 =	vld [tilespmem:s0+$0x0];
	_ =	sdelay $0x2  }
0x70: {  	v1 =	vld [tilespmem:s28+$0x0];
	_ =	sdelay $0x1  }
0x71: {  	s30 =	simm.s32 $0x10  }
0x72: {  	s31 =	simm.s32 $0x20;
	s0 =	sand.u32 $0x780, s30  }
.LBB2_5:
0x73: {  	p1 =	seq.s32 s31, $0x7F0;
	s7 =	sand.u32 $0x70, s30;
	s0 =	sadd.s32 s0, s29  }
0x74: {  	s30 =	smov.u32 s31;
	s0 =	sadd.s32 s7, s0;
	[tilespmem:v0+s3+$0x0] =	vst.idx.add.f32.msk $0xffff, v1  }
0x75: {  	v0 =	vld [tilespmem:s0+$0x0];
	_ =	sdelay $0x1  }
.Ltmp8:
0x76: {  	s28 =	sadd.s32 $0x80, s28;
	(pc) =	sbr.rel @!p1 .LBB2_5-.Ltmp8, $2  }
0x77: {  	v1 =	vld [tilespmem:s28+$0x0];
	_ =	sdelay $0x2  }
0x78: {  	s31 =	sadd.s32 $0x10, s31;
	s0 =	sand.u32 $0x780, s30  }
0x79: {  	_ =	sdelay $0x2  }
0x7a: {  	s7 =	sand.u32 $0x70, s30;
	s0 =	sadd.s32 s0, s29  }
0x7b: {  	s0 =	sadd.s32 s7, s0;
	[tilespmem:v0+s3+$0x0] =	vst.idx.add.f32.msk $0xffff, v1  }
0x7c: {  	v0 =	vld [tilespmem:s0+$0x0];
	_ =	sdelay $0x1  }
0x7d: {  	s31 =	sadd.s32 $0x80, s28  }
0x7e: {  	p1 =	seq.s32 s26, s23;
	v1 =	vld [tilespmem:s31+$0x0]  }
.Ltmp9:
0x7f: {  	_ = 	snop;
	(pc) =	sbr.rel @!p1 .LBB2_4-.Ltmp9, $2  }
0x80: {  	_ =	sdelay $0x2  }
0x81: {  	[tilespmem:v0+s3+$0x0] =	vst.idx.add.f32.msk $0xffff, v1  }
.Ltmp10:
0x82: {  	(pc) =	sbr.rel .LBB2_14-.Ltmp10, $2  }
0x83: {  	_ =	sdelay $0x2  }
0x84: {  	s0 =	smov.u32 s9  }
.LBB2_15:
0x85: {  	_ =	sfence.sel $0x180000  }
0x86: {  	[bflag:$0x0] =	sbarrier.arrive $0xFFFF  }
0x87: {  	_ =	strace $0x90000050  }
0x88: {  	s0 =	stileid.u32;
	[bflag:$0x2] =	sbarrier.arrive $0xFFFF  }
0x89: {  	p0 =	sne.s32 s0, $0x0;
	s0 =	rddreg [dreg:$0x2]  }
0x8a: {  	s0 =	sadd.s32 @!p0 $0x100000, s0  }
0x8b: {  	[sflag:s0] =	ssyncadd.tile.s32 @!p0 $0x1;
	_ =	shalt  }
.Lfunc_end2:
_tile_overlayer_lowered:
.L_overlay_start_2:
0x8c: {  	(tag) =	ssettag $0x2  }
0x8d: {  	s0 =	rddreg [dreg:$0x0];
	s2 =	stileid.u32  }
0x8e: {  	s1 =	rddreg [dreg:$0x1];
	p0 =	sne.s32 s2, $0x0  }
0x8f: {  	s3 =	rddreg [dreg:$0x2];
	[bflag:$0x3] =	sbarrier.arrive $0xFFFF;
	s2 =	simm.s32 @!p0 $0x1C03  }
0x90: {  	[timem:s3], [sflag:s2] =	dma.local @!p0 [hbm:s0], s1  }
0x91: {  	s0 =	simm.s32 @!p0 $0x3  }
0x92: {  	_ =	swait.ge @!p0 [sflag:s0], s1  }
0x93: {  	s1 =	ssub.s32 @!p0 $0x0, s1;
	[sflag:s0] =	ssyncset.done @!p0 $0x0  }
0x94: {  	[sflag:s0] =	ssyncadd.s32 @!p0 s1  }
0x95: {  	[bflag:$0x3] =	sbarrier.arrive $0xFFFF  }
0x96: {  	_ =	shalt  }

// kernel: kernel.16.cloned.1.call-start
scs
__scs_entry_jumppad:
0x0: {  	(pc) =	sbr.rel $0x88, $3  }
0x1: {  	(tag) =	ssettag $0x0;
	lr =	simm.s32 $0x1  }
0x2: {  	[smem:$0x3F97] =	sst lr;
	_ =	strace $0xD0000000  }
0x3: {  	_ = 	snop  }
0x4: {  	_ = 	snop  }
0x5: {  	_ = 	snop  }
0x6: {  	_ = 	snop  }
0x7: {  	_ = 	snop  }
__scs_overlays_trampoline_lowered:
0x8: {  	[smem:$0x3FA6] =	sst s0  }
0x9: {  	[smem:$0x3FA7] =	sst s1  }
0xa: {  	[smem:$0x3FA8] =	sst s2  }
0xb: {  	[smem:$0x3FA9] =	sst s3  }
0xc: {  	[smem:$0x3FAA] =	sst s4  }
0xd: {  	[smem:$0x3FAB] =	sst s5  }
0xe: {  	[smem:$0x3FAC] =	sst s6  }
0xf: {  	[smem:$0x3FAD] =	sst s7  }
0x10: {  	[smem:$0x3FAE] =	sst s8  }
0x11: {  	[smem:$0x3FAF] =	sst s9;
	s0 =	simm.s32 @!p0 $0x0  }
0x12: {  	s1 =	sld [smem:$0x3F95];
	s0 =	simm.s32 @p0 $0x1  }
0x13: {  	[smem:$0x3FB0] =	sst s0;
	s0 =	simm.s32 @!p1 $0x0  }
0x14: {  	s2 =	sld [smem:$0x3F94];
	s0 =	simm.s32 @p1 $0x1  }
0x15: {  	[smem:$0x3FB1] =	sst s0;
	s0 =	simm.s32 @!p2 $0x0  }
0x16: {  	s3 =	sld [smem:$0x3FDB];
	s0 =	simm.s32 @p2 $0x1  }
0x17: {  	s4 =	simm.s32 $0x1BF5;
	[smem:$0x3FB3] =	sst s0  }
0x18: {  	s0 =	sld [smem:$0x3F96];
	_ =	swait.ge [sflag:s4], $0x0  }
0x19: {  	s7 =	sld [smem:$0x3F97]  }
0x1a: {  	s8 =	sadd.s32 $0xFFFFE003, lr  }
0x1b: {  	s9 =	sadd.s32 $0xFFFFFEF7, lr;
	s5 =	simm.s32 $0xFFFFFFFF;
	p2 =	slt.u32 s8, $0xFFFFF086  }
0x1c: {  	p1 =	slt.u32 s9, $0xF7A;
	s5 =	simm.s32 @!p2 $0x0  }
0x1d: {  	s5 =	simm.s32 @p1 $0x1;
	p0 =	seq.s32 s7, s2  }
0x1e: {  	s7 =	smul.u32 @!p0 $0xF7A, s2;
	p2 =	seq.s32 @!p0 s5, $0x0  }
0x1f: {  	s9 =	smul.u32 $0xF7A, s1;
	s8 =	simm.s32 @!p0 $0x1BF5;
	p2 =	por !p2, p0  }
0x20: {  	[sflag:s8] =	ssyncset.s32 @!p0 $0xFFFFF086;
	s6 =	sadd.s32 @!p0 s3, s7;
	s7 =	simm.s32 @!p0 $0x108  }
0x21: {  	s3 =	sadd.s32 s3, s9;
	s6 =	sadd.s32 @!p0 $0x88, s6;
	s7 =	simm.s32 @p2 $0x1082  }
0x22: {  	[simem:s7], [sflag:s8] =	dma.local @!p0 [hbm:s6], $0xF7A  }
0x23: {  	s9 =	sor.u32 $0xD0000000, s2;
	s6 =	simm.s32 $0x108;
	_ =	swait.ge @!p0 [sflag:s8], $0x0  }
0x24: {  	s3 =	sadd.s32 $0x88, s3;
	s6 =	simm.s32 @!p1 $0x1082;
	[sflag:s4] =	ssyncset.s32 $0xFFFFF086  }
0x25: {  	[simem:s6], [sflag:s4] =	dma.local [hbm:s3], $0xF7A  }
0x26: {  	[smem:$0x3F97] =	sst s1;
	(tag) =	ssettag s2;
	_ =	strace s9  }
0x27: {  	s1 =	sld [smem:$0x3FA7]  }
0x28: {  	s2 =	sld [smem:$0x3FA8]  }
0x29: {  	s4 =	sld [smem:$0x3FAA]  }
0x2a: {  	p0 =	seq.s32 s5, $0x0;
	s5 =	sld [smem:$0x3FAB]  }
0x2b: {  	s6 =	sld [smem:$0x3FAC]  }
0x2c: {  	s7 =	sld [smem:$0x3FAD]  }
0x2d: {  	s3 =	simm.s32 $0x108;
	s8 =	sld [smem:$0x3FAE]  }
0x2e: {  	s3 =	simm.s32 @!p0 $0x1082;
	s9 =	sld [smem:$0x3FAF]  }
0x2f: {  	lr =	sadd.s32 s0, s3;
	s0 =	sld [smem:$0x3FA6]  }
0x30: {  	s3 =	sld [smem:$0x3FA9]  }
0x31: {  	[smem:$0x3FB2] =	sst s10  }
0x32: {  	s10 =	sld [smem:$0x3FB0];
	_ =	sdelay $0x3  }
0x33: {  	p0 =	seq.s32 s10, $0x1;
	s10 =	sld [smem:$0x3FB2];
	_ =	sdelay $0x3  }
0x34: {  	[smem:$0x3FB2] =	sst s10  }
0x35: {  	s10 =	sld [smem:$0x3FB1];
	_ =	sdelay $0x3  }
0x36: {  	p1 =	seq.s32 s10, $0x1;
	s10 =	sld [smem:$0x3FB2];
	_ =	sdelay $0x3  }
0x37: {  	[smem:$0x3FB2] =	sst s10  }
0x38: {  	s10 =	sld [smem:$0x3FB3]  }
0x39: {  	_ = 	snop;
	(pc) =	sbr.ind lr, $3  }
0x3a: {  	_ = 	snop  }
0x3b: {  	_ = 	snop  }
0x3c: {  	p2 =	seq.s32 s10, $0x1;
	s10 =	sld [smem:$0x3FB2]  }
0x3d: {  	_ =	shalt  }
0x3e: {  	_ =	shalt  }
0x3f: {  	_ =	shalt  }
0x40: {  	_ =	shalt  }
0x41: {  	_ =	shalt  }
0x42: {  	_ =	shalt  }
0x43: {  	_ =	shalt  }
0x44: {  	_ =	shalt  }
0x45: {  	_ =	shalt  }
0x46: {  	_ =	shalt  }
0x47: {  	_ =	shalt  }
0x48: {  	_ =	shalt  }
0x49: {  	_ =	shalt  }
0x4a: {  	_ =	shalt  }
0x4b: {  	_ =	shalt  }
0x4c: {  	_ =	shalt  }
0x4d: {  	_ =	shalt  }
0x4e: {  	_ =	shalt  }
0x4f: {  	_ =	shalt  }
0x50: {  	_ =	shalt  }
0x51: {  	_ =	shalt  }
0x52: {  	_ =	shalt  }
0x53: {  	_ =	shalt  }
0x54: {  	_ =	shalt  }
0x55: {  	_ =	shalt  }
0x56: {  	_ =	shalt  }
0x57: {  	_ =	shalt  }
0x58: {  	_ =	shalt  }
0x59: {  	_ =	shalt  }
0x5a: {  	_ =	shalt  }
0x5b: {  	_ =	shalt  }
0x5c: {  	_ =	shalt  }
0x5d: {  	_ =	shalt  }
0x5e: {  	_ =	shalt  }
0x5f: {  	_ =	shalt  }
0x60: {  	_ =	shalt  }
0x61: {  	_ =	shalt  }
0x62: {  	_ =	shalt  }
0x63: {  	_ =	shalt  }
0x64: {  	_ =	shalt  }
0x65: {  	_ =	shalt  }
0x66: {  	_ =	shalt  }
0x67: {  	_ =	shalt  }
0x68: {  	_ =	shalt  }
0x69: {  	_ =	shalt  }
0x6a: {  	_ =	shalt  }
0x6b: {  	_ =	shalt  }
0x6c: {  	_ =	shalt  }
0x6d: {  	_ =	shalt  }
0x6e: {  	_ =	shalt  }
0x6f: {  	_ =	shalt  }
0x70: {  	_ =	shalt  }
0x71: {  	_ =	shalt  }
0x72: {  	_ =	shalt  }
0x73: {  	_ =	shalt  }
0x74: {  	_ =	shalt  }
0x75: {  	_ =	shalt  }
0x76: {  	_ =	shalt  }
0x77: {  	_ =	shalt  }
0x78: {  	_ =	shalt  }
0x79: {  	_ =	shalt  }
0x7a: {  	_ =	shalt  }
0x7b: {  	_ =	shalt  }
0x7c: {  	_ =	shalt  }
0x7d: {  	_ =	shalt  }
0x7e: {  	_ =	shalt  }
0x7f: {  	_ =	shalt  }
0x80: {  	_ =	shalt  }
0x81: {  	_ =	shalt  }
0x82: {  	_ =	shalt  }
0x83: {  	_ =	shalt  }
0x84: {  	_ =	shalt  }
0x85: {  	_ =	shalt  }
0x86: {  	_ =	shalt  }
0x87: {  	_ =	shalt  }
.Lfunc_end0:
.L_simem_size_0:
called_computation.4_lowered:
.L_overlay_start_0:
0x88: {  	s2 =	sld [smem:$0x3FD9]  }
0x89: {  	s3 =	sld [smem:$0x3FFE];
	_ =	sdelay $0x1  }
0x8a: {  	s1 =	srdreg.scid  }
0x8b: {  	s0 =	sand.u32 $0x1, s1  }
0x8c: {  	s17 =	sshll.u32 s0, $0xA;
	s2 =	sadd.s32 s3, s2  }
0x8d: {  	s2 =	sadd.s32 s2, s17  }
0x8e: {  	[smem:$0x3FBE] =	sst s2  }
0x8f: {  	_ = 	snop  }
0x90: {  	s2 =	sld [smem:$0x3FD0];
	(tm) =	ssettm $0x1  }
0x91: {  	s18 =	sld [smem:$0x3FFB];
	_ =	sdelay $0x3  }
0x92: {  	_ =	strace s18  }
0x93: {  	s3 =	sld [smem:$0x3FFC];
	_ =	sdelay $0x3  }
0x94: {  	_ =	strace s3  }
0x95: {  	s3 =	sld [smem:$0x3FFD];
	_ =	sdelay $0x3  }
0x96: {  	_ =	strace s3  }
0x97: {  	_ =	strace $0x8FFFFFFF  }
0x98: {  	s19 =	sld [smem:$0x3FDB];
	_ =	sdelay $0x1  }
0x99: {  	s4 =	simm.s32 $_scs_section_size  }
0x9a: {  	s5 =	simm.s32 $_size__tile_overlayer_lowered;
	s6 =	simm.s32 $_tile_overlayer_lowered  }
0x9b: {  	s22 =	simm.s32 $0x1BFF;
	s21 =	sshll.u32 s6, $0x1;
	s3 =	sadd.s32 s4, s19  }
0x9c: {  	s7 =	simm.s32 $0x0;
	s20 =	sshll.u32 s5, $0x1;
	s5 =	sadd.s32 s21, s3  }
0x9d: {  	[timem:s7], [sflag:s22] =	dma.local [hbm:s5], s20  }
0x9e: {  	_ =	swait.ge [sflag:s22], s20  }
0x9f: {  	s4 =	ssub.s32 $0x0, s20;
	[sflag:s22] =	ssyncset.done $0x0  }
0xa0: {  	[sflag:s22] =	ssyncadd.s32 s4;
	_ =	sdelay $0x1  }
0xa1: {  	s23 =	simm.s32 $0x1B8B  }
0xa2: {  	_ =	swait.ge [sflag:s23], $0x1  }
0xa3: {  	[sflag:s23] =	ssyncset.done $0x0  }
0xa4: {  	s25 =	simm.s32 $0x1B8E;
	s24 =	sld [smem:$0x3FFE];
	[sflag:s23] =	ssyncadd.s32 $0xFFFFFFFF  }
0xa5: {  	s26 =	simm.s32 $execute0_lowered;
	[smem:$0x3FD2] =	sst s25  }
0xa6: {  	s5 =	sshll.u32 s26, $0x1;
	_ =	strace $0x80000052;
	[dreg:$0x1] =	wrdreg $0xFFFFFFFF  }
0xa7: {  	s28 =	simm.s32 $_size_execute0_lowered;
	s3 =	sadd.s32 s3, s5;
	[dreg:$0x0] =	wrdreg $0x0  }
0xa8: {  	s5 =	sshll.u32 s28, $0x1;
	[dreg:$0x2] =	wrdreg s3  }
0xa9: {  	[dreg:$0x3] =	wrdreg s5  }
0xaa: {  	[dreg:$0x4] =	wrdreg $0xC0  }
0xab: {  	_ =	task [dreg:s7], $0x5FFFF  }
0xac: {  	[dreg:$0x1] =	wrdreg $0xFFFFFFFF  }
0xad: {  	[dreg:$0x0] =	wrdreg $0x60  }
0xae: {  	[dreg:$0x2] =	wrdreg s24  }
0xaf: {  	[dreg:$0x3] =	wrdreg s2  }
0xb0: {  	[dreg:$0x4] =	wrdreg $0x9  }
0xb1: {  	_ =	task.clear_ibuf [dreg:s7], $0x5FFFF;
	_ =	strace $0x90000052  }
0xb2: {  	s29 =	simm.s32 $0x9;
	_ =	strace $0x80000054  }
0xb3: {  	_ =	swait.ge [sflag:s29], $0x1  }
0xb4: {  	[sflag:s29] =	ssyncadd.s32 $0xFFFFFFFF  }
0xb5: {  	_ =	strace $0x90000054  }
0xb6: {  	_ =	sfence  }
0xb7: {  	s30 =	sld [smem:$0x0];
	_ =	sdelay $0x2  }
0xb8: {  	s31 =	sshll.u32 s1, $0xD;
	s1 =	sshrl.u32 s1, $0x2  }
0xb9: {  	s3 =	sand.u32 $0x4000, s31;
	s1 =	sadd.s32 s1, s30  }
0xba: {  	s0 =	sor.u32 s3, s0;
	s1 =	sshll.u32 s1, $0x11  }
0xbb: {  	s0 =	sor.u32 s1, s0  }
0xbc: {  	s0 =	sadd.s32 $0x8F2B, s0  }
0xbd: {  	[sflag:s0] =	ssyncadd.remote.s32 $0x1  }
0xbe: {  	_ =	sfence.sel $0xFFFF  }
0xbf: {  	[dreg:$0x0] =	wrdreg $0xFFFFFFFF;
	(pc) =	sbr.abs _section_cstart, $3  }
0xc0: {  	[dreg:$0x1] =	wrdreg $0xFFFFFFFF  }
0xc1: {  	_ =	task.clear_ibuf [dreg:s7], $0x2FFFF;
	_ =	strace $0x9FFFFFFF  }
0xc2: {  	(tm) =	ssettm $0x7FFFFFFF  }
0xc3: {  	_ =	shalt  }
tec
execute0_lowered:
.L_overlay_start_1:
0x0: {  	(tag) =	ssettag $0x1  }
0x1: {  	s1 =	rddreg [dreg:$0x0]  }
0x2: {  	s2 =	rddreg [dreg:$0x1]  }
0x3: {  	s3 =	simm.s32 $0x0;
	s0 =	srdreg.scid;
	s7 =	stileid.u32  }
0x4: {  	s14 =	simm.s32 $0x3;
	s15 =	simm.s32 $0x1E180;
	s17 =	simm.s32 $0x19080  }
0x5: {  	s18 =	simm.s32 $0x19180;
	s19 =	simm.s32 $0x2;
	s20 =	simm.s32 $0x80  }
0x6: {  	s21 =	simm.s32 $0x1;
	s22 =	simm.s32 $0x0;
	s4 =	sadd.s32 $0x8BCA00, s1  }
0x7: {  	[smem:$0x7FF] =	sst s3;
	s5 =	sadd.s32 $0xA4CA00, s1;
	s6 =	sadd.s32 $0x200, s1  }
.Ltmp0:
0x8: {  	s0 =	sand.u32 $0x1, s0;
	s8 =	sadd.s32 $0x1936000, s1;
	(pc) =	sbr.rel .LBB2_1-.Ltmp0, $4  }
0x9: {  	s9 =	sadd.s32 $0x59CA00, s1;
	s10 =	sadd.s32 $0x5CEA00, s1;
	s11 =	ssub.s32 $0x2, s0  }
0xa: {  	s31 =	sshll.u32 s7, $0x6;
	_ =	strace $0x80000053;
	s12 =	sshrl.u32 s11, $0x1  }
0xb: {  	p0 =	seq.s32 s0, $0x1;
	s16 =	sshrl.u32 s31, $0x2;
	s13 =	ssub.s32 s11, s12  }
0xc: {  	s11 =	sshll.u32 s7, $0x4;
	s12 =	smul.u32 $0x3200, s7;
	s13 =	smax.u32 s13, $0x1  }
.LBB2_14:
0xd: {  	s22 =	sadd.s32 $0x1, s22  }
0xe: {  	p1 =	sne.s32 s22, s13  }
.Ltmp1:
0xf: {  	s0 =	sadd.s32 s0, s12;
	(pc) =	sbr.rel @!p1 .LBB2_15-.Ltmp1, $4  }
0x10: {  	[hbm4b:s0+s3] =	stream.linear.scatter [tilespmem:s3], [sflag:$0x3], $0x19000, $0x38;
	[tilespmem:$0x1E380] =	vst v63  }
0x11: {  	_ =	swait.ge [sflag:s14], $0x19000  }
0x12: {  	[sflag:s14] =	ssyncset.done $0x0  }
0x13: {  	[sflag:s14] =	ssyncadd.s32 $0xFFFE7000  }
.LBB2_1:
0x14: {  	[tilespmem:s3], [sflag:$0x3] =	stream.linear.gather [hbm4b:s2+s3], $0x19080, $0x38;
	[tilespmem:$0x1E380] =	vst v63  }
0x15: {  	_ =	swait.ge [sflag:s14], $0x19080  }
0x16: {  	[sflag:s14] =	ssyncset.done $0x0  }
0x17: {  	[sflag:s14] =	ssyncadd.s32 $0xFFFE6F80  }
0x18: {  	[tilespmem:s15], [sflag:$0x3] =	stream.linear.gather [hbm4b:s1+s3], $0x200, $0x38;
	[tilespmem:$0x1E380] =	vst v63  }
0x19: {  	_ =	swait.ge [sflag:s14], $0x200  }
0x1a: {  	[sflag:s14] =	ssyncset.done $0x0  }
0x1b: {  	[sflag:s14] =	ssyncadd.s32 $0xFFFFFE00  }
0x1c: {  	v0 =	vld [tilespmem:s16+$0x1E180]  }
0x1d: {  	v1 =	vld [tilespmem:s11+$0x1E280];
	_ =	sdelay $0x3  }
0x1e: {  	(v2sf) =	vpush v0, $0x0  }
0x1f: {  	(v2sf) =	vpush v1, $0x0;
	_ =	sdelay $0xb  }
.Ltmp2:
0x20: {  	_ = 	snop;
	(pc) =	sbr.rel @!p0 .LBB2_2-.Ltmp2, $4  }
0x21: {  	_ = 	snop  }
0x22: {  	s25 =	spop (v2sf)  }
0x23: {  	s23 =	spop (v2sf)  }
0x24: {  	p1 =	slt.s32 s23, $0x1  }
.Ltmp3:
0x25: {  	(pc) =	sbr.rel @p1 .LBB2_14-.Ltmp3, $2  }
0x26: {  	_ =	sdelay $0x2  }
0x27: {  	s0 =	smov.u32 s10  }
0x28: {  	s0 =	sshll.u32 s25, $0x4  }
0x29: {  	s0 =	sand.u32 $0x1FFFFFF0, s0  }
0x2a: {  	s24 =	simm.s32 $0x0;
	s31 =	sshll.u32 s25, $0x8;
	s0 =	sadd.s32 s6, s0  }
0x2b: {  	[tilespmem:s17], [sflag:$0x2] =	stream.linear.gather [hbm4b:s0+s24], $0x80, $0x38;
	[tilespmem:$0x1E380] =	vst v63  }
0x2c: {  	s0 =	sand.u32 $0x1FFFFF00, s31  }
0x2d: {  	s25 =	sadd.s32 $0x1, s25;
	s26 =	simm.s32 $0x0;
	s0 =	sadd.s32 s8, s0  }
0x2e: {  	[tilespmem:s18], [sflag:$0x2] =	stream.linear.gather [hbm4b:s0+s24], $0x800, $0x38;
	[tilespmem:$0x1E380] =	vst v63  }
.LBB2_10:
0x2f: {  	_ =	swait.ge [sflag:s19], $0x80  }
0x30: {  	s0 =	smov.u32 s26;
	s26 =	sadd.s32 $0x1, s26;
	[sflag:s19] =	ssyncset.done $0x0  }
0x31: {  	p1 =	sge.s32 s26, s23;
	[sflag:s19] =	ssyncadd.s32 $0xFFFFFF80  }
0x32: {  	s7 =	sadd.s32 @!p1 s0, s25;
	s28 =	sand.u32 @!p1 $0x1, s26;
	s31 =	simm.s32 @!p1 $0x0  }
0x33: {  	s0 =	sand.u32 $0x1, s0;
	_ =	swait.ge [sflag:s19], $0x800;
	s29 =	sshll.u32 @!p1 s7, $0x4  }
0x34: {  	s30 =	sshll.u32 @!p1 s28, $0x7;
	s7 =	sshll.u32 @!p1 s7, $0x8;
	s28 =	sshll.u32 @!p1 s28, $0xB  }
0x35: {  	[sflag:s19] =	ssyncset.done $0x0;
	s29 =	sand.u32 @!p1 $0x1FFFFFF0, s29;
	s30 =	sadd.s32 @!p1 $0x19080, s30  }
0x36: {  	s7 =	sand.u32 @!p1 $0x1FFFFF00, s7;
	[sflag:s19] =	ssyncadd.s32 $0xFFFFF800;
	s29 =	sadd.s32 @!p1 s6, s29  }
0x37: {  	[tilespmem:s30], [sflag:$0x2] =	stream.linear.gather @!p1 [hbm4b:s29+s31], $0x80, $0x38;
	[tilespmem:$0x1E380] =	vst v63  }
0x38: {  	s28 =	sor.u32 @!p1 $0x19180, s28;
	s7 =	sadd.s32 @!p1 s8, s7;
	s29 =	sshll.u32 s0, $0x7  }
0x39: {  	[tilespmem:s28], [sflag:$0x2] =	stream.linear.gather @!p1 [hbm4b:s7+s31], $0x800, $0x38;
	[tilespmem:$0x1E380] =	vst v63  }
0x3a: {  	s0 =	sshll.u32 s0, $0xB;
	s7 =	sadd.s32 $0x19080, s29;
	s28 =	simm.s32 $0x1A180  }
0x3b: {  	[tilespmem:s28], [sflag:$0x1] =	stream.indirect.gather [hbm4b:s5+s20], $0x80, s7, s20, $0xb8;
	[tilespmem:$0x1E380] =	vst v63  }
0x3c: {  	s29 =	sor.u32 $0x19180, s0;
	s0 =	sand.u32 $0x780, s24;
	_ =	swait.ge [sflag:s21], $0x4000  }
0x3d: {  	s0 =	sadd.s32 s0, s29;
	s7 =	sand.u32 $0x70, s24;
	[sflag:s21] =	ssyncset.done $0x0  }
0x3e: {  	s0 =	sadd.s32 s7, s0;
	[sflag:s21] =	ssyncadd.s32 $0xFFFFC000  }
0x3f: {  	v0 =	vld [tilespmem:s0+$0x0];
	_ =	sdelay $0x2  }
0x40: {  	v1 =	vld [tilespmem:s28+$0x0];
	_ =	sdelay $0x1  }
0x41: {  	s30 =	simm.s32 $0x10  }
0x42: {  	s31 =	simm.s32 $0x20;
	s0 =	sand.u32 $0x780, s30  }
.LBB2_11:
0x43: {  	p1 =	seq.s32 s31, $0x7F0;
	s7 =	sand.u32 $0x70, s30;
	s0 =	sadd.s32 s0, s29  }
0x44: {  	s30 =	smov.u32 s31;
	s0 =	sadd.s32 s7, s0;
	[tilespmem:v0+s3+$0x0] =	vst.idx.add.f32.msk $0xffff, v1  }
0x45: {  	v0 =	vld [tilespmem:s0+$0x0];
	_ =	sdelay $0x1  }
.Ltmp4:
0x46: {  	s28 =	sadd.s32 $0x80, s28;
	(pc) =	sbr.rel @!p1 .LBB2_11-.Ltmp4, $2  }
0x47: {  	v1 =	vld [tilespmem:s28+$0x0];
	_ =	sdelay $0x2  }
0x48: {  	s31 =	sadd.s32 $0x10, s31;
	s0 =	sand.u32 $0x780, s30  }
0x49: {  	_ =	sdelay $0x2  }
0x4a: {  	s7 =	sand.u32 $0x70, s30;
	s0 =	sadd.s32 s0, s29  }
0x4b: {  	s0 =	sadd.s32 s7, s0;
	[tilespmem:v0+s3+$0x0] =	vst.idx.add.f32.msk $0xffff, v1  }
0x4c: {  	v0 =	vld [tilespmem:s0+$0x0];
	_ =	sdelay $0x1  }
0x4d: {  	s31 =	sadd.s32 $0x80, s28  }
0x4e: {  	p1 =	seq.s32 s26, s23;
	v1 =	vld [tilespmem:s31+$0x0]  }
.Ltmp5:
0x4f: {  	_ = 	snop;
	(pc) =	sbr.rel @!p1 .LBB2_10-.Ltmp5, $2  }
0x50: {  	_ =	sdelay $0x2  }
0x51: {  	[tilespmem:v0+s3+$0x0] =	vst.idx.add.f32.msk $0xffff, v1  }
.Ltmp6:
0x52: {  	(pc) =	sbr.rel .LBB2_14-.Ltmp6, $2  }
0x53: {  	_ =	sdelay $0x2  }
0x54: {  	s0 =	smov.u32 s10  }
.LBB2_2:
.Ltmp7:
0x55: {  	(pc) =	sbr.rel @p1 .LBB2_14-.Ltmp7, $2  }
0x56: {  	_ =	sdelay $0x2  }
0x57: {  	s0 =	smov.u32 s9  }
0x58: {  	s0 =	sshll.u32 s25, $0x4  }
0x59: {  	s0 =	sand.u32 $0x1FFFFFF0, s0  }
0x5a: {  	s24 =	simm.s32 $0x0;
	s31 =	sshll.u32 s25, $0x8;
	s0 =	sadd.s32 s6, s0  }
0x5b: {  	[tilespmem:s17], [sflag:$0x2] =	stream.linear.gather [hbm4b:s0+s24], $0x80, $0x38;
	[tilespmem:$0x1E380] =	vst v63  }
0x5c: {  	s0 =	sand.u32 $0x1FFFFF00, s31  }
0x5d: {  	s25 =	sadd.s32 $0x1, s25;
	s26 =	simm.s32 $0x0;
	s0 =	sadd.s32 s8, s0  }
0x5e: {  	[tilespmem:s18], [sflag:$0x2] =	stream.linear.gather [hbm4b:s0+s24], $0x800, $0x38;
	[tilespmem:$0x1E380] =	vst v63  }
.LBB2_4:
0x5f: {  	_ =	swait.ge [sflag:s19], $0x80  }
0x60: {  	s0 =	smov.u32 s26;
	s26 =	sadd.s32 $0x1, s26;
	[sflag:s19] =	ssyncset.done $0x0  }
0x61: {  	p1 =	sge.s32 s26, s23;
	[sflag:s19] =	ssyncadd.s32 $0xFFFFFF80  }
0x62: {  	s28 =	sadd.s32 @!p1 s0, s25;
	s29 =	sand.u32 @!p1 $0x1, s26;
	s7 =	simm.s32 @!p1 $0x0  }
0x63: {  	s0 =	sand.u32 $0x1, s0;
	_ =	swait.ge [sflag:s19], $0x800;
	s30 =	sshll.u32 @!p1 s28, $0x4  }
0x64: {  	s31 =	sshll.u32 @!p1 s29, $0x7;
	s28 =	sshll.u32 @!p1 s28, $0x8;
	s29 =	sshll.u32 @!p1 s29, $0xB  }
0x65: {  	[sflag:s19] =	ssyncset.done $0x0;
	s30 =	sand.u32 @!p1 $0x1FFFFFF0, s30;
	s31 =	sadd.s32 @!p1 $0x19080, s31  }
0x66: {  	s28 =	sand.u32 @!p1 $0x1FFFFF00, s28;
	[sflag:s19] =	ssyncadd.s32 $0xFFFFF800;
	s30 =	sadd.s32 @!p1 s6, s30  }
0x67: {  	[tilespmem:s31], [sflag:$0x2] =	stream.linear.gather @!p1 [hbm4b:s30+s7], $0x80, $0x38;
	[tilespmem:$0x1E380] =	vst v63  }
0x68: {  	s29 =	sor.u32 @!p1 $0x19180, s29;
	s28 =	sadd.s32 @!p1 s8, s28;
	s30 =	sshll.u32 s0, $0x7  }
0x69: {  	[tilespmem:s29], [sflag:$0x2] =	stream.linear.gather @!p1 [hbm4b:s28+s7], $0x800, $0x38;
	[tilespmem:$0x1E380] =	vst v63  }
0x6a: {  	s0 =	sshll.u32 s0, $0xB;
	s7 =	sadd.s32 $0x19080, s30;
	s28 =	simm.s32 $0x1A180  }
0x6b: {  	[tilespmem:s28], [sflag:$0x1] =	stream.indirect.gather [hbm4b:s4+s20], $0x80, s7, s20, $0xb8;
	[tilespmem:$0x1E380] =	vst v63  }
0x6c: {  	s29 =	sor.u32 $0x19180, s0;
	s0 =	sand.u32 $0x780, s24;
	_ =	swait.ge [sflag:s21], $0x4000  }
0x6d: {  	s0 =	sadd.s32 s0, s29;
	s7 =	sand.u32 $0x70, s24;
	[sflag:s21] =	ssyncset.done $0x0  }
0x6e: {  	s0 =	sadd.s32 s7, s0;
	[sflag:s21] =	ssyncadd.s32 $0xFFFFC000  }
0x6f: {  	v0 =	vld [tilespmem:s0+$0x0];
	_ =	sdelay $0x2  }
0x70: {  	v1 =	vld [tilespmem:s28+$0x0];
	_ =	sdelay $0x1  }
0x71: {  	s30 =	simm.s32 $0x10  }
0x72: {  	s31 =	simm.s32 $0x20;
	s0 =	sand.u32 $0x780, s30  }
.LBB2_5:
0x73: {  	p1 =	seq.s32 s31, $0x7F0;
	s7 =	sand.u32 $0x70, s30;
	s0 =	sadd.s32 s0, s29  }
0x74: {  	s30 =	smov.u32 s31;
	s0 =	sadd.s32 s7, s0;
	[tilespmem:v0+s3+$0x0] =	vst.idx.add.f32.msk $0xffff, v1  }
0x75: {  	v0 =	vld [tilespmem:s0+$0x0];
	_ =	sdelay $0x1  }
.Ltmp8:
0x76: {  	s28 =	sadd.s32 $0x80, s28;
	(pc) =	sbr.rel @!p1 .LBB2_5-.Ltmp8, $2  }
0x77: {  	v1 =	vld [tilespmem:s28+$0x0];
	_ =	sdelay $0x2  }
0x78: {  	s31 =	sadd.s32 $0x10, s31;
	s0 =	sand.u32 $0x780, s30  }
0x79: {  	_ =	sdelay $0x2  }
0x7a: {  	s7 =	sand.u32 $0x70, s30;
	s0 =	sadd.s32 s0, s29  }
0x7b: {  	s0 =	sadd.s32 s7, s0;
	[tilespmem:v0+s3+$0x0] =	vst.idx.add.f32.msk $0xffff, v1  }
0x7c: {  	v0 =	vld [tilespmem:s0+$0x0];
	_ =	sdelay $0x1  }
0x7d: {  	s31 =	sadd.s32 $0x80, s28  }
0x7e: {  	p1 =	seq.s32 s26, s23;
	v1 =	vld [tilespmem:s31+$0x0]  }
.Ltmp9:
0x7f: {  	_ = 	snop;
	(pc) =	sbr.rel @!p1 .LBB2_4-.Ltmp9, $2  }
0x80: {  	_ =	sdelay $0x2  }
0x81: {  	[tilespmem:v0+s3+$0x0] =	vst.idx.add.f32.msk $0xffff, v1  }
.Ltmp10:
0x82: {  	(pc) =	sbr.rel .LBB2_14-.Ltmp10, $2  }
0x83: {  	_ =	sdelay $0x2  }
0x84: {  	s0 =	smov.u32 s9  }
.LBB2_15:
0x85: {  	_ =	sfence.sel $0x180000  }
0x86: {  	[bflag:$0x0] =	sbarrier.arrive $0xFFFF  }
0x87: {  	_ =	strace $0x90000053  }
0x88: {  	s0 =	stileid.u32;
	[bflag:$0x2] =	sbarrier.arrive $0xFFFF  }
0x89: {  	p0 =	sne.s32 s0, $0x0;
	s0 =	rddreg [dreg:$0x2]  }
0x8a: {  	s0 =	sadd.s32 @!p0 $0x100000, s0  }
0x8b: {  	[sflag:s0] =	ssyncadd.tile.s32 @!p0 $0x1;
	_ =	shalt  }
.Lfunc_end2:
_tile_overlayer_lowered:
.L_overlay_start_2:
0x8c: {  	(tag) =	ssettag $0x2  }
0x8d: {  	s0 =	rddreg [dreg:$0x0];
	s2 =	stileid.u32  }
0x8e: {  	s1 =	rddreg [dreg:$0x1];
	p0 =	sne.s32 s2, $0x0  }
0x8f: {  	s3 =	rddreg [dreg:$0x2];
	[bflag:$0x3] =	sbarrier.arrive $0xFFFF;
	s2 =	simm.s32 @!p0 $0x1C03  }
0x90: {  	[timem:s3], [sflag:s2] =	dma.local @!p0 [hbm:s0], s1  }
0x91: {  	s0 =	simm.s32 @!p0 $0x3  }
0x92: {  	_ =	swait.ge @!p0 [sflag:s0], s1  }
0x93: {  	s1 =	ssub.s32 @!p0 $0x0, s1;
	[sflag:s0] =	ssyncset.done @!p0 $0x0  }
0x94: {  	[sflag:s0] =	ssyncadd.s32 @!p0 s1  }
0x95: {  	[bflag:$0x3] =	sbarrier.arrive $0xFFFF  }
0x96: {  	_ =	shalt  }

// kernel: kernel.19.cloned.1.call-start
scs
__scs_entry_jumppad:
0x0: {  	(pc) =	sbr.rel $0x88, $3  }
0x1: {  	(tag) =	ssettag $0x0;
	lr =	simm.s32 $0x1  }
0x2: {  	[smem:$0x3F97] =	sst lr;
	_ =	strace $0xD0000000  }
0x3: {  	_ = 	snop  }
0x4: {  	_ = 	snop  }
0x5: {  	_ = 	snop  }
0x6: {  	_ = 	snop  }
0x7: {  	_ = 	snop  }
__scs_overlays_trampoline_lowered:
0x8: {  	[smem:$0x3FA6] =	sst s0  }
0x9: {  	[smem:$0x3FA7] =	sst s1  }
0xa: {  	[smem:$0x3FA8] =	sst s2  }
0xb: {  	[smem:$0x3FA9] =	sst s3  }
0xc: {  	[smem:$0x3FAA] =	sst s4  }
0xd: {  	[smem:$0x3FAB] =	sst s5  }
0xe: {  	[smem:$0x3FAC] =	sst s6  }
0xf: {  	[smem:$0x3FAD] =	sst s7  }
0x10: {  	[smem:$0x3FAE] =	sst s8  }
0x11: {  	[smem:$0x3FAF] =	sst s9;
	s0 =	simm.s32 @!p0 $0x0  }
0x12: {  	s1 =	sld [smem:$0x3F95];
	s0 =	simm.s32 @p0 $0x1  }
0x13: {  	[smem:$0x3FB0] =	sst s0;
	s0 =	simm.s32 @!p1 $0x0  }
0x14: {  	s2 =	sld [smem:$0x3F94];
	s0 =	simm.s32 @p1 $0x1  }
0x15: {  	[smem:$0x3FB1] =	sst s0;
	s0 =	simm.s32 @!p2 $0x0  }
0x16: {  	s3 =	sld [smem:$0x3FDB];
	s0 =	simm.s32 @p2 $0x1  }
0x17: {  	s4 =	simm.s32 $0x1BF5;
	[smem:$0x3FB3] =	sst s0  }
0x18: {  	s0 =	sld [smem:$0x3F96];
	_ =	swait.ge [sflag:s4], $0x0  }
0x19: {  	s7 =	sld [smem:$0x3F97]  }
0x1a: {  	s8 =	sadd.s32 $0xFFFFE003, lr  }
0x1b: {  	s9 =	sadd.s32 $0xFFFFFEF7, lr;
	s5 =	simm.s32 $0xFFFFFFFF;
	p2 =	slt.u32 s8, $0xFFFFF086  }
0x1c: {  	p1 =	slt.u32 s9, $0xF7A;
	s5 =	simm.s32 @!p2 $0x0  }
0x1d: {  	s5 =	simm.s32 @p1 $0x1;
	p0 =	seq.s32 s7, s2  }
0x1e: {  	s7 =	smul.u32 @!p0 $0xF7A, s2;
	p2 =	seq.s32 @!p0 s5, $0x0  }
0x1f: {  	s9 =	smul.u32 $0xF7A, s1;
	s8 =	simm.s32 @!p0 $0x1BF5;
	p2 =	por !p2, p0  }
0x20: {  	[sflag:s8] =	ssyncset.s32 @!p0 $0xFFFFF086;
	s6 =	sadd.s32 @!p0 s3, s7;
	s7 =	simm.s32 @!p0 $0x108  }
0x21: {  	s3 =	sadd.s32 s3, s9;
	s6 =	sadd.s32 @!p0 $0x88, s6;
	s7 =	simm.s32 @p2 $0x1082  }
0x22: {  	[simem:s7], [sflag:s8] =	dma.local @!p0 [hbm:s6], $0xF7A  }
0x23: {  	s9 =	sor.u32 $0xD0000000, s2;
	s6 =	simm.s32 $0x108;
	_ =	swait.ge @!p0 [sflag:s8], $0x0  }
0x24: {  	s3 =	sadd.s32 $0x88, s3;
	s6 =	simm.s32 @!p1 $0x1082;
	[sflag:s4] =	ssyncset.s32 $0xFFFFF086  }
0x25: {  	[simem:s6], [sflag:s4] =	dma.local [hbm:s3], $0xF7A  }
0x26: {  	[smem:$0x3F97] =	sst s1;
	(tag) =	ssettag s2;
	_ =	strace s9  }
0x27: {  	s1 =	sld [smem:$0x3FA7]  }
0x28: {  	s2 =	sld [smem:$0x3FA8]  }
0x29: {  	s4 =	sld [smem:$0x3FAA]  }
0x2a: {  	p0 =	seq.s32 s5, $0x0;
	s5 =	sld [smem:$0x3FAB]  }
0x2b: {  	s6 =	sld [smem:$0x3FAC]  }
0x2c: {  	s7 =	sld [smem:$0x3FAD]  }
0x2d: {  	s3 =	simm.s32 $0x108;
	s8 =	sld [smem:$0x3FAE]  }
0x2e: {  	s3 =	simm.s32 @!p0 $0x1082;
	s9 =	sld [smem:$0x3FAF]  }
0x2f: {  	lr =	sadd.s32 s0, s3;
	s0 =	sld [smem:$0x3FA6]  }
0x30: {  	s3 =	sld [smem:$0x3FA9]  }
0x31: {  	[smem:$0x3FB2] =	sst s10  }
0x32: {  	s10 =	sld [smem:$0x3FB0];
	_ =	sdelay $0x3  }
0x33: {  	p0 =	seq.s32 s10, $0x1;
	s10 =	sld [smem:$0x3FB2];
	_ =	sdelay $0x3  }
0x34: {  	[smem:$0x3FB2] =	sst s10  }
0x35: {  	s10 =	sld [smem:$0x3FB1];
	_ =	sdelay $0x3  }
0x36: {  	p1 =	seq.s32 s10, $0x1;
	s10 =	sld [smem:$0x3FB2];
	_ =	sdelay $0x3  }
0x37: {  	[smem:$0x3FB2] =	sst s10  }
0x38: {  	s10 =	sld [smem:$0x3FB3]  }
0x39: {  	_ = 	snop;
	(pc) =	sbr.ind lr, $3  }
0x3a: {  	_ = 	snop  }
0x3b: {  	_ = 	snop  }
0x3c: {  	p2 =	seq.s32 s10, $0x1;
	s10 =	sld [smem:$0x3FB2]  }
0x3d: {  	_ =	shalt  }
0x3e: {  	_ =	shalt  }
0x3f: {  	_ =	shalt  }
0x40: {  	_ =	shalt  }
0x41: {  	_ =	shalt  }
0x42: {  	_ =	shalt  }
0x43: {  	_ =	shalt  }
0x44: {  	_ =	shalt  }
0x45: {  	_ =	shalt  }
0x46: {  	_ =	shalt  }
0x47: {  	_ =	shalt  }
0x48: {  	_ =	shalt  }
0x49: {  	_ =	shalt  }
0x4a: {  	_ =	shalt  }
0x4b: {  	_ =	shalt  }
0x4c: {  	_ =	shalt  }
0x4d: {  	_ =	shalt  }
0x4e: {  	_ =	shalt  }
0x4f: {  	_ =	shalt  }
0x50: {  	_ =	shalt  }
0x51: {  	_ =	shalt  }
0x52: {  	_ =	shalt  }
0x53: {  	_ =	shalt  }
0x54: {  	_ =	shalt  }
0x55: {  	_ =	shalt  }
0x56: {  	_ =	shalt  }
0x57: {  	_ =	shalt  }
0x58: {  	_ =	shalt  }
0x59: {  	_ =	shalt  }
0x5a: {  	_ =	shalt  }
0x5b: {  	_ =	shalt  }
0x5c: {  	_ =	shalt  }
0x5d: {  	_ =	shalt  }
0x5e: {  	_ =	shalt  }
0x5f: {  	_ =	shalt  }
0x60: {  	_ =	shalt  }
0x61: {  	_ =	shalt  }
0x62: {  	_ =	shalt  }
0x63: {  	_ =	shalt  }
0x64: {  	_ =	shalt  }
0x65: {  	_ =	shalt  }
0x66: {  	_ =	shalt  }
0x67: {  	_ =	shalt  }
0x68: {  	_ =	shalt  }
0x69: {  	_ =	shalt  }
0x6a: {  	_ =	shalt  }
0x6b: {  	_ =	shalt  }
0x6c: {  	_ =	shalt  }
0x6d: {  	_ =	shalt  }
0x6e: {  	_ =	shalt  }
0x6f: {  	_ =	shalt  }
0x70: {  	_ =	shalt  }
0x71: {  	_ =	shalt  }
0x72: {  	_ =	shalt  }
0x73: {  	_ =	shalt  }
0x74: {  	_ =	shalt  }
0x75: {  	_ =	shalt  }
0x76: {  	_ =	shalt  }
0x77: {  	_ =	shalt  }
0x78: {  	_ =	shalt  }
0x79: {  	_ =	shalt  }
0x7a: {  	_ =	shalt  }
0x7b: {  	_ =	shalt  }
0x7c: {  	_ =	shalt  }
0x7d: {  	_ =	shalt  }
0x7e: {  	_ =	shalt  }
0x7f: {  	_ =	shalt  }
0x80: {  	_ =	shalt  }
0x81: {  	_ =	shalt  }
0x82: {  	_ =	shalt  }
0x83: {  	_ =	shalt  }
0x84: {  	_ =	shalt  }
0x85: {  	_ =	shalt  }
0x86: {  	_ =	shalt  }
0x87: {  	_ =	shalt  }
.Lfunc_end0:
.L_simem_size_0:
called_computation.5_lowered:
.L_overlay_start_0:
0x88: {  	s2 =	sld [smem:$0x3FD9]  }
0x89: {  	s3 =	sld [smem:$0x3FFE];
	_ =	sdelay $0x1  }
0x8a: {  	s1 =	srdreg.scid  }
0x8b: {  	s0 =	sand.u32 $0x1, s1  }
0x8c: {  	s17 =	sshll.u32 s0, $0xA;
	s2 =	sadd.s32 s3, s2  }
0x8d: {  	s2 =	sadd.s32 s2, s17  }
0x8e: {  	[smem:$0x3FBE] =	sst s2  }
0x8f: {  	_ = 	snop  }
0x90: {  	s2 =	sld [smem:$0x3FD0];
	(tm) =	ssettm $0x1  }
0x91: {  	s18 =	sld [smem:$0x3FFB];
	_ =	sdelay $0x3  }
0x92: {  	_ =	strace s18  }
0x93: {  	s3 =	sld [smem:$0x3FFC];
	_ =	sdelay $0x3  }
0x94: {  	_ =	strace s3  }
0x95: {  	s3 =	sld [smem:$0x3FFD];
	_ =	sdelay $0x3  }
0x96: {  	_ =	strace s3  }
0x97: {  	_ =	strace $0x8FFFFFFF  }
0x98: {  	s19 =	sld [smem:$0x3FDB];
	_ =	sdelay $0x1  }
0x99: {  	s4 =	simm.s32 $_scs_section_size  }
0x9a: {  	s5 =	simm.s32 $_size__tile_overlayer_lowered;
	s6 =	simm.s32 $_tile_overlayer_lowered  }
0x9b: {  	s22 =	simm.s32 $0x1BFF;
	s21 =	sshll.u32 s6, $0x1;
	s3 =	sadd.s32 s4, s19  }
0x9c: {  	s7 =	simm.s32 $0x0;
	s20 =	sshll.u32 s5, $0x1;
	s5 =	sadd.s32 s21, s3  }
0x9d: {  	[timem:s7], [sflag:s22] =	dma.local [hbm:s5], s20  }
0x9e: {  	_ =	swait.ge [sflag:s22], s20  }
0x9f: {  	s4 =	ssub.s32 $0x0, s20;
	[sflag:s22] =	ssyncset.done $0x0  }
0xa0: {  	[sflag:s22] =	ssyncadd.s32 s4;
	_ =	sdelay $0x1  }
0xa1: {  	s23 =	simm.s32 $0x1B8B  }
0xa2: {  	_ =	swait.ge [sflag:s23], $0x1  }
0xa3: {  	[sflag:s23] =	ssyncset.done $0x0  }
0xa4: {  	s25 =	simm.s32 $0x1B8E;
	s24 =	sld [smem:$0x3FFE];
	[sflag:s23] =	ssyncadd.s32 $0xFFFFFFFF  }
0xa5: {  	s26 =	simm.s32 $execute0_lowered;
	[smem:$0x3FD2] =	sst s25  }
0xa6: {  	s5 =	sshll.u32 s26, $0x1;
	_ =	strace $0x80000055;
	[dreg:$0x1] =	wrdreg $0xFFFFFFFF  }
0xa7: {  	s28 =	simm.s32 $_size_execute0_lowered;
	s3 =	sadd.s32 s3, s5;
	[dreg:$0x0] =	wrdreg $0x0  }
0xa8: {  	s5 =	sshll.u32 s28, $0x1;
	[dreg:$0x2] =	wrdreg s3  }
0xa9: {  	[dreg:$0x3] =	wrdreg s5  }
0xaa: {  	[dreg:$0x4] =	wrdreg $0xC0  }
0xab: {  	_ =	task [dreg:s7], $0x5FFFF  }
0xac: {  	[dreg:$0x1] =	wrdreg $0xFFFFFFFF  }
0xad: {  	[dreg:$0x0] =	wrdreg $0x60  }
0xae: {  	[dreg:$0x2] =	wrdreg s24  }
0xaf: {  	[dreg:$0x3] =	wrdreg s2  }
0xb0: {  	[dreg:$0x4] =	wrdreg $0x9  }
0xb1: {  	_ =	task.clear_ibuf [dreg:s7], $0x5FFFF;
	_ =	strace $0x90000055  }
0xb2: {  	s29 =	simm.s32 $0x9;
	_ =	strace $0x80000057  }
0xb3: {  	_ =	swait.ge [sflag:s29], $0x1  }
0xb4: {  	[sflag:s29] =	ssyncadd.s32 $0xFFFFFFFF  }
0xb5: {  	_ =	strace $0x90000057  }
0xb6: {  	_ =	sfence  }
0xb7: {  	s30 =	sld [smem:$0x0];
	_ =	sdelay $0x2  }
0xb8: {  	s31 =	sshll.u32 s1, $0xD;
	s1 =	sshrl.u32 s1, $0x2  }
0xb9: {  	s3 =	sand.u32 $0x4000, s31;
	s1 =	sadd.s32 s1, s30  }
0xba: {  	s0 =	sor.u32 s3, s0;
	s1 =	sshll.u32 s1, $0x11  }
0xbb: {  	s0 =	sor.u32 s1, s0  }
0xbc: {  	s0 =	sadd.s32 $0x8F2B, s0  }
0xbd: {  	[sflag:s0] =	ssyncadd.remote.s32 $0x1  }
0xbe: {  	_ =	sfence.sel $0xFFFF  }
0xbf: {  	[dreg:$0x0] =	wrdreg $0xFFFFFFFF;
	(pc) =	sbr.abs _section_cstart, $3  }
0xc0: {  	[dreg:$0x1] =	wrdreg $0xFFFFFFFF  }
0xc1: {  	_ =	task.clear_ibuf [dreg:s7], $0x2FFFF;
	_ =	strace $0x9FFFFFFF  }
0xc2: {  	(tm) =	ssettm $0x7FFFFFFF  }
0xc3: {  	_ =	shalt  }
tec
execute0_lowered:
.L_overlay_start_1:
0x0: {  	(tag) =	ssettag $0x1  }
0x1: {  	s1 =	rddreg [dreg:$0x0]  }
0x2: {  	s2 =	rddreg [dreg:$0x1]  }
0x3: {  	s3 =	simm.s32 $0x0;
	s0 =	srdreg.scid;
	s7 =	stileid.u32  }
0x4: {  	s14 =	simm.s32 $0x3;
	s15 =	simm.s32 $0x1E180;
	s17 =	simm.s32 $0x19080  }
0x5: {  	s18 =	simm.s32 $0x19180;
	s19 =	simm.s32 $0x2;
	s20 =	simm.s32 $0x80  }
0x6: {  	s21 =	simm.s32 $0x1;
	s22 =	simm.s32 $0x0;
	s4 =	sadd.s32 $0x1C1200, s1  }
0x7: {  	[smem:$0x7FF] =	sst s3;
	s5 =	sadd.s32 $0xBDCA00, s1;
	s6 =	sadd.s32 $0x200, s1  }
.Ltmp0:
0x8: {  	s0 =	sand.u32 $0x1, s0;
	s8 =	sadd.s32 $0x1936000, s1;
	(pc) =	sbr.rel .LBB2_1-.Ltmp0, $4  }
0x9: {  	s9 =	sadd.s32 $0x351200, s1;
	s10 =	sadd.s32 $0x383200, s1;
	s11 =	ssub.s32 $0x2, s0  }
0xa: {  	s31 =	sshll.u32 s7, $0x6;
	_ =	strace $0x80000056;
	s12 =	sshrl.u32 s11, $0x1  }
0xb: {  	p0 =	seq.s32 s0, $0x1;
	s16 =	sshrl.u32 s31, $0x2;
	s13 =	ssub.s32 s11, s12  }
0xc: {  	s11 =	sshll.u32 s7, $0x4;
	s12 =	smul.u32 $0x3200, s7;
	s13 =	smax.u32 s13, $0x1  }
.LBB2_14:
0xd: {  	s22 =	sadd.s32 $0x1, s22  }
0xe: {  	p1 =	sne.s32 s22, s13  }
.Ltmp1:
0xf: {  	s0 =	sadd.s32 s0, s12;
	(pc) =	sbr.rel @!p1 .LBB2_15-.Ltmp1, $4  }
0x10: {  	[hbm4b:s0+s3] =	stream.linear.scatter [tilespmem:s3], [sflag:$0x3], $0x19000, $0x38;
	[tilespmem:$0x1E380] =	vst v63  }
0x11: {  	_ =	swait.ge [sflag:s14], $0x19000  }
0x12: {  	[sflag:s14] =	ssyncset.done $0x0  }
0x13: {  	[sflag:s14] =	ssyncadd.s32 $0xFFFE7000  }
.LBB2_1:
0x14: {  	[tilespmem:s3], [sflag:$0x3] =	stream.linear.gather [hbm4b:s2+s3], $0x19080, $0x38;
	[tilespmem:$0x1E380] =	vst v63  }
0x15: {  	_ =	swait.ge [sflag:s14], $0x19080  }
0x16: {  	[sflag:s14] =	ssyncset.done $0x0  }
0x17: {  	[sflag:s14] =	ssyncadd.s32 $0xFFFE6F80  }
0x18: {  	[tilespmem:s15], [sflag:$0x3] =	stream.linear.gather [hbm4b:s1+s3], $0x200, $0x38;
	[tilespmem:$0x1E380] =	vst v63  }
0x19: {  	_ =	swait.ge [sflag:s14], $0x200  }
0x1a: {  	[sflag:s14] =	ssyncset.done $0x0  }
0x1b: {  	[sflag:s14] =	ssyncadd.s32 $0xFFFFFE00  }
0x1c: {  	v0 =	vld [tilespmem:s16+$0x1E180]  }
0x1d: {  	v1 =	vld [tilespmem:s11+$0x1E280];
	_ =	sdelay $0x3  }
0x1e: {  	(v2sf) =	vpush v0, $0x0  }
0x1f: {  	(v2sf) =	vpush v1, $0x0;
	_ =	sdelay $0xb  }
.Ltmp2:
0x20: {  	_ = 	snop;
	(pc) =	sbr.rel @!p0 .LBB2_2-.Ltmp2, $4  }
0x21: {  	_ = 	snop  }
0x22: {  	s25 =	spop (v2sf)  }
0x23: {  	s23 =	spop (v2sf)  }
0x24: {  	p1 =	slt.s32 s23, $0x1  }
.Ltmp3:
0x25: {  	(pc) =	sbr.rel @p1 .LBB2_14-.Ltmp3, $2  }
0x26: {  	_ =	sdelay $0x2  }
0x27: {  	s0 =	smov.u32 s10  }
0x28: {  	s0 =	sshll.u32 s25, $0x4  }
0x29: {  	s0 =	sand.u32 $0x1FFFFFF0, s0  }
0x2a: {  	s24 =	simm.s32 $0x0;
	s31 =	sshll.u32 s25, $0x8;
	s0 =	sadd.s32 s6, s0  }
0x2b: {  	[tilespmem:s17], [sflag:$0x2] =	stream.linear.gather [hbm4b:s0+s24], $0x80, $0x38;
	[tilespmem:$0x1E380] =	vst v63  }
0x2c: {  	s0 =	sand.u32 $0x1FFFFF00, s31  }
0x2d: {  	s25 =	sadd.s32 $0x1, s25;
	s26 =	simm.s32 $0x0;
	s0 =	sadd.s32 s8, s0  }
0x2e: {  	[tilespmem:s18], [sflag:$0x2] =	stream.linear.gather [hbm4b:s0+s24], $0x800, $0x38;
	[tilespmem:$0x1E380] =	vst v63  }
.LBB2_10:
0x2f: {  	_ =	swait.ge [sflag:s19], $0x80  }
0x30: {  	s0 =	smov.u32 s26;
	s26 =	sadd.s32 $0x1, s26;
	[sflag:s19] =	ssyncset.done $0x0  }
0x31: {  	p1 =	sge.s32 s26, s23;
	[sflag:s19] =	ssyncadd.s32 $0xFFFFFF80  }
0x32: {  	s7 =	sadd.s32 @!p1 s0, s25;
	s28 =	sand.u32 @!p1 $0x1, s26;
	s31 =	simm.s32 @!p1 $0x0  }
0x33: {  	s0 =	sand.u32 $0x1, s0;
	_ =	swait.ge [sflag:s19], $0x800;
	s29 =	sshll.u32 @!p1 s7, $0x4  }
0x34: {  	s30 =	sshll.u32 @!p1 s28, $0x7;
	s7 =	sshll.u32 @!p1 s7, $0x8;
	s28 =	sshll.u32 @!p1 s28, $0xB  }
0x35: {  	[sflag:s19] =	ssyncset.done $0x0;
	s29 =	sand.u32 @!p1 $0x1FFFFFF0, s29;
	s30 =	sadd.s32 @!p1 $0x19080, s30  }
0x36: {  	s7 =	sand.u32 @!p1 $0x1FFFFF00, s7;
	[sflag:s19] =	ssyncadd.s32 $0xFFFFF800;
	s29 =	sadd.s32 @!p1 s6, s29  }
0x37: {  	[tilespmem:s30], [sflag:$0x2] =	stream.linear.gather @!p1 [hbm4b:s29+s31], $0x80, $0x38;
	[tilespmem:$0x1E380] =	vst v63  }
0x38: {  	s28 =	sor.u32 @!p1 $0x19180, s28;
	s7 =	sadd.s32 @!p1 s8, s7;
	s29 =	sshll.u32 s0, $0x7  }
0x39: {  	[tilespmem:s28], [sflag:$0x2] =	stream.linear.gather @!p1 [hbm4b:s7+s31], $0x800, $0x38;
	[tilespmem:$0x1E380] =	vst v63  }
0x3a: {  	s0 =	sshll.u32 s0, $0xB;
	s7 =	sadd.s32 $0x19080, s29;
	s28 =	simm.s32 $0x1A180  }
0x3b: {  	[tilespmem:s28], [sflag:$0x1] =	stream.indirect.gather [hbm4b:s5+s20], $0x80, s7, s20, $0xb8;
	[tilespmem:$0x1E380] =	vst v63  }
0x3c: {  	s29 =	sor.u32 $0x19180, s0;
	s0 =	sand.u32 $0x780, s24;
	_ =	swait.ge [sflag:s21], $0x4000  }
0x3d: {  	s0 =	sadd.s32 s0, s29;
	s7 =	sand.u32 $0x70, s24;
	[sflag:s21] =	ssyncset.done $0x0  }
0x3e: {  	s0 =	sadd.s32 s7, s0;
	[sflag:s21] =	ssyncadd.s32 $0xFFFFC000  }
0x3f: {  	v0 =	vld [tilespmem:s0+$0x0];
	_ =	sdelay $0x2  }
0x40: {  	v1 =	vld [tilespmem:s28+$0x0];
	_ =	sdelay $0x1  }
0x41: {  	s30 =	simm.s32 $0x10  }
0x42: {  	s31 =	simm.s32 $0x20;
	s0 =	sand.u32 $0x780, s30  }
.LBB2_11:
0x43: {  	p1 =	seq.s32 s31, $0x7F0;
	s7 =	sand.u32 $0x70, s30;
	s0 =	sadd.s32 s0, s29  }
0x44: {  	s30 =	smov.u32 s31;
	s0 =	sadd.s32 s7, s0;
	[tilespmem:v0+s3+$0x0] =	vst.idx.add.f32.msk $0xffff, v1  }
0x45: {  	v0 =	vld [tilespmem:s0+$0x0];
	_ =	sdelay $0x1  }
.Ltmp4:
0x46: {  	s28 =	sadd.s32 $0x80, s28;
	(pc) =	sbr.rel @!p1 .LBB2_11-.Ltmp4, $2  }
0x47: {  	v1 =	vld [tilespmem:s28+$0x0];
	_ =	sdelay $0x2  }
0x48: {  	s31 =	sadd.s32 $0x10, s31;
	s0 =	sand.u32 $0x780, s30  }
0x49: {  	_ =	sdelay $0x2  }
0x4a: {  	s7 =	sand.u32 $0x70, s30;
	s0 =	sadd.s32 s0, s29  }
0x4b: {  	s0 =	sadd.s32 s7, s0;
	[tilespmem:v0+s3+$0x0] =	vst.idx.add.f32.msk $0xffff, v1  }
0x4c: {  	v0 =	vld [tilespmem:s0+$0x0];
	_ =	sdelay $0x1  }
0x4d: {  	s31 =	sadd.s32 $0x80, s28  }
0x4e: {  	p1 =	seq.s32 s26, s23;
	v1 =	vld [tilespmem:s31+$0x0]  }
.Ltmp5:
0x4f: {  	_ = 	snop;
	(pc) =	sbr.rel @!p1 .LBB2_10-.Ltmp5, $2  }
0x50: {  	_ =	sdelay $0x2  }
0x51: {  	[tilespmem:v0+s3+$0x0] =	vst.idx.add.f32.msk $0xffff, v1  }
.Ltmp6:
0x52: {  	(pc) =	sbr.rel .LBB2_14-.Ltmp6, $2  }
0x53: {  	_ =	sdelay $0x2  }
0x54: {  	s0 =	smov.u32 s10  }
.LBB2_2:
.Ltmp7:
0x55: {  	(pc) =	sbr.rel @p1 .LBB2_14-.Ltmp7, $2  }
0x56: {  	_ =	sdelay $0x2  }
0x57: {  	s0 =	smov.u32 s9  }
0x58: {  	s0 =	sshll.u32 s25, $0x4  }
0x59: {  	s0 =	sand.u32 $0x1FFFFFF0, s0  }
0x5a: {  	s24 =	simm.s32 $0x0;
	s31 =	sshll.u32 s25, $0x8;
	s0 =	sadd.s32 s6, s0  }
0x5b: {  	[tilespmem:s17], [sflag:$0x2] =	stream.linear.gather [hbm4b:s0+s24], $0x80, $0x38;
	[tilespmem:$0x1E380] =	vst v63  }
0x5c: {  	s0 =	sand.u32 $0x1FFFFF00, s31  }
0x5d: {  	s25 =	sadd.s32 $0x1, s25;
	s26 =	simm.s32 $0x0;
	s0 =	sadd.s32 s8, s0  }
0x5e: {  	[tilespmem:s18], [sflag:$0x2] =	stream.linear.gather [hbm4b:s0+s24], $0x800, $0x38;
	[tilespmem:$0x1E380] =	vst v63  }
.LBB2_4:
0x5f: {  	_ =	swait.ge [sflag:s19], $0x80  }
0x60: {  	s0 =	smov.u32 s26;
	s26 =	sadd.s32 $0x1, s26;
	[sflag:s19] =	ssyncset.done $0x0  }
0x61: {  	p1 =	sge.s32 s26, s23;
	[sflag:s19] =	ssyncadd.s32 $0xFFFFFF80  }
0x62: {  	s28 =	sadd.s32 @!p1 s0, s25;
	s29 =	sand.u32 @!p1 $0x1, s26;
	s7 =	simm.s32 @!p1 $0x0  }
0x63: {  	s0 =	sand.u32 $0x1, s0;
	_ =	swait.ge [sflag:s19], $0x800;
	s30 =	sshll.u32 @!p1 s28, $0x4  }
0x64: {  	s31 =	sshll.u32 @!p1 s29, $0x7;
	s28 =	sshll.u32 @!p1 s28, $0x8;
	s29 =	sshll.u32 @!p1 s29, $0xB  }
0x65: {  	[sflag:s19] =	ssyncset.done $0x0;
	s30 =	sand.u32 @!p1 $0x1FFFFFF0, s30;
	s31 =	sadd.s32 @!p1 $0x19080, s31  }
0x66: {  	s28 =	sand.u32 @!p1 $0x1FFFFF00, s28;
	[sflag:s19] =	ssyncadd.s32 $0xFFFFF800;
	s30 =	sadd.s32 @!p1 s6, s30  }
0x67: {  	[tilespmem:s31], [sflag:$0x2] =	stream.linear.gather @!p1 [hbm4b:s30+s7], $0x80, $0x38;
	[tilespmem:$0x1E380] =	vst v63  }
0x68: {  	s29 =	sor.u32 @!p1 $0x19180, s29;
	s28 =	sadd.s32 @!p1 s8, s28;
	s30 =	sshll.u32 s0, $0x7  }
0x69: {  	[tilespmem:s29], [sflag:$0x2] =	stream.linear.gather @!p1 [hbm4b:s28+s7], $0x800, $0x38;
	[tilespmem:$0x1E380] =	vst v63  }
0x6a: {  	s0 =	sshll.u32 s0, $0xB;
	s7 =	sadd.s32 $0x19080, s30;
	s28 =	simm.s32 $0x1A180  }
0x6b: {  	[tilespmem:s28], [sflag:$0x1] =	stream.indirect.gather [hbm4b:s4+s20], $0x80, s7, s20, $0xb8;
	[tilespmem:$0x1E380] =	vst v63  }
0x6c: {  	s29 =	sor.u32 $0x19180, s0;
	s0 =	sand.u32 $0x780, s24;
	_ =	swait.ge [sflag:s21], $0x4000  }
0x6d: {  	s0 =	sadd.s32 s0, s29;
	s7 =	sand.u32 $0x70, s24;
	[sflag:s21] =	ssyncset.done $0x0  }
0x6e: {  	s0 =	sadd.s32 s7, s0;
	[sflag:s21] =	ssyncadd.s32 $0xFFFFC000  }
0x6f: {  	v0 =	vld [tilespmem:s0+$0x0];
	_ =	sdelay $0x2  }
0x70: {  	v1 =	vld [tilespmem:s28+$0x0];
	_ =	sdelay $0x1  }
0x71: {  	s30 =	simm.s32 $0x10  }
0x72: {  	s31 =	simm.s32 $0x20;
	s0 =	sand.u32 $0x780, s30  }
.LBB2_5:
0x73: {  	p1 =	seq.s32 s31, $0x7F0;
	s7 =	sand.u32 $0x70, s30;
	s0 =	sadd.s32 s0, s29  }
0x74: {  	s30 =	smov.u32 s31;
	s0 =	sadd.s32 s7, s0;
	[tilespmem:v0+s3+$0x0] =	vst.idx.add.f32.msk $0xffff, v1  }
0x75: {  	v0 =	vld [tilespmem:s0+$0x0];
	_ =	sdelay $0x1  }
.Ltmp8:
0x76: {  	s28 =	sadd.s32 $0x80, s28;
	(pc) =	sbr.rel @!p1 .LBB2_5-.Ltmp8, $2  }
0x77: {  	v1 =	vld [tilespmem:s28+$0x0];
	_ =	sdelay $0x2  }
0x78: {  	s31 =	sadd.s32 $0x10, s31;
	s0 =	sand.u32 $0x780, s30  }
0x79: {  	_ =	sdelay $0x2  }
0x7a: {  	s7 =	sand.u32 $0x70, s30;
	s0 =	sadd.s32 s0, s29  }
0x7b: {  	s0 =	sadd.s32 s7, s0;
	[tilespmem:v0+s3+$0x0] =	vst.idx.add.f32.msk $0xffff, v1  }
0x7c: {  	v0 =	vld [tilespmem:s0+$0x0];
	_ =	sdelay $0x1  }
0x7d: {  	s31 =	sadd.s32 $0x80, s28  }
0x7e: {  	p1 =	seq.s32 s26, s23;
	v1 =	vld [tilespmem:s31+$0x0]  }
.Ltmp9:
0x7f: {  	_ = 	snop;
	(pc) =	sbr.rel @!p1 .LBB2_4-.Ltmp9, $2  }
0x80: {  	_ =	sdelay $0x2  }
0x81: {  	[tilespmem:v0+s3+$0x0] =	vst.idx.add.f32.msk $0xffff, v1  }
.Ltmp10:
0x82: {  	(pc) =	sbr.rel .LBB2_14-.Ltmp10, $2  }
0x83: {  	_ =	sdelay $0x2  }
0x84: {  	s0 =	smov.u32 s9  }
.LBB2_15:
0x85: {  	_ =	sfence.sel $0x180000  }
0x86: {  	[bflag:$0x0] =	sbarrier.arrive $0xFFFF  }
0x87: {  	_ =	strace $0x90000056  }
0x88: {  	s0 =	stileid.u32;
	[bflag:$0x2] =	sbarrier.arrive $0xFFFF  }
0x89: {  	p0 =	sne.s32 s0, $0x0;
	s0 =	rddreg [dreg:$0x2]  }
0x8a: {  	s0 =	sadd.s32 @!p0 $0x100000, s0  }
0x8b: {  	[sflag:s0] =	ssyncadd.tile.s32 @!p0 $0x1;
	_ =	shalt  }
.Lfunc_end2:
_tile_overlayer_lowered:
.L_overlay_start_2:
0x8c: {  	(tag) =	ssettag $0x2  }
0x8d: {  	s0 =	rddreg [dreg:$0x0];
	s2 =	stileid.u32  }
0x8e: {  	s1 =	rddreg [dreg:$0x1];
	p0 =	sne.s32 s2, $0x0  }
0x8f: {  	s3 =	rddreg [dreg:$0x2];
	[bflag:$0x3] =	sbarrier.arrive $0xFFFF;
	s2 =	simm.s32 @!p0 $0x1C03  }
0x90: {  	[timem:s3], [sflag:s2] =	dma.local @!p0 [hbm:s0], s1  }
0x91: {  	s0 =	simm.s32 @!p0 $0x3  }
0x92: {  	_ =	swait.ge @!p0 [sflag:s0], s1  }
0x93: {  	s1 =	ssub.s32 @!p0 $0x0, s1;
	[sflag:s0] =	ssyncset.done @!p0 $0x0  }
0x94: {  	[sflag:s0] =	ssyncadd.s32 @!p0 s1  }
0x95: {  	[bflag:$0x3] =	sbarrier.arrive $0xFFFF  }
0x96: {  	_ =	shalt  }

</sc_bundles>
